<compile_context>
chip_gen: v7x
topology: tpu7x:2x2x1
jax: 0.10.2.dev20260603
libtpu: 0.0.44.dev20260713+nightly
codegen_flags: <defaults>
</compile_context>

<pallas_src>
import functools

import jax
import jax.numpy as jnp
from jax import lax
from jax.experimental import pallas as pl
from jax.experimental.pallas import tpu as pltpu
from jax.experimental.pallas import tpu_sc as plsc

SIZE = 256
HALF_EXTENT = 3.0
N_POINTS = 4194304

NC = 2
NS = 16
L = 16
NW = NC * NS
C = 2048
PER_W = N_POINTS // NW
N_CH = PER_W // C

KS = SIZE / (2.0 * HALF_EXTENT)
KO = (SIZE - 1.0) / 2.0


def _sc_grid_sample(cx, cy, cz, data_flat):
    mesh = plsc.VectorSubcoreMesh(core_axis_name="c", subcore_axis_name="s")

    scratch = [pltpu.VMEM((C,), jnp.float32) for _ in range(6)]
    scratch += [pltpu.VMEM((8 * C,), jnp.int32) for _ in range(2)]
    scratch += [pltpu.VMEM((8 * C,), jnp.float32) for _ in range(2)]
    scratch += [pltpu.VMEM((8 * C,), jnp.float32) for _ in range(2)]
    scratch += [pltpu.VMEM((C,), jnp.float32)]
    scratch += [pltpu.SemaphoreType.DMA for _ in range(4)]

    @functools.partial(
        pl.kernel,
        mesh=mesh,
        out_type=jax.ShapeDtypeStruct((N_POINTS,), jnp.float32),
        scratch_types=scratch,
    )
    def k(cx_hbm, cy_hbm, cz_hbm, data_hbm, out_hbm, *rest):
        c_hbm = (cx_hbm, cy_hbm, cz_hbm)
        coord_ab = (rest[0:3], rest[3:6])
        idx_ab = rest[6:8]
        val_ab = rest[8:10]
        w_ab = rest[10:12]
        out_b = rest[12]
        gsem = rest[13:15]
        csem = rest[15:17]

        wid = lax.axis_index("s") * NC + lax.axis_index("c")

        def fire_coords(i, p):
            base = wid * PER_W + i * C
            for comp in range(3):
                pltpu.async_copy(
                    c_hbm[comp].at[pl.ds(base, C)], coord_ab[p][comp], csem[p])

        def drain_coords(i, p):
            base = wid * PER_W + i * C
            for comp in range(3):
                pltpu.make_async_copy(
                    c_hbm[comp].at[pl.ds(base, C)], coord_ab[p][comp],
                    csem[p]).wait()

        def compute(p):
            coord_b = coord_ab[p]
            idx_b = idx_ab[p]
            w_b = w_ab[p]

            def jbody(j, carry):
                pb = j * L
                axes = []
                for comp in range(3):
                    cc = coord_b[comp][pl.ds(pb, L)]
                    t = cc * KS + KO
                    ti = t.astype(jnp.int32)
                    i0 = jnp.where(ti.astype(jnp.float32) > t, ti - 1, ti)
                    f = t - i0.astype(jnp.float32)
                    v0 = (i0 >= 0) & (i0 <= SIZE - 1)
                    v1 = (i0 >= -1) & (i0 <= SIZE - 2)
                    c0 = jnp.minimum(jnp.maximum(i0, 0), SIZE - 1)
                    c1 = jnp.minimum(jnp.maximum(i0 + 1, 0), SIZE - 1)
                    w0 = jnp.where(v0, 1.0 - f, 0.0)
                    w1 = jnp.where(v1, f, 0.0)
                    axes.append((c0, c1, w0, w1))
                (cx0, cx1, wx0, wx1) = axes[0]
                (cy0, cy1, wy0, wy1) = axes[1]
                (cz0, cz1, wz0, wz1) = axes[2]
                for dz in (0, 1):
                    zb = (cz1 if dz else cz0) * (SIZE * SIZE)
                    wz = wz1 if dz else wz0
                    for dy in (0, 1):
                        rb = zb + (cy1 if dy else cy0) * SIZE
                        wzy = wz * (wy1 if dy else wy0)
                        for dx in (0, 1):
                            kk = dz * 4 + dy * 2 + dx
                            idx_b[pl.ds(kk * C + pb, L)] = rb + (cx1 if dx else cx0)
                            w_b[pl.ds(kk * C + pb, L)] = wzy * (wx1 if dx else wx0)
                return carry

            lax.fori_loop(0, C // L, jbody, 0)

        def fire(p):
            pltpu.async_copy(data_hbm.at[idx_ab[p]], val_ab[p], gsem[p])

        def drain(p):
            pltpu.make_async_copy(data_hbm.at[idx_ab[p]], val_ab[p], gsem[p]).wait()

        def combine_store(i, p):
            val_b, w_b = val_ab[p], w_ab[p]

            def jbody(j, carry):
                pb = j * L
                acc = w_b[pl.ds(pb, L)] * val_b[pl.ds(pb, L)]
                for kk in range(1, 8):
                    s = kk * C + pb
                    acc = acc + w_b[pl.ds(s, L)] * val_b[pl.ds(s, L)]
                out_b[pl.ds(pb, L)] = acc
                return carry

            lax.fori_loop(0, C // L, jbody, 0)
            base = wid * PER_W + i * C
            pltpu.sync_copy(out_b, out_hbm.at[pl.ds(base, C)])

        def half(i, p):
            drain_coords(i, p)
            fire_coords(i + 1, 1 - p)
            compute(p)
            drain(1 - p)
            fire(p)
            combine_store(i - 1, 1 - p)

        fire_coords(0, 0)
        drain_coords(0, 0)
        fire_coords(1, 1)
        compute(0)
        fire(0)

        def body(s, carry):
            i = 2 * s + 1
            half(i, 1)
            half(i + 1, 0)
            return carry

        lax.fori_loop(0, (N_CH - 2) // 2, body, 0)

        drain_coords(N_CH - 1, 1)
        compute(1)
        drain(0)
        fire(1)
        combine_store(N_CH - 2, 0)
        drain(1)
        combine_store(N_CH - 1, 1)

    return k(cx, cy, cz, data_flat)


def kernel(x, data):
    x_shape = x.shape
    xf = x.reshape(-1, 3)
    df = data.reshape(-1)
    out = _sc_grid_sample(xf[:, 0], xf[:, 1], xf[:, 2], df)
    return out.reshape(x_shape[:-1])

# --- scband reference (transcript-rebuilt; emitter-appended) ---
"""Pipeline reference for scband-direct-image-field-9285719294007 (READ-ONLY COPY).

The authoritative reference and input builder live on the scoring server;
editing this copy changes nothing except your own understanding.
"""

import jax, jax.numpy as jnp
import numpy as np

SIZE = 256
HALF_EXTENT = 3.0  # max(extent)/2 with extent=[6,6,6]
N_POINTS = 4194304


def _grid_sample_3d(data, coords):
    # data: [D, H, W]; coords: [N, 3] in [-1, 1], ordered (x, y, z) -> (W, H, D)
    # Emulates torch.nn.functional.grid_sample(mode='bilinear', padding_mode='zeros',
    # align_corners=False) for 5D inputs (trilinear).
    D, H, W = data.shape
    cx = coords[:, 0]
    cy = coords[:, 1]
    cz = coords[:, 2]
    ix = ((cx + 1.0) * W - 1.0) / 2.0
    iy = ((cy + 1.0) * H - 1.0) / 2.0
    iz = ((cz + 1.0) * D - 1.0) / 2.0
    x0 = jnp.floor(ix)
    y0 = jnp.floor(iy)
    z0 = jnp.floor(iz)
    tx = ix - x0
    ty = iy - y0
    tz = iz - z0
    out = jnp.zeros(coords.shape[0], dtype=data.dtype)
    for dz in (0, 1):
        for dy in (0, 1):
            for dx in (0, 1):
                xi = x0 + dx
                yi = y0 + dy
                zi = z0 + dz
                w = (tx if dx else (1.0 - tx)) * (ty if dy else (1.0 - ty)) * (tz if dz else (1.0 - tz))
                valid = (xi >= 0) & (xi < W) & (yi >= 0) & (yi < H) & (zi >= 0) & (zi < D)
                xc = jnp.clip(xi, 0, W - 1).astype(jnp.int32)
                yc = jnp.clip(yi, 0, H - 1).astype(jnp.int32)
                zc = jnp.clip(zi, 0, D - 1).astype(jnp.int32)
                vals = data[zc, yc, xc]
                out = out + w * jnp.where(valid, vals, 0.0)
    return out


def setup_inputs(seed: int = 0) -> dict:
    key = jax.random.key(seed)
    k1, k2 = jax.random.split(key)
    x = jax.random.normal(k1, (N_POINTS, 3), dtype=jnp.float32)
    data = jax.random.normal(k2, (SIZE, SIZE, SIZE), dtype=jnp.float32)
    return {"x": x, "data": data}


def reference(x, data):
    x_shape = x.shape
    xf = x.reshape(-1, 3)
    grid = xf / HALF_EXTENT
    result = _grid_sample_3d(data, grid)
    return result.reshape(x_shape[:-1])

if __name__ == "__main__":
    import jax
    _d = setup_inputs()
    print(jax.jit(kernel)(*tuple(_d.values())))

</pallas_src>

<mosaic_0001>
#map = affine_map<(d0, d1) -> (0)>
module attributes {stable_mosaic.version = 14 : i64} {
  func.func @k(%arg0: i32, %arg1: i32, %arg2: memref<4194304xf32, #tpu.memory_space<hbm>>, %arg3: memref<4194304xf32, #tpu.memory_space<hbm>>, %arg4: memref<4194304xf32, #tpu.memory_space<hbm>>, %arg5: memref<16777216xf32, #tpu.memory_space<hbm>>, %arg6: memref<4194304xf32, #tpu.memory_space<hbm>>, %arg7: memref<2048xf32, #tpu.memory_space<vmem>>, %arg8: memref<2048xf32, #tpu.memory_space<vmem>>, %arg9: memref<2048xf32, #tpu.memory_space<vmem>>, %arg10: memref<2048xf32, #tpu.memory_space<vmem>>, %arg11: memref<2048xf32, #tpu.memory_space<vmem>>, %arg12: memref<2048xf32, #tpu.memory_space<vmem>>, %arg13: memref<16384xi32, #tpu.memory_space<vmem>>, %arg14: memref<16384xi32, #tpu.memory_space<vmem>>, %arg15: memref<16384xf32, #tpu.memory_space<vmem>>, %arg16: memref<16384xf32, #tpu.memory_space<vmem>>, %arg17: memref<16384xf32, #tpu.memory_space<vmem>>, %arg18: memref<16384xf32, #tpu.memory_space<vmem>>, %arg19: memref<2048xf32, #tpu.memory_space<vmem>>, %arg20: memref<!tpu.dma_semaphore, #tpu.memory_space<semaphore_mem>>, %arg21: memref<!tpu.dma_semaphore, #tpu.memory_space<semaphore_mem>>, %arg22: memref<!tpu.dma_semaphore, #tpu.memory_space<semaphore_mem>>, %arg23: memref<!tpu.dma_semaphore, #tpu.memory_space<semaphore_mem>>) attributes {dimension_semantics = [#tpu.dimension_semantics<core_parallel>, #tpu.dimension_semantics<subcore_parallel>], iteration_bounds = array<i64: 2, 16>, scalar_prefetch = 0 : i64, scratch_operands = 17 : i64, tpu.core_type = #tpu.core_type<sc_vector_subcore>, window_params = [{transform_indices = #map}, {transform_indices = #map}, {transform_indices = #map}, {transform_indices = #map}, {transform_indices = #map}]} {
    %mul3A = arith.constant 2 : i32
    %mul3A_0 = arith.muli %arg1, %mul3A : i32
    %add3A = arith.addi %mul3A_0, %arg0 : i32
    %mul3A_1 = arith.constant 131072 : i32
    %mul3A_2 = arith.muli %add3A, %mul3A_1 : i32
    %add3A_3 = arith.constant 0 : i32
    %add3A_4 = arith.addi %mul3A_2, %add3A_3 : i32
    %dma_start3A = tpu.memref_slice %arg2[%add3A_4] : memref<4194304xf32, #tpu.memory_space<hbm>> -> memref<2048xf32, #tpu.memory_space<hbm>>
    %dma_start3A_5 = tpu.memref_slice %arg2[%add3A_4] : memref<4194304xf32, #tpu.memory_space<hbm>> -> memref<2048xf32, #tpu.memory_space<hbm>>
    tpu.enqueue_dma source(%dma_start3A_5 : memref<2048xf32, #tpu.memory_space<hbm>>) target(%arg7 : memref<2048xf32, #tpu.memory_space<vmem>>) target_semaphore(%arg22 : memref<!tpu.dma_semaphore, #tpu.memory_space<semaphore_mem>>)
    %dma_start3A_6 = tpu.memref_slice %arg3[%add3A_4] : memref<4194304xf32, #tpu.memory_space<hbm>> -> memref<2048xf32, #tpu.memory_space<hbm>>
    %dma_start3A_7 = tpu.memref_slice %arg3[%add3A_4] : memref<4194304xf32, #tpu.memory_space<hbm>> -> memref<2048xf32, #tpu.memory_space<hbm>>
    tpu.enqueue_dma source(%dma_start3A_7 : memref<2048xf32, #tpu.memory_space<hbm>>) target(%arg8 : memref<2048xf32, #tpu.memory_space<vmem>>) target_semaphore(%arg22 : memref<!tpu.dma_semaphore, #tpu.memory_space<semaphore_mem>>)
    %dma_start3A_8 = tpu.memref_slice %arg4[%add3A_4] : memref<4194304xf32, #tpu.memory_space<hbm>> -> memref<2048xf32, #tpu.memory_space<hbm>>
    %dma_start3A_9 = tpu.memref_slice %arg4[%add3A_4] : memref<4194304xf32, #tpu.memory_space<hbm>> -> memref<2048xf32, #tpu.memory_space<hbm>>
    tpu.enqueue_dma source(%dma_start3A_9 : memref<2048xf32, #tpu.memory_space<hbm>>) target(%arg9 : memref<2048xf32, #tpu.memory_space<vmem>>) target_semaphore(%arg22 : memref<!tpu.dma_semaphore, #tpu.memory_space<semaphore_mem>>)
    %mul3A_10 = arith.constant 131072 : i32
    %mul3A_11 = arith.muli %add3A, %mul3A_10 : i32
    %add3A_12 = arith.constant 0 : i32
    %add3A_13 = arith.addi %mul3A_11, %add3A_12 : i32
    %dma_wait3A = tpu.memref_slice %arg2[%add3A_13] : memref<4194304xf32, #tpu.memory_space<hbm>> -> memref<2048xf32, #tpu.memory_space<hbm>>
    %dma_wait3A_14 = tpu.memref_slice %arg2[%add3A_13] : memref<4194304xf32, #tpu.memory_space<hbm>> -> memref<2048xf32, #tpu.memory_space<hbm>>
    tpu.wait_dma2 semaphore(%arg22 : memref<!tpu.dma_semaphore, #tpu.memory_space<semaphore_mem>>) src(%dma_wait3A_14 : memref<2048xf32, #tpu.memory_space<hbm>>) dst(%arg7 : memref<2048xf32, #tpu.memory_space<vmem>>)
    %dma_wait3A_15 = tpu.memref_slice %arg3[%add3A_13] : memref<4194304xf32, #tpu.memory_space<hbm>> -> memref<2048xf32, #tpu.memory_space<hbm>>
    %dma_wait3A_16 = tpu.memref_slice %arg3[%add3A_13] : memref<4194304xf32, #tpu.memory_space<hbm>> -> memref<2048xf32, #tpu.memory_space<hbm>>
    tpu.wait_dma2 semaphore(%arg22 : memref<!tpu.dma_semaphore, #tpu.memory_space<semaphore_mem>>) src(%dma_wait3A_16 : memref<2048xf32, #tpu.memory_space<hbm>>) dst(%arg8 : memref<2048xf32, #tpu.memory_space<vmem>>)
    %dma_wait3A_17 = tpu.memref_slice %arg4[%add3A_13] : memref<4194304xf32, #tpu.memory_space<hbm>> -> memref<2048xf32, #tpu.memory_space<hbm>>
    %dma_wait3A_18 = tpu.memref_slice %arg4[%add3A_13] : memref<4194304xf32, #tpu.memory_space<hbm>> -> memref<2048xf32, #tpu.memory_space<hbm>>
    tpu.wait_dma2 semaphore(%arg22 : memref<!tpu.dma_semaphore, #tpu.memory_space<semaphore_mem>>) src(%dma_wait3A_18 : memref<2048xf32, #tpu.memory_space<hbm>>) dst(%arg9 : memref<2048xf32, #tpu.memory_space<vmem>>)
    %mul3A_19 = arith.constant 131072 : i32
    %mul3A_20 = arith.muli %add3A, %mul3A_19 : i32
    %add3A_21 = arith.constant 2048 : i32
    %add3A_22 = arith.addi %mul3A_20, %add3A_21 : i32
    %dma_start3A_23 = tpu.memref_slice %arg2[%add3A_22] : memref<4194304xf32, #tpu.memory_space<hbm>> -> memref<2048xf32, #tpu.memory_space<hbm>>
    %dma_start3A_24 = tpu.memref_slice %arg2[%add3A_22] : memref<4194304xf32, #tpu.memory_space<hbm>> -> memref<2048xf32, #tpu.memory_space<hbm>>
    tpu.enqueue_dma source(%dma_start3A_24 : memref<2048xf32, #tpu.memory_space<hbm>>) target(%arg10 : memref<2048xf32, #tpu.memory_space<vmem>>) target_semaphore(%arg23 : memref<!tpu.dma_semaphore, #tpu.memory_space<semaphore_mem>>)
    %dma_start3A_25 = tpu.memref_slice %arg3[%add3A_22] : memref<4194304xf32, #tpu.memory_space<hbm>> -> memref<2048xf32, #tpu.memory_space<hbm>>
    %dma_start3A_26 = tpu.memref_slice %arg3[%add3A_22] : memref<4194304xf32, #tpu.memory_space<hbm>> -> memref<2048xf32, #tpu.memory_space<hbm>>
    tpu.enqueue_dma source(%dma_start3A_26 : memref<2048xf32, #tpu.memory_space<hbm>>) target(%arg11 : memref<2048xf32, #tpu.memory_space<vmem>>) target_semaphore(%arg23 : memref<!tpu.dma_semaphore, #tpu.memory_space<semaphore_mem>>)
    %dma_start3A_27 = tpu.memref_slice %arg4[%add3A_22] : memref<4194304xf32, #tpu.memory_space<hbm>> -> memref<2048xf32, #tpu.memory_space<hbm>>
    %dma_start3A_28 = tpu.memref_slice %arg4[%add3A_22] : memref<4194304xf32, #tpu.memory_space<hbm>> -> memref<2048xf32, #tpu.memory_space<hbm>>
    tpu.enqueue_dma source(%dma_start3A_28 : memref<2048xf32, #tpu.memory_space<hbm>>) target(%arg12 : memref<2048xf32, #tpu.memory_space<vmem>>) target_semaphore(%arg23 : memref<!tpu.dma_semaphore, #tpu.memory_space<semaphore_mem>>)
    %scan3A = arith.constant 0 : i32
    %scan3A_29 = arith.constant 0 : i32
    %scan3A_30 = arith.constant 128 : i32
    %scan3A_31 = arith.addi %scan3A_29, %scan3A_30 : i32
    %scan3A_32 = arith.constant 1 : i32
    scf.for %scan3A_84 = %scan3A_29 to %scan3A_31 step %scan3A_32  : i32 {
      %mul3A_85 = arith.constant 16 : i32
      %mul3A_86 = arith.muli %scan3A_84, %mul3A_85 : i32
      %get3A = arith.index_cast %mul3A_86 : i32 to index
      %get3A_87 = tpu.vector_load %arg7[%get3A] {strides = array<i32>} : memref<2048xf32, #tpu.memory_space<vmem>>, vector<16xf32>,
      %get3A_88 = vector.shape_cast %get3A_87 : vector<16xf32> to vector<16xf32>
      %mul3A_89 = arith.constant 42.6666679 : f32
      %mul3A_90 = vector.broadcast %mul3A_89 : f32 to vector<16xf32>
      %mul3A_91 = arith.mulf %get3A_88, %mul3A_90 : vector<16xf32>
      %add3A_92 = arith.constant 1.275000e+02 : f32
      %add3A_93 = vector.broadcast %add3A_92 : f32 to vector<16xf32>
      %add3A_94 = arith.addf %mul3A_91, %add3A_93 : vector<16xf32>
      %convert_element_type3A = arith.fptosi %add3A_94 : vector<16xf32> to vector<16xi32>
      %convert_element_type3A_95 = arith.sitofp %convert_element_type3A : vector<16xi32> to vector<16xf32>
      %gt3A = arith.cmpf ogt, %convert_element_type3A_95, %add3A_94 : vector<16xf32>
      %sub3A = arith.constant 1 : i32
      %sub3A_96 = vector.broadcast %sub3A : i32 to vector<16xi32>
      %sub3A_97 = arith.subi %convert_element_type3A, %sub3A_96 : vector<16xi32>
      %select_n3A = arith.select %gt3A, %sub3A_97, %convert_element_type3A : vector<16xi1>, vector<16xi32>
      %convert_element_type3A_98 = arith.sitofp %select_n3A : vector<16xi32> to vector<16xf32>
      %sub3A_99 = arith.subf %add3A_94, %convert_element_type3A_98 : vector<16xf32>
      %ge3A = arith.constant 0 : i32
      %ge3A_100 = vector.broadcast %ge3A : i32 to vector<16xi32>
      %ge3A_101 = arith.cmpi sge, %select_n3A, %ge3A_100 : vector<16xi32>
      %le3A = arith.constant 255 : i32
      %le3A_102 = vector.broadcast %le3A : i32 to vector<16xi32>
      %le3A_103 = arith.cmpi sle, %select_n3A, %le3A_102 : vector<16xi32>
      %and3A = arith.andi %ge3A_101, %le3A_103 : vector<16xi1>
      %ge3A_104 = arith.constant -1 : i32
      %ge3A_105 = vector.broadcast %ge3A_104 : i32 to vector<16xi32>
      %ge3A_106 = arith.cmpi sge, %select_n3A, %ge3A_105 : vector<16xi32>
      %le3A_107 = arith.constant 254 : i32
      %le3A_108 = vector.broadcast %le3A_107 : i32 to vector<16xi32>
      %le3A_109 = arith.cmpi sle, %select_n3A, %le3A_108 : vector<16xi32>
      %and3A_110 = arith.andi %ge3A_106, %le3A_109 : vector<16xi1>
      %max3A = arith.constant 0 : i32
      %max3A_111 = vector.broadcast %max3A : i32 to vector<16xi32>
      %max3A_112 = arith.maxsi %select_n3A, %max3A_111 : vector<16xi32>
      %min3A = arith.constant 255 : i32
      %min3A_113 = vector.broadcast %min3A : i32 to vector<16xi32>
      %min3A_114 = arith.minsi %max3A_112, %min3A_113 : vector<16xi32>
      %add3A_115 = arith.constant 1 : i32
      %add3A_116 = vector.broadcast %add3A_115 : i32 to vector<16xi32>
      %add3A_117 = arith.addi %select_n3A, %add3A_116 : vector<16xi32>
      %max3A_118 = arith.constant 0 : i32
      %max3A_119 = vector.broadcast %max3A_118 : i32 to vector<16xi32>
      %max3A_120 = arith.maxsi %add3A_117, %max3A_119 : vector<16xi32>
      %min3A_121 = arith.constant 255 : i32
      %min3A_122 = vector.broadcast %min3A_121 : i32 to vector<16xi32>
      %min3A_123 = arith.minsi %max3A_120, %min3A_122 : vector<16xi32>
      %sub3A_124 = arith.constant 1.000000e+00 : f32
      %sub3A_125 = vector.broadcast %sub3A_124 : f32 to vector<16xf32>
      %sub3A_126 = arith.subf %sub3A_125, %sub3A_99 : vector<16xf32>
      %jit3A = arith.constant 0.000000e+00 : f32
      %broadcast_in_dim3A = vector.broadcast %jit3A : f32 to vector<16xf32>
      %select_n3A_127 = arith.select %and3A, %sub3A_126, %broadcast_in_dim3A : vector<16xi1>, vector<16xf32>
      %jit3A_128 = arith.constant 0.000000e+00 : f32
      %broadcast_in_dim3A_129 = vector.broadcast %jit3A_128 : f32 to vector<16xf32>
      %select_n3A_130 = arith.select %and3A_110, %sub3A_99, %broadcast_in_dim3A_129 : vector<16xi1>, vector<16xf32>
      %get3A_131 = arith.index_cast %mul3A_86 : i32 to index
      %get3A_132 = tpu.vector_load %arg8[%get3A_131] {strides = array<i32>} : memref<2048xf32, #tpu.memory_space<vmem>>, vector<16xf32>,
      %get3A_133 = vector.shape_cast %get3A_132 : vector<16xf32> to vector<16xf32>
      %mul3A_134 = arith.constant 42.6666679 : f32
      %mul3A_135 = vector.broadcast %mul3A_134 : f32 to vector<16xf32>
      %mul3A_136 = arith.mulf %get3A_133, %mul3A_135 : vector<16xf32>
      %add3A_137 = arith.constant 1.275000e+02 : f32
      %add3A_138 = vector.broadcast %add3A_137 : f32 to vector<16xf32>
      %add3A_139 = arith.addf %mul3A_136, %add3A_138 : vector<16xf32>
      %convert_element_type3A_140 = arith.fptosi %add3A_139 : vector<16xf32> to vector<16xi32>
      %convert_element_type3A_141 = arith.sitofp %convert_element_type3A_140 : vector<16xi32> to vector<16xf32>
      %gt3A_142 = arith.cmpf ogt, %convert_element_type3A_141, %add3A_139 : vector<16xf32>
      %sub3A_143 = arith.constant 1 : i32
      %sub3A_144 = vector.broadcast %sub3A_143 : i32 to vector<16xi32>
      %sub3A_145 = arith.subi %convert_element_type3A_140, %sub3A_144 : vector<16xi32>
      %select_n3A_146 = arith.select %gt3A_142, %sub3A_145, %convert_element_type3A_140 : vector<16xi1>, vector<16xi32>
      %convert_element_type3A_147 = arith.sitofp %select_n3A_146 : vector<16xi32> to vector<16xf32>
      %sub3A_148 = arith.subf %add3A_139, %convert_element_type3A_147 : vector<16xf32>
      %ge3A_149 = arith.constant 0 : i32
      %ge3A_150 = vector.broadcast %ge3A_149 : i32 to vector<16xi32>
      %ge3A_151 = arith.cmpi sge, %select_n3A_146, %ge3A_150 : vector<16xi32>
      %le3A_152 = arith.constant 255 : i32
      %le3A_153 = vector.broadcast %le3A_152 : i32 to vector<16xi32>
      %le3A_154 = arith.cmpi sle, %select_n3A_146, %le3A_153 : vector<16xi32>
      %and3A_155 = arith.andi %ge3A_151, %le3A_154 : vector<16xi1>
      %ge3A_156 = arith.constant -1 : i32
      %ge3A_157 = vector.broadcast %ge3A_156 : i32 to vector<16xi32>
      %ge3A_158 = arith.cmpi sge, %select_n3A_146, %ge3A_157 : vector<16xi32>
      %le3A_159 = arith.constant 254 : i32
      %le3A_160 = vector.broadcast %le3A_159 : i32 to vector<16xi32>
      %le3A_161 = arith.cmpi sle, %select_n3A_146, %le3A_160 : vector<16xi32>
      %and3A_162 = arith.andi %ge3A_158, %le3A_161 : vector<16xi1>
      %max3A_163 = arith.constant 0 : i32
      %max3A_164 = vector.broadcast %max3A_163 : i32 to vector<16xi32>
      %max3A_165 = arith.maxsi %select_n3A_146, %max3A_164 : vector<16xi32>
      %min3A_166 = arith.constant 255 : i32
      %min3A_167 = vector.broadcast %min3A_166 : i32 to vector<16xi32>
      %min3A_168 = arith.minsi %max3A_165, %min3A_167 : vector<16xi32>
      %add3A_169 = arith.constant 1 : i32
      %add3A_170 = vector.broadcast %add3A_169 : i32 to vector<16xi32>
      %add3A_171 = arith.addi %select_n3A_146, %add3A_170 : vector<16xi32>
      %max3A_172 = arith.constant 0 : i32
      %max3A_173 = vector.broadcast %max3A_172 : i32 to vector<16xi32>
      %max3A_174 = arith.maxsi %add3A_171, %max3A_173 : vector<16xi32>
      %min3A_175 = arith.constant 255 : i32
      %min3A_176 = vector.broadcast %min3A_175 : i32 to vector<16xi32>
      %min3A_177 = arith.minsi %max3A_174, %min3A_176 : vector<16xi32>
      %sub3A_178 = arith.constant 1.000000e+00 : f32
      %sub3A_179 = vector.broadcast %sub3A_178 : f32 to vector<16xf32>
      %sub3A_180 = arith.subf %sub3A_179, %sub3A_148 : vector<16xf32>
      %jit3A_181 = arith.constant 0.000000e+00 : f32
      %broadcast_in_dim3A_182 = vector.broadcast %jit3A_181 : f32 to vector<16xf32>
      %select_n3A_183 = arith.select %and3A_155, %sub3A_180, %broadcast_in_dim3A_182 : vector<16xi1>, vector<16xf32>
      %jit3A_184 = arith.constant 0.000000e+00 : f32
      %broadcast_in_dim3A_185 = vector.broadcast %jit3A_184 : f32 to vector<16xf32>
      %select_n3A_186 = arith.select %and3A_162, %sub3A_148, %broadcast_in_dim3A_185 : vector<16xi1>, vector<16xf32>
      %get3A_187 = arith.index_cast %mul3A_86 : i32 to index
      %get3A_188 = tpu.vector_load %arg9[%get3A_187] {strides = array<i32>} : memref<2048xf32, #tpu.memory_space<vmem>>, vector<16xf32>,
      %get3A_189 = vector.shape_cast %get3A_188 : vector<16xf32> to vector<16xf32>
      %mul3A_190 = arith.constant 42.6666679 : f32
      %mul3A_191 = vector.broadcast %mul3A_190 : f32 to vector<16xf32>
      %mul3A_192 = arith.mulf %get3A_189, %mul3A_191 : vector<16xf32>
      %add3A_193 = arith.constant 1.275000e+02 : f32
      %add3A_194 = vector.broadcast %add3A_193 : f32 to vector<16xf32>
      %add3A_195 = arith.addf %mul3A_192, %add3A_194 : vector<16xf32>
      %convert_element_type3A_196 = arith.fptosi %add3A_195 : vector<16xf32> to vector<16xi32>
      %convert_element_type3A_197 = arith.sitofp %convert_element_type3A_196 : vector<16xi32> to vector<16xf32>
      %gt3A_198 = arith.cmpf ogt, %convert_element_type3A_197, %add3A_195 : vector<16xf32>
      %sub3A_199 = arith.constant 1 : i32
      %sub3A_200 = vector.broadcast %sub3A_199 : i32 to vector<16xi32>
      %sub3A_201 = arith.subi %convert_element_type3A_196, %sub3A_200 : vector<16xi32>
      %select_n3A_202 = arith.select %gt3A_198, %sub3A_201, %convert_element_type3A_196 : vector<16xi1>, vector<16xi32>
      %convert_element_type3A_203 = arith.sitofp %select_n3A_202 : vector<16xi32> to vector<16xf32>
      %sub3A_204 = arith.subf %add3A_195, %convert_element_type3A_203 : vector<16xf32>
      %ge3A_205 = arith.constant 0 : i32
      %ge3A_206 = vector.broadcast %ge3A_205 : i32 to vector<16xi32>
      %ge3A_207 = arith.cmpi sge, %select_n3A_202, %ge3A_206 : vector<16xi32>
      %le3A_208 = arith.constant 255 : i32
      %le3A_209 = vector.broadcast %le3A_208 : i32 to vector<16xi32>
      %le3A_210 = arith.cmpi sle, %select_n3A_202, %le3A_209 : vector<16xi32>
      %and3A_211 = arith.andi %ge3A_207, %le3A_210 : vector<16xi1>
      %ge3A_212 = arith.constant -1 : i32
      %ge3A_213 = vector.broadcast %ge3A_212 : i32 to vector<16xi32>
      %ge3A_214 = arith.cmpi sge, %select_n3A_202, %ge3A_213 : vector<16xi32>
      %le3A_215 = arith.constant 254 : i32
      %le3A_216 = vector.broadcast %le3A_215 : i32 to vector<16xi32>
      %le3A_217 = arith.cmpi sle, %select_n3A_202, %le3A_216 : vector<16xi32>
      %and3A_218 = arith.andi %ge3A_214, %le3A_217 : vector<16xi1>
      %max3A_219 = arith.constant 0 : i32
      %max3A_220 = vector.broadcast %max3A_219 : i32 to vector<16xi32>
      %max3A_221 = arith.maxsi %select_n3A_202, %max3A_220 : vector<16xi32>
      %min3A_222 = arith.constant 255 : i32
      %min3A_223 = vector.broadcast %min3A_222 : i32 to vector<16xi32>
      %min3A_224 = arith.minsi %max3A_221, %min3A_223 : vector<16xi32>
      %add3A_225 = arith.constant 1 : i32
      %add3A_226 = vector.broadcast %add3A_225 : i32 to vector<16xi32>
      %add3A_227 = arith.addi %select_n3A_202, %add3A_226 : vector<16xi32>
      %max3A_228 = arith.constant 0 : i32
      %max3A_229 = vector.broadcast %max3A_228 : i32 to vector<16xi32>
      %max3A_230 = arith.maxsi %add3A_227, %max3A_229 : vector<16xi32>
      %min3A_231 = arith.constant 255 : i32
      %min3A_232 = vector.broadcast %min3A_231 : i32 to vector<16xi32>
      %min3A_233 = arith.minsi %max3A_230, %min3A_232 : vector<16xi32>
      %sub3A_234 = arith.constant 1.000000e+00 : f32
      %sub3A_235 = vector.broadcast %sub3A_234 : f32 to vector<16xf32>
      %sub3A_236 = arith.subf %sub3A_235, %sub3A_204 : vector<16xf32>
      %jit3A_237 = arith.constant 0.000000e+00 : f32
      %broadcast_in_dim3A_238 = vector.broadcast %jit3A_237 : f32 to vector<16xf32>
      %select_n3A_239 = arith.select %and3A_211, %sub3A_236, %broadcast_in_dim3A_238 : vector<16xi1>, vector<16xf32>
      %jit3A_240 = arith.constant 0.000000e+00 : f32
      %broadcast_in_dim3A_241 = vector.broadcast %jit3A_240 : f32 to vector<16xf32>
      %select_n3A_242 = arith.select %and3A_218, %sub3A_204, %broadcast_in_dim3A_241 : vector<16xi1>, vector<16xf32>
      %mul3A_243 = arith.constant 65536 : i32
      %mul3A_244 = vector.broadcast %mul3A_243 : i32 to vector<16xi32>
      %mul3A_245 = arith.muli %min3A_224, %mul3A_244 : vector<16xi32>
      %mul3A_246 = arith.constant 256 : i32
      %mul3A_247 = vector.broadcast %mul3A_246 : i32 to vector<16xi32>
      %mul3A_248 = arith.muli %min3A_168, %mul3A_247 : vector<16xi32>
      %add3A_249 = arith.addi %mul3A_245, %mul3A_248 : vector<16xi32>
      %mul3A_250 = arith.mulf %select_n3A_239, %select_n3A_183 : vector<16xf32>
      %add3A_251 = arith.addi %add3A_249, %min3A_114 : vector<16xi32>
      %add3A_252 = arith.constant 0 : i32
      %add3A_253 = arith.addi %add3A_252, %mul3A_86 : i32
      %swap3A = arith.index_cast %add3A_253 : i32 to index
      %swap3A_254 = tpu.vector_load %arg13[%swap3A] {strides = array<i32>} : memref<16384xi32, #tpu.memory_space<vmem>>, vector<16xi32>,
      %swap3A_255 = vector.shape_cast %swap3A_254 : vector<16xi32> to vector<16xi32>
      %swap3A_256 = vector.shape_cast %add3A_251 : vector<16xi32> to vector<16xi32>
      tpu.vector_store %arg13[%swap3A], %swap3A_256 {strides = array<i32>} : memref<16384xi32, #tpu.memory_space<vmem>>, vector<16xi32>,
      %mul3A_257 = arith.mulf %mul3A_250, %select_n3A_127 : vector<16xf32>
      %add3A_258 = arith.constant 0 : i32
      %add3A_259 = arith.addi %add3A_258, %mul3A_86 : i32
      %swap3A_260 = arith.index_cast %add3A_259 : i32 to index
      %swap3A_261 = tpu.vector_load %arg17[%swap3A_260] {strides = array<i32>} : memref<16384xf32, #tpu.memory_space<vmem>>, vector<16xf32>,
      %swap3A_262 = vector.shape_cast %swap3A_261 : vector<16xf32> to vector<16xf32>
      %swap3A_263 = vector.shape_cast %mul3A_257 : vector<16xf32> to vector<16xf32>
      tpu.vector_store %arg17[%swap3A_260], %swap3A_263 {strides = array<i32>} : memref<16384xf32, #tpu.memory_space<vmem>>, vector<16xf32>,
      %add3A_264 = arith.addi %add3A_249, %min3A_123 : vector<16xi32>
      %add3A_265 = arith.constant 2048 : i32
      %add3A_266 = arith.addi %add3A_265, %mul3A_86 : i32
      %swap3A_267 = arith.index_cast %add3A_266 : i32 to index
      %swap3A_268 = tpu.vector_load %arg13[%swap3A_267] {strides = array<i32>} : memref<16384xi32, #tpu.memory_space<vmem>>, vector<16xi32>,
      %swap3A_269 = vector.shape_cast %swap3A_268 : vector<16xi32> to vector<16xi32>
      %swap3A_270 = vector.shape_cast %add3A_264 : vector<16xi32> to vector<16xi32>
      tpu.vector_store %arg13[%swap3A_267], %swap3A_270 {strides = array<i32>} : memref<16384xi32, #tpu.memory_space<vmem>>, vector<16xi32>,
      %mul3A_271 = arith.mulf %mul3A_250, %select_n3A_130 : vector<16xf32>
      %add3A_272 = arith.constant 2048 : i32
      %add3A_273 = arith.addi %add3A_272, %mul3A_86 : i32
      %swap3A_274 = arith.index_cast %add3A_273 : i32 to index
      %swap3A_275 = tpu.vector_load %arg17[%swap3A_274] {strides = array<i32>} : memref<16384xf32, #tpu.memory_space<vmem>>, vector<16xf32>,
      %swap3A_276 = vector.shape_cast %swap3A_275 : vector<16xf32> to vector<16xf32>
      %swap3A_277 = vector.shape_cast %mul3A_271 : vector<16xf32> to vector<16xf32>
      tpu.vector_store %arg17[%swap3A_274], %swap3A_277 {strides = array<i32>} : memref<16384xf32, #tpu.memory_space<vmem>>, vector<16xf32>,
      %mul3A_278 = arith.constant 256 : i32
      %mul3A_279 = vector.broadcast %mul3A_278 : i32 to vector<16xi32>
      %mul3A_280 = arith.muli %min3A_177, %mul3A_279 : vector<16xi32>
      %add3A_281 = arith.addi %mul3A_245, %mul3A_280 : vector<16xi32>
      %mul3A_282 = arith.mulf %select_n3A_239, %select_n3A_186 : vector<16xf32>
      %add3A_283 = arith.addi %add3A_281, %min3A_114 : vector<16xi32>
      %add3A_284 = arith.constant 4096 : i32
      %add3A_285 = arith.addi %add3A_284, %mul3A_86 : i32
      %swap3A_286 = arith.index_cast %add3A_285 : i32 to index
      %swap3A_287 = tpu.vector_load %arg13[%swap3A_286] {strides = array<i32>} : memref<16384xi32, #tpu.memory_space<vmem>>, vector<16xi32>,
      %swap3A_288 = vector.shape_cast %swap3A_287 : vector<16xi32> to vector<16xi32>
      %swap3A_289 = vector.shape_cast %add3A_283 : vector<16xi32> to vector<16xi32>
      tpu.vector_store %arg13[%swap3A_286], %swap3A_289 {strides = array<i32>} : memref<16384xi32, #tpu.memory_space<vmem>>, vector<16xi32>,
      %mul3A_290 = arith.mulf %mul3A_282, %select_n3A_127 : vector<16xf32>
      %add3A_291 = arith.constant 4096 : i32
      %add3A_292 = arith.addi %add3A_291, %mul3A_86 : i32
      %swap3A_293 = arith.index_cast %add3A_292 : i32 to index
      %swap3A_294 = tpu.vector_load %arg17[%swap3A_293] {strides = array<i32>} : memref<16384xf32, #tpu.memory_space<vmem>>, vector<16xf32>,
      %swap3A_295 = vector.shape_cast %swap3A_294 : vector<16xf32> to vector<16xf32>
      %swap3A_296 = vector.shape_cast %mul3A_290 : vector<16xf32> to vector<16xf32>
      tpu.vector_store %arg17[%swap3A_293], %swap3A_296 {strides = array<i32>} : memref<16384xf32, #tpu.memory_space<vmem>>, vector<16xf32>,
      %add3A_297 = arith.addi %add3A_281, %min3A_123 : vector<16xi32>
      %add3A_298 = arith.constant 6144 : i32
      %add3A_299 = arith.addi %add3A_298, %mul3A_86 : i32
      %swap3A_300 = arith.index_cast %add3A_299 : i32 to index
      %swap3A_301 = tpu.vector_load %arg13[%swap3A_300] {strides = array<i32>} : memref<16384xi32, #tpu.memory_space<vmem>>, vector<16xi32>,
      %swap3A_302 = vector.shape_cast %swap3A_301 : vector<16xi32> to vector<16xi32>
      %swap3A_303 = vector.shape_cast %add3A_297 : vector<16xi32> to vector<16xi32>
      tpu.vector_store %arg13[%swap3A_300], %swap3A_303 {strides = array<i32>} : memref<16384xi32, #tpu.memory_space<vmem>>, vector<16xi32>,
      %mul3A_304 = arith.mulf %mul3A_282, %select_n3A_130 : vector<16xf32>
      %add3A_305 = arith.constant 6144 : i32
      %add3A_306 = arith.addi %add3A_305, %mul3A_86 : i32
      %swap3A_307 = arith.index_cast %add3A_306 : i32 to index
      %swap3A_308 = tpu.vector_load %arg17[%swap3A_307] {strides = array<i32>} : memref<16384xf32, #tpu.memory_space<vmem>>, vector<16xf32>,
      %swap3A_309 = vector.shape_cast %swap3A_308 : vector<16xf32> to vector<16xf32>
      %swap3A_310 = vector.shape_cast %mul3A_304 : vector<16xf32> to vector<16xf32>
      tpu.vector_store %arg17[%swap3A_307], %swap3A_310 {strides = array<i32>} : memref<16384xf32, #tpu.memory_space<vmem>>, vector<16xf32>,
      %mul3A_311 = arith.constant 65536 : i32
      %mul3A_312 = vector.broadcast %mul3A_311 : i32 to vector<16xi32>
      %mul3A_313 = arith.muli %min3A_233, %mul3A_312 : vector<16xi32>
      %mul3A_314 = arith.constant 256 : i32
      %mul3A_315 = vector.broadcast %mul3A_314 : i32 to vector<16xi32>
      %mul3A_316 = arith.muli %min3A_168, %mul3A_315 : vector<16xi32>
      %add3A_317 = arith.addi %mul3A_313, %mul3A_316 : vector<16xi32>
      %mul3A_318 = arith.mulf %select_n3A_242, %select_n3A_183 : vector<16xf32>
      %add3A_319 = arith.addi %add3A_317, %min3A_114 : vector<16xi32>
      %add3A_320 = arith.constant 8192 : i32
      %add3A_321 = arith.addi %add3A_320, %mul3A_86 : i32
      %swap3A_322 = arith.index_cast %add3A_321 : i32 to index
      %swap3A_323 = tpu.vector_load %arg13[%swap3A_322] {strides = array<i32>} : memref<16384xi32, #tpu.memory_space<vmem>>, vector<16xi32>,
      %swap3A_324 = vector.shape_cast %swap3A_323 : vector<16xi32> to vector<16xi32>
      %swap3A_325 = vector.shape_cast %add3A_319 : vector<16xi32> to vector<16xi32>
      tpu.vector_store %arg13[%swap3A_322], %swap3A_325 {strides = array<i32>} : memref<16384xi32, #tpu.memory_space<vmem>>, vector<16xi32>,
      %mul3A_326 = arith.mulf %mul3A_318, %select_n3A_127 : vector<16xf32>
      %add3A_327 = arith.constant 8192 : i32
      %add3A_328 = arith.addi %add3A_327, %mul3A_86 : i32
      %swap3A_329 = arith.index_cast %add3A_328 : i32 to index
      %swap3A_330 = tpu.vector_load %arg17[%swap3A_329] {strides = array<i32>} : memref<16384xf32, #tpu.memory_space<vmem>>, vector<16xf32>,
      %swap3A_331 = vector.shape_cast %swap3A_330 : vector<16xf32> to vector<16xf32>
      %swap3A_332 = vector.shape_cast %mul3A_326 : vector<16xf32> to vector<16xf32>
      tpu.vector_store %arg17[%swap3A_329], %swap3A_332 {strides = array<i32>} : memref<16384xf32, #tpu.memory_space<vmem>>, vector<16xf32>,
      %add3A_333 = arith.addi %add3A_317, %min3A_123 : vector<16xi32>
      %add3A_334 = arith.constant 10240 : i32
      %add3A_335 = arith.addi %add3A_334, %mul3A_86 : i32
      %swap3A_336 = arith.index_cast %add3A_335 : i32 to index
      %swap3A_337 = tpu.vector_load %arg13[%swap3A_336] {strides = array<i32>} : memref<16384xi32, #tpu.memory_space<vmem>>, vector<16xi32>,
      %swap3A_338 = vector.shape_cast %swap3A_337 : vector<16xi32> to vector<16xi32>
      %swap3A_339 = vector.shape_cast %add3A_333 : vector<16xi32> to vector<16xi32>
      tpu.vector_store %arg13[%swap3A_336], %swap3A_339 {strides = array<i32>} : memref<16384xi32, #tpu.memory_space<vmem>>, vector<16xi32>,
      %mul3A_340 = arith.mulf %mul3A_318, %select_n3A_130 : vector<16xf32>
      %add3A_341 = arith.constant 10240 : i32
      %add3A_342 = arith.addi %add3A_341, %mul3A_86 : i32
      %swap3A_343 = arith.index_cast %add3A_342 : i32 to index
      %swap3A_344 = tpu.vector_load %arg17[%swap3A_343] {strides = array<i32>} : memref<16384xf32, #tpu.memory_space<vmem>>, vector<16xf32>,
      %swap3A_345 = vector.shape_cast %swap3A_344 : vector<16xf32> to vector<16xf32>
      %swap3A_346 = vector.shape_cast %mul3A_340 : vector<16xf32> to vector<16xf32>
      tpu.vector_store %arg17[%swap3A_343], %swap3A_346 {strides = array<i32>} : memref<16384xf32, #tpu.memory_space<vmem>>, vector<16xf32>,
      %mul3A_347 = arith.constant 256 : i32
      %mul3A_348 = vector.broadcast %mul3A_347 : i32 to vector<16xi32>
      %mul3A_349 = arith.muli %min3A_177, %mul3A_348 : vector<16xi32>
      %add3A_350 = arith.addi %mul3A_313, %mul3A_349 : vector<16xi32>
      %mul3A_351 = arith.mulf %select_n3A_242, %select_n3A_186 : vector<16xf32>
      %add3A_352 = arith.addi %add3A_350, %min3A_114 : vector<16xi32>
      %add3A_353 = arith.constant 12288 : i32
      %add3A_354 = arith.addi %add3A_353, %mul3A_86 : i32
      %swap3A_355 = arith.index_cast %add3A_354 : i32 to index
      %swap3A_356 = tpu.vector_load %arg13[%swap3A_355] {strides = array<i32>} : memref<16384xi32, #tpu.memory_space<vmem>>, vector<16xi32>,
      %swap3A_357 = vector.shape_cast %swap3A_356 : vector<16xi32> to vector<16xi32>
      %swap3A_358 = vector.shape_cast %add3A_352 : vector<16xi32> to vector<16xi32>
      tpu.vector_store %arg13[%swap3A_355], %swap3A_358 {strides = array<i32>} : memref<16384xi32, #tpu.memory_space<vmem>>, vector<16xi32>,
      %mul3A_359 = arith.mulf %mul3A_351, %select_n3A_127 : vector<16xf32>
      %add3A_360 = arith.constant 12288 : i32
      %add3A_361 = arith.addi %add3A_360, %mul3A_86 : i32
      %swap3A_362 = arith.index_cast %add3A_361 : i32 to index
      %swap3A_363 = tpu.vector_load %arg17[%swap3A_362] {strides = array<i32>} : memref<16384xf32, #tpu.memory_space<vmem>>, vector<16xf32>,
      %swap3A_364 = vector.shape_cast %swap3A_363 : vector<16xf32> to vector<16xf32>
      %swap3A_365 = vector.shape_cast %mul3A_359 : vector<16xf32> to vector<16xf32>
      tpu.vector_store %arg17[%swap3A_362], %swap3A_365 {strides = array<i32>} : memref<16384xf32, #tpu.memory_space<vmem>>, vector<16xf32>,
      %add3A_366 = arith.addi %add3A_350, %min3A_123 : vector<16xi32>
      %add3A_367 = arith.constant 14336 : i32
      %add3A_368 = arith.addi %add3A_367, %mul3A_86 : i32
      %swap3A_369 = arith.index_cast %add3A_368 : i32 to index
      %swap3A_370 = tpu.vector_load %arg13[%swap3A_369] {strides = array<i32>} : memref<16384xi32, #tpu.memory_space<vmem>>, vector<16xi32>,
      %swap3A_371 = vector.shape_cast %swap3A_370 : vector<16xi32> to vector<16xi32>
      %swap3A_372 = vector.shape_cast %add3A_366 : vector<16xi32> to vector<16xi32>
      tpu.vector_store %arg13[%swap3A_369], %swap3A_372 {strides = array<i32>} : memref<16384xi32, #tpu.memory_space<vmem>>, vector<16xi32>,
      %mul3A_373 = arith.mulf %mul3A_351, %select_n3A_130 : vector<16xf32>
      %add3A_374 = arith.constant 14336 : i32
      %add3A_375 = arith.addi %add3A_374, %mul3A_86 : i32
      %swap3A_376 = arith.index_cast %add3A_375 : i32 to index
      %swap3A_377 = tpu.vector_load %arg17[%swap3A_376] {strides = array<i32>} : memref<16384xf32, #tpu.memory_space<vmem>>, vector<16xf32>,
      %swap3A_378 = vector.shape_cast %swap3A_377 : vector<16xf32> to vector<16xf32>
      %swap3A_379 = vector.shape_cast %mul3A_373 : vector<16xf32> to vector<16xf32>
      tpu.vector_store %arg17[%swap3A_376], %swap3A_379 {strides = array<i32>} : memref<16384xf32, #tpu.memory_space<vmem>>, vector<16xf32>,
    }
    %scan3A_33 = arith.constant 128 : i32
    %dma_start3A_34 = arith.constant 0 : i32
    %dma_start3A_35 = tpu.memref_slice %arg5[%dma_start3A_34] : memref<16777216xf32, #tpu.memory_space<hbm>> -> memref<16777216xf32, #tpu.memory_space<hbm>>
    tpu.enqueue_indirect_dma source(%dma_start3A_35 : memref<16777216xf32, #tpu.memory_space<hbm>>) target(%arg15 : memref<16384xf32, #tpu.memory_space<vmem>>) offsets(%arg13 : memref<16384xi32, #tpu.memory_space<vmem>>) semaphore(%arg20 : memref<!tpu.dma_semaphore, #tpu.memory_space<semaphore_mem>>)
    %scan3A_36 = arith.constant 0 : i32
    %scan3A_37 = arith.constant 0 : i32
    %scan3A_38 = arith.constant 31 : i32
    %scan3A_39 = arith.addi %scan3A_37, %scan3A_38 : i32
    %scan3A_40 = arith.constant 1 : i32
    scf.for %scan3A_84 = %scan3A_37 to %scan3A_39 step %scan3A_40  : i32 {
      %mul3A_85 = arith.constant 2 : i32
      %mul3A_86 = arith.muli %mul3A_85, %scan3A_84 : i32
      %add3A_87 = arith.constant 1 : i32
      %add3A_88 = arith.addi %mul3A_86, %add3A_87 : i32
      %mul3A_89 = arith.constant 131072 : i32
      %mul3A_90 = arith.muli %add3A, %mul3A_89 : i32
      %mul3A_91 = arith.constant 2048 : i32
      %mul3A_92 = arith.muli %add3A_88, %mul3A_91 : i32
      %add3A_93 = arith.addi %mul3A_90, %mul3A_92 : i32
      %dma_wait3A_94 = tpu.memref_slice %arg2[%add3A_93] : memref<4194304xf32, #tpu.memory_space<hbm>> -> memref<2048xf32, #tpu.memory_space<hbm>>
      %dma_wait3A_95 = tpu.memref_slice %arg2[%add3A_93] : memref<4194304xf32, #tpu.memory_space<hbm>> -> memref<2048xf32, #tpu.memory_space<hbm>>
      tpu.wait_dma2 semaphore(%arg23 : memref<!tpu.dma_semaphore, #tpu.memory_space<semaphore_mem>>) src(%dma_wait3A_95 : memref<2048xf32, #tpu.memory_space<hbm>>) dst(%arg10 : memref<2048xf32, #tpu.memory_space<vmem>>)
      %dma_wait3A_96 = tpu.memref_slice %arg3[%add3A_93] : memref<4194304xf32, #tpu.memory_space<hbm>> -> memref<2048xf32, #tpu.memory_space<hbm>>
      %dma_wait3A_97 = tpu.memref_slice %arg3[%add3A_93] : memref<4194304xf32, #tpu.memory_space<hbm>> -> memref<2048xf32, #tpu.memory_space<hbm>>
      tpu.wait_dma2 semaphore(%arg23 : memref<!tpu.dma_semaphore, #tpu.memory_space<semaphore_mem>>) src(%dma_wait3A_97 : memref<2048xf32, #tpu.memory_space<hbm>>) dst(%arg11 : memref<2048xf32, #tpu.memory_space<vmem>>)
      %dma_wait3A_98 = tpu.memref_slice %arg4[%add3A_93] : memref<4194304xf32, #tpu.memory_space<hbm>> -> memref<2048xf32, #tpu.memory_space<hbm>>
      %dma_wait3A_99 = tpu.memref_slice %arg4[%add3A_93] : memref<4194304xf32, #tpu.memory_space<hbm>> -> memref<2048xf32, #tpu.memory_space<hbm>>
      tpu.wait_dma2 semaphore(%arg23 : memref<!tpu.dma_semaphore, #tpu.memory_space<semaphore_mem>>) src(%dma_wait3A_99 : memref<2048xf32, #tpu.memory_space<hbm>>) dst(%arg12 : memref<2048xf32, #tpu.memory_space<vmem>>)
      %add3A_100 = arith.constant 1 : i32
      %add3A_101 = arith.addi %add3A_88, %add3A_100 : i32
      %mul3A_102 = arith.constant 131072 : i32
      %mul3A_103 = arith.muli %add3A, %mul3A_102 : i32
      %mul3A_104 = arith.constant 2048 : i32
      %mul3A_105 = arith.muli %add3A_101, %mul3A_104 : i32
      %add3A_106 = arith.addi %mul3A_103, %mul3A_105 : i32
      %dma_start3A_107 = tpu.memref_slice %arg2[%add3A_106] : memref<4194304xf32, #tpu.memory_space<hbm>> -> memref<2048xf32, #tpu.memory_space<hbm>>
      %dma_start3A_108 = tpu.memref_slice %arg2[%add3A_106] : memref<4194304xf32, #tpu.memory_space<hbm>> -> memref<2048xf32, #tpu.memory_space<hbm>>
      tpu.enqueue_dma source(%dma_start3A_108 : memref<2048xf32, #tpu.memory_space<hbm>>) target(%arg7 : memref<2048xf32, #tpu.memory_space<vmem>>) target_semaphore(%arg22 : memref<!tpu.dma_semaphore, #tpu.memory_space<semaphore_mem>>)
      %dma_start3A_109 = tpu.memref_slice %arg3[%add3A_106] : memref<4194304xf32, #tpu.memory_space<hbm>> -> memref<2048xf32, #tpu.memory_space<hbm>>
      %dma_start3A_110 = tpu.memref_slice %arg3[%add3A_106] : memref<4194304xf32, #tpu.memory_space<hbm>> -> memref<2048xf32, #tpu.memory_space<hbm>>
      tpu.enqueue_dma source(%dma_start3A_110 : memref<2048xf32, #tpu.memory_space<hbm>>) target(%arg8 : memref<2048xf32, #tpu.memory_space<vmem>>) target_semaphore(%arg22 : memref<!tpu.dma_semaphore, #tpu.memory_space<semaphore_mem>>)
      %dma_start3A_111 = tpu.memref_slice %arg4[%add3A_106] : memref<4194304xf32, #tpu.memory_space<hbm>> -> memref<2048xf32, #tpu.memory_space<hbm>>
      %dma_start3A_112 = tpu.memref_slice %arg4[%add3A_106] : memref<4194304xf32, #tpu.memory_space<hbm>> -> memref<2048xf32, #tpu.memory_space<hbm>>
      tpu.enqueue_dma source(%dma_start3A_112 : memref<2048xf32, #tpu.memory_space<hbm>>) target(%arg9 : memref<2048xf32, #tpu.memory_space<vmem>>) target_semaphore(%arg22 : memref<!tpu.dma_semaphore, #tpu.memory_space<semaphore_mem>>)
      %scan3A_113 = arith.constant 0 : i32
      %scan3A_114 = arith.constant 0 : i32
      %scan3A_115 = arith.constant 128 : i32
      %scan3A_116 = arith.addi %scan3A_114, %scan3A_115 : i32
      %scan3A_117 = arith.constant 1 : i32
      scf.for %scan3A_184 = %scan3A_114 to %scan3A_116 step %scan3A_117  : i32 {
        %mul3A_185 = arith.constant 16 : i32
        %mul3A_186 = arith.muli %scan3A_184, %mul3A_185 : i32
        %get3A = arith.index_cast %mul3A_186 : i32 to index
        %get3A_187 = tpu.vector_load %arg10[%get3A] {strides = array<i32>} : memref<2048xf32, #tpu.memory_space<vmem>>, vector<16xf32>,
        %get3A_188 = vector.shape_cast %get3A_187 : vector<16xf32> to vector<16xf32>
        %mul3A_189 = arith.constant 42.6666679 : f32
        %mul3A_190 = vector.broadcast %mul3A_189 : f32 to vector<16xf32>
        %mul3A_191 = arith.mulf %get3A_188, %mul3A_190 : vector<16xf32>
        %add3A_192 = arith.constant 1.275000e+02 : f32
        %add3A_193 = vector.broadcast %add3A_192 : f32 to vector<16xf32>
        %add3A_194 = arith.addf %mul3A_191, %add3A_193 : vector<16xf32>
        %convert_element_type3A = arith.fptosi %add3A_194 : vector<16xf32> to vector<16xi32>
        %convert_element_type3A_195 = arith.sitofp %convert_element_type3A : vector<16xi32> to vector<16xf32>
        %gt3A = arith.cmpf ogt, %convert_element_type3A_195, %add3A_194 : vector<16xf32>
        %sub3A_196 = arith.constant 1 : i32
        %sub3A_197 = vector.broadcast %sub3A_196 : i32 to vector<16xi32>
        %sub3A_198 = arith.subi %convert_element_type3A, %sub3A_197 : vector<16xi32>
        %select_n3A = arith.select %gt3A, %sub3A_198, %convert_element_type3A : vector<16xi1>, vector<16xi32>
        %convert_element_type3A_199 = arith.sitofp %select_n3A : vector<16xi32> to vector<16xf32>
        %sub3A_200 = arith.subf %add3A_194, %convert_element_type3A_199 : vector<16xf32>
        %ge3A = arith.constant 0 : i32
        %ge3A_201 = vector.broadcast %ge3A : i32 to vector<16xi32>
        %ge3A_202 = arith.cmpi sge, %select_n3A, %ge3A_201 : vector<16xi32>
        %le3A = arith.constant 255 : i32
        %le3A_203 = vector.broadcast %le3A : i32 to vector<16xi32>
        %le3A_204 = arith.cmpi sle, %select_n3A, %le3A_203 : vector<16xi32>
        %and3A = arith.andi %ge3A_202, %le3A_204 : vector<16xi1>
        %ge3A_205 = arith.constant -1 : i32
        %ge3A_206 = vector.broadcast %ge3A_205 : i32 to vector<16xi32>
        %ge3A_207 = arith.cmpi sge, %select_n3A, %ge3A_206 : vector<16xi32>
        %le3A_208 = arith.constant 254 : i32
        %le3A_209 = vector.broadcast %le3A_208 : i32 to vector<16xi32>
        %le3A_210 = arith.cmpi sle, %select_n3A, %le3A_209 : vector<16xi32>
        %and3A_211 = arith.andi %ge3A_207, %le3A_210 : vector<16xi1>
        %max3A = arith.constant 0 : i32
        %max3A_212 = vector.broadcast %max3A : i32 to vector<16xi32>
        %max3A_213 = arith.maxsi %select_n3A, %max3A_212 : vector<16xi32>
        %min3A = arith.constant 255 : i32
        %min3A_214 = vector.broadcast %min3A : i32 to vector<16xi32>
        %min3A_215 = arith.minsi %max3A_213, %min3A_214 : vector<16xi32>
        %add3A_216 = arith.constant 1 : i32
        %add3A_217 = vector.broadcast %add3A_216 : i32 to vector<16xi32>
        %add3A_218 = arith.addi %select_n3A, %add3A_217 : vector<16xi32>
        %max3A_219 = arith.constant 0 : i32
        %max3A_220 = vector.broadcast %max3A_219 : i32 to vector<16xi32>
        %max3A_221 = arith.maxsi %add3A_218, %max3A_220 : vector<16xi32>
        %min3A_222 = arith.constant 255 : i32
        %min3A_223 = vector.broadcast %min3A_222 : i32 to vector<16xi32>
        %min3A_224 = arith.minsi %max3A_221, %min3A_223 : vector<16xi32>
        %sub3A_225 = arith.constant 1.000000e+00 : f32
        %sub3A_226 = vector.broadcast %sub3A_225 : f32 to vector<16xf32>
        %sub3A_227 = arith.subf %sub3A_226, %sub3A_200 : vector<16xf32>
        %jit3A = arith.constant 0.000000e+00 : f32
        %broadcast_in_dim3A = vector.broadcast %jit3A : f32 to vector<16xf32>
        %select_n3A_228 = arith.select %and3A, %sub3A_227, %broadcast_in_dim3A : vector<16xi1>, vector<16xf32>
        %jit3A_229 = arith.constant 0.000000e+00 : f32
        %broadcast_in_dim3A_230 = vector.broadcast %jit3A_229 : f32 to vector<16xf32>
        %select_n3A_231 = arith.select %and3A_211, %sub3A_200, %broadcast_in_dim3A_230 : vector<16xi1>, vector<16xf32>
        %get3A_232 = arith.index_cast %mul3A_186 : i32 to index
        %get3A_233 = tpu.vector_load %arg11[%get3A_232] {strides = array<i32>} : memref<2048xf32, #tpu.memory_space<vmem>>, vector<16xf32>,
        %get3A_234 = vector.shape_cast %get3A_233 : vector<16xf32> to vector<16xf32>
        %mul3A_235 = arith.constant 42.6666679 : f32
        %mul3A_236 = vector.broadcast %mul3A_235 : f32 to vector<16xf32>
        %mul3A_237 = arith.mulf %get3A_234, %mul3A_236 : vector<16xf32>
        %add3A_238 = arith.constant 1.275000e+02 : f32
        %add3A_239 = vector.broadcast %add3A_238 : f32 to vector<16xf32>
        %add3A_240 = arith.addf %mul3A_237, %add3A_239 : vector<16xf32>
        %convert_element_type3A_241 = arith.fptosi %add3A_240 : vector<16xf32> to vector<16xi32>
        %convert_element_type3A_242 = arith.sitofp %convert_element_type3A_241 : vector<16xi32> to vector<16xf32>
        %gt3A_243 = arith.cmpf ogt, %convert_element_type3A_242, %add3A_240 : vector<16xf32>
        %sub3A_244 = arith.constant 1 : i32
        %sub3A_245 = vector.broadcast %sub3A_244 : i32 to vector<16xi32>
        %sub3A_246 = arith.subi %convert_element_type3A_241, %sub3A_245 : vector<16xi32>
        %select_n3A_247 = arith.select %gt3A_243, %sub3A_246, %convert_element_type3A_241 : vector<16xi1>, vector<16xi32>
        %convert_element_type3A_248 = arith.sitofp %select_n3A_247 : vector<16xi32> to vector<16xf32>
        %sub3A_249 = arith.subf %add3A_240, %convert_element_type3A_248 : vector<16xf32>
        %ge3A_250 = arith.constant 0 : i32
        %ge3A_251 = vector.broadcast %ge3A_250 : i32 to vector<16xi32>
        %ge3A_252 = arith.cmpi sge, %select_n3A_247, %ge3A_251 : vector<16xi32>
        %le3A_253 = arith.constant 255 : i32
        %le3A_254 = vector.broadcast %le3A_253 : i32 to vector<16xi32>
        %le3A_255 = arith.cmpi sle, %select_n3A_247, %le3A_254 : vector<16xi32>
        %and3A_256 = arith.andi %ge3A_252, %le3A_255 : vector<16xi1>
        %ge3A_257 = arith.constant -1 : i32
        %ge3A_258 = vector.broadcast %ge3A_257 : i32 to vector<16xi32>
        %ge3A_259 = arith.cmpi sge, %select_n3A_247, %ge3A_258 : vector<16xi32>
        %le3A_260 = arith.constant 254 : i32
        %le3A_261 = vector.broadcast %le3A_260 : i32 to vector<16xi32>
        %le3A_262 = arith.cmpi sle, %select_n3A_247, %le3A_261 : vector<16xi32>
        %and3A_263 = arith.andi %ge3A_259, %le3A_262 : vector<16xi1>
        %max3A_264 = arith.constant 0 : i32
        %max3A_265 = vector.broadcast %max3A_264 : i32 to vector<16xi32>
        %max3A_266 = arith.maxsi %select_n3A_247, %max3A_265 : vector<16xi32>
        %min3A_267 = arith.constant 255 : i32
        %min3A_268 = vector.broadcast %min3A_267 : i32 to vector<16xi32>
        %min3A_269 = arith.minsi %max3A_266, %min3A_268 : vector<16xi32>
        %add3A_270 = arith.constant 1 : i32
        %add3A_271 = vector.broadcast %add3A_270 : i32 to vector<16xi32>
        %add3A_272 = arith.addi %select_n3A_247, %add3A_271 : vector<16xi32>
        %max3A_273 = arith.constant 0 : i32
        %max3A_274 = vector.broadcast %max3A_273 : i32 to vector<16xi32>
        %max3A_275 = arith.maxsi %add3A_272, %max3A_274 : vector<16xi32>
        %min3A_276 = arith.constant 255 : i32
        %min3A_277 = vector.broadcast %min3A_276 : i32 to vector<16xi32>
        %min3A_278 = arith.minsi %max3A_275, %min3A_277 : vector<16xi32>
        %sub3A_279 = arith.constant 1.000000e+00 : f32
        %sub3A_280 = vector.broadcast %sub3A_279 : f32 to vector<16xf32>
        %sub3A_281 = arith.subf %sub3A_280, %sub3A_249 : vector<16xf32>
        %jit3A_282 = arith.constant 0.000000e+00 : f32
        %broadcast_in_dim3A_283 = vector.broadcast %jit3A_282 : f32 to vector<16xf32>
        %select_n3A_284 = arith.select %and3A_256, %sub3A_281, %broadcast_in_dim3A_283 : vector<16xi1>, vector<16xf32>
        %jit3A_285 = arith.constant 0.000000e+00 : f32
        %broadcast_in_dim3A_286 = vector.broadcast %jit3A_285 : f32 to vector<16xf32>
        %select_n3A_287 = arith.select %and3A_263, %sub3A_249, %broadcast_in_dim3A_286 : vector<16xi1>, vector<16xf32>
        %get3A_288 = arith.index_cast %mul3A_186 : i32 to index
        %get3A_289 = tpu.vector_load %arg12[%get3A_288] {strides = array<i32>} : memref<2048xf32, #tpu.memory_space<vmem>>, vector<16xf32>,
        %get3A_290 = vector.shape_cast %get3A_289 : vector<16xf32> to vector<16xf32>
        %mul3A_291 = arith.constant 42.6666679 : f32
        %mul3A_292 = vector.broadcast %mul3A_291 : f32 to vector<16xf32>
        %mul3A_293 = arith.mulf %get3A_290, %mul3A_292 : vector<16xf32>
        %add3A_294 = arith.constant 1.275000e+02 : f32
        %add3A_295 = vector.broadcast %add3A_294 : f32 to vector<16xf32>
        %add3A_296 = arith.addf %mul3A_293, %add3A_295 : vector<16xf32>
        %convert_element_type3A_297 = arith.fptosi %add3A_296 : vector<16xf32> to vector<16xi32>
        %convert_element_type3A_298 = arith.sitofp %convert_element_type3A_297 : vector<16xi32> to vector<16xf32>
        %gt3A_299 = arith.cmpf ogt, %convert_element_type3A_298, %add3A_296 : vector<16xf32>
        %sub3A_300 = arith.constant 1 : i32
        %sub3A_301 = vector.broadcast %sub3A_300 : i32 to vector<16xi32>
        %sub3A_302 = arith.subi %convert_element_type3A_297, %sub3A_301 : vector<16xi32>
        %select_n3A_303 = arith.select %gt3A_299, %sub3A_302, %convert_element_type3A_297 : vector<16xi1>, vector<16xi32>
        %convert_element_type3A_304 = arith.sitofp %select_n3A_303 : vector<16xi32> to vector<16xf32>
        %sub3A_305 = arith.subf %add3A_296, %convert_element_type3A_304 : vector<16xf32>
        %ge3A_306 = arith.constant 0 : i32
        %ge3A_307 = vector.broadcast %ge3A_306 : i32 to vector<16xi32>
        %ge3A_308 = arith.cmpi sge, %select_n3A_303, %ge3A_307 : vector<16xi32>
        %le3A_309 = arith.constant 255 : i32
        %le3A_310 = vector.broadcast %le3A_309 : i32 to vector<16xi32>
        %le3A_311 = arith.cmpi sle, %select_n3A_303, %le3A_310 : vector<16xi32>
        %and3A_312 = arith.andi %ge3A_308, %le3A_311 : vector<16xi1>
        %ge3A_313 = arith.constant -1 : i32
        %ge3A_314 = vector.broadcast %ge3A_313 : i32 to vector<16xi32>
        %ge3A_315 = arith.cmpi sge, %select_n3A_303, %ge3A_314 : vector<16xi32>
        %le3A_316 = arith.constant 254 : i32
        %le3A_317 = vector.broadcast %le3A_316 : i32 to vector<16xi32>
        %le3A_318 = arith.cmpi sle, %select_n3A_303, %le3A_317 : vector<16xi32>
        %and3A_319 = arith.andi %ge3A_315, %le3A_318 : vector<16xi1>
        %max3A_320 = arith.constant 0 : i32
        %max3A_321 = vector.broadcast %max3A_320 : i32 to vector<16xi32>
        %max3A_322 = arith.maxsi %select_n3A_303, %max3A_321 : vector<16xi32>
        %min3A_323 = arith.constant 255 : i32
        %min3A_324 = vector.broadcast %min3A_323 : i32 to vector<16xi32>
        %min3A_325 = arith.minsi %max3A_322, %min3A_324 : vector<16xi32>
        %add3A_326 = arith.constant 1 : i32
        %add3A_327 = vector.broadcast %add3A_326 : i32 to vector<16xi32>
        %add3A_328 = arith.addi %select_n3A_303, %add3A_327 : vector<16xi32>
        %max3A_329 = arith.constant 0 : i32
        %max3A_330 = vector.broadcast %max3A_329 : i32 to vector<16xi32>
        %max3A_331 = arith.maxsi %add3A_328, %max3A_330 : vector<16xi32>
        %min3A_332 = arith.constant 255 : i32
        %min3A_333 = vector.broadcast %min3A_332 : i32 to vector<16xi32>
        %min3A_334 = arith.minsi %max3A_331, %min3A_333 : vector<16xi32>
        %sub3A_335 = arith.constant 1.000000e+00 : f32
        %sub3A_336 = vector.broadcast %sub3A_335 : f32 to vector<16xf32>
        %sub3A_337 = arith.subf %sub3A_336, %sub3A_305 : vector<16xf32>
        %jit3A_338 = arith.constant 0.000000e+00 : f32
        %broadcast_in_dim3A_339 = vector.broadcast %jit3A_338 : f32 to vector<16xf32>
        %select_n3A_340 = arith.select %and3A_312, %sub3A_337, %broadcast_in_dim3A_339 : vector<16xi1>, vector<16xf32>
        %jit3A_341 = arith.constant 0.000000e+00 : f32
        %broadcast_in_dim3A_342 = vector.broadcast %jit3A_341 : f32 to vector<16xf32>
        %select_n3A_343 = arith.select %and3A_319, %sub3A_305, %broadcast_in_dim3A_342 : vector<16xi1>, vector<16xf32>
        %mul3A_344 = arith.constant 65536 : i32
        %mul3A_345 = vector.broadcast %mul3A_344 : i32 to vector<16xi32>
        %mul3A_346 = arith.muli %min3A_325, %mul3A_345 : vector<16xi32>
        %mul3A_347 = arith.constant 256 : i32
        %mul3A_348 = vector.broadcast %mul3A_347 : i32 to vector<16xi32>
        %mul3A_349 = arith.muli %min3A_269, %mul3A_348 : vector<16xi32>
        %add3A_350 = arith.addi %mul3A_346, %mul3A_349 : vector<16xi32>
        %mul3A_351 = arith.mulf %select_n3A_340, %select_n3A_284 : vector<16xf32>
        %add3A_352 = arith.addi %add3A_350, %min3A_215 : vector<16xi32>
        %add3A_353 = arith.constant 0 : i32
        %add3A_354 = arith.addi %add3A_353, %mul3A_186 : i32
        %swap3A = arith.index_cast %add3A_354 : i32 to index
        %swap3A_355 = tpu.vector_load %arg14[%swap3A] {strides = array<i32>} : memref<16384xi32, #tpu.memory_space<vmem>>, vector<16xi32>,
        %swap3A_356 = vector.shape_cast %swap3A_355 : vector<16xi32> to vector<16xi32>
        %swap3A_357 = vector.shape_cast %add3A_352 : vector<16xi32> to vector<16xi32>
        tpu.vector_store %arg14[%swap3A], %swap3A_357 {strides = array<i32>} : memref<16384xi32, #tpu.memory_space<vmem>>, vector<16xi32>,
        %mul3A_358 = arith.mulf %mul3A_351, %select_n3A_228 : vector<16xf32>
        %add3A_359 = arith.constant 0 : i32
        %add3A_360 = arith.addi %add3A_359, %mul3A_186 : i32
        %swap3A_361 = arith.index_cast %add3A_360 : i32 to index
        %swap3A_362 = tpu.vector_load %arg18[%swap3A_361] {strides = array<i32>} : memref<16384xf32, #tpu.memory_space<vmem>>, vector<16xf32>,
        %swap3A_363 = vector.shape_cast %swap3A_362 : vector<16xf32> to vector<16xf32>
        %swap3A_364 = vector.shape_cast %mul3A_358 : vector<16xf32> to vector<16xf32>
        tpu.vector_store %arg18[%swap3A_361], %swap3A_364 {strides = array<i32>} : memref<16384xf32, #tpu.memory_space<vmem>>, vector<16xf32>,
        %add3A_365 = arith.addi %add3A_350, %min3A_224 : vector<16xi32>
        %add3A_366 = arith.constant 2048 : i32
        %add3A_367 = arith.addi %add3A_366, %mul3A_186 : i32
        %swap3A_368 = arith.index_cast %add3A_367 : i32 to index
        %swap3A_369 = tpu.vector_load %arg14[%swap3A_368] {strides = array<i32>} : memref<16384xi32, #tpu.memory_space<vmem>>, vector<16xi32>,
        %swap3A_370 = vector.shape_cast %swap3A_369 : vector<16xi32> to vector<16xi32>
        %swap3A_371 = vector.shape_cast %add3A_365 : vector<16xi32> to vector<16xi32>
        tpu.vector_store %arg14[%swap3A_368], %swap3A_371 {strides = array<i32>} : memref<16384xi32, #tpu.memory_space<vmem>>, vector<16xi32>,
        %mul3A_372 = arith.mulf %mul3A_351, %select_n3A_231 : vector<16xf32>
        %add3A_373 = arith.constant 2048 : i32
        %add3A_374 = arith.addi %add3A_373, %mul3A_186 : i32
        %swap3A_375 = arith.index_cast %add3A_374 : i32 to index
        %swap3A_376 = tpu.vector_load %arg18[%swap3A_375] {strides = array<i32>} : memref<16384xf32, #tpu.memory_space<vmem>>, vector<16xf32>,
        %swap3A_377 = vector.shape_cast %swap3A_376 : vector<16xf32> to vector<16xf32>
        %swap3A_378 = vector.shape_cast %mul3A_372 : vector<16xf32> to vector<16xf32>
        tpu.vector_store %arg18[%swap3A_375], %swap3A_378 {strides = array<i32>} : memref<16384xf32, #tpu.memory_space<vmem>>, vector<16xf32>,
        %mul3A_379 = arith.constant 256 : i32
        %mul3A_380 = vector.broadcast %mul3A_379 : i32 to vector<16xi32>
        %mul3A_381 = arith.muli %min3A_278, %mul3A_380 : vector<16xi32>
        %add3A_382 = arith.addi %mul3A_346, %mul3A_381 : vector<16xi32>
        %mul3A_383 = arith.mulf %select_n3A_340, %select_n3A_287 : vector<16xf32>
        %add3A_384 = arith.addi %add3A_382, %min3A_215 : vector<16xi32>
        %add3A_385 = arith.constant 4096 : i32
        %add3A_386 = arith.addi %add3A_385, %mul3A_186 : i32
        %swap3A_387 = arith.index_cast %add3A_386 : i32 to index
        %swap3A_388 = tpu.vector_load %arg14[%swap3A_387] {strides = array<i32>} : memref<16384xi32, #tpu.memory_space<vmem>>, vector<16xi32>,
        %swap3A_389 = vector.shape_cast %swap3A_388 : vector<16xi32> to vector<16xi32>
        %swap3A_390 = vector.shape_cast %add3A_384 : vector<16xi32> to vector<16xi32>
        tpu.vector_store %arg14[%swap3A_387], %swap3A_390 {strides = array<i32>} : memref<16384xi32, #tpu.memory_space<vmem>>, vector<16xi32>,
        %mul3A_391 = arith.mulf %mul3A_383, %select_n3A_228 : vector<16xf32>
        %add3A_392 = arith.constant 4096 : i32
        %add3A_393 = arith.addi %add3A_392, %mul3A_186 : i32
        %swap3A_394 = arith.index_cast %add3A_393 : i32 to index
        %swap3A_395 = tpu.vector_load %arg18[%swap3A_394] {strides = array<i32>} : memref<16384xf32, #tpu.memory_space<vmem>>, vector<16xf32>,
        %swap3A_396 = vector.shape_cast %swap3A_395 : vector<16xf32> to vector<16xf32>
        %swap3A_397 = vector.shape_cast %mul3A_391 : vector<16xf32> to vector<16xf32>
        tpu.vector_store %arg18[%swap3A_394], %swap3A_397 {strides = array<i32>} : memref<16384xf32, #tpu.memory_space<vmem>>, vector<16xf32>,
        %add3A_398 = arith.addi %add3A_382, %min3A_224 : vector<16xi32>
        %add3A_399 = arith.constant 6144 : i32
        %add3A_400 = arith.addi %add3A_399, %mul3A_186 : i32
        %swap3A_401 = arith.index_cast %add3A_400 : i32 to index
        %swap3A_402 = tpu.vector_load %arg14[%swap3A_401] {strides = array<i32>} : memref<16384xi32, #tpu.memory_space<vmem>>, vector<16xi32>,
        %swap3A_403 = vector.shape_cast %swap3A_402 : vector<16xi32> to vector<16xi32>
        %swap3A_404 = vector.shape_cast %add3A_398 : vector<16xi32> to vector<16xi32>
        tpu.vector_store %arg14[%swap3A_401], %swap3A_404 {strides = array<i32>} : memref<16384xi32, #tpu.memory_space<vmem>>, vector<16xi32>,
        %mul3A_405 = arith.mulf %mul3A_383, %select_n3A_231 : vector<16xf32>
        %add3A_406 = arith.constant 6144 : i32
        %add3A_407 = arith.addi %add3A_406, %mul3A_186 : i32
        %swap3A_408 = arith.index_cast %add3A_407 : i32 to index
        %swap3A_409 = tpu.vector_load %arg18[%swap3A_408] {strides = array<i32>} : memref<16384xf32, #tpu.memory_space<vmem>>, vector<16xf32>,
        %swap3A_410 = vector.shape_cast %swap3A_409 : vector<16xf32> to vector<16xf32>
        %swap3A_411 = vector.shape_cast %mul3A_405 : vector<16xf32> to vector<16xf32>
        tpu.vector_store %arg18[%swap3A_408], %swap3A_411 {strides = array<i32>} : memref<16384xf32, #tpu.memory_space<vmem>>, vector<16xf32>,
        %mul3A_412 = arith.constant 65536 : i32
        %mul3A_413 = vector.broadcast %mul3A_412 : i32 to vector<16xi32>
        %mul3A_414 = arith.muli %min3A_334, %mul3A_413 : vector<16xi32>
        %mul3A_415 = arith.constant 256 : i32
        %mul3A_416 = vector.broadcast %mul3A_415 : i32 to vector<16xi32>
        %mul3A_417 = arith.muli %min3A_269, %mul3A_416 : vector<16xi32>
        %add3A_418 = arith.addi %mul3A_414, %mul3A_417 : vector<16xi32>
        %mul3A_419 = arith.mulf %select_n3A_343, %select_n3A_284 : vector<16xf32>
        %add3A_420 = arith.addi %add3A_418, %min3A_215 : vector<16xi32>
        %add3A_421 = arith.constant 8192 : i32
        %add3A_422 = arith.addi %add3A_421, %mul3A_186 : i32
        %swap3A_423 = arith.index_cast %add3A_422 : i32 to index
        %swap3A_424 = tpu.vector_load %arg14[%swap3A_423] {strides = array<i32>} : memref<16384xi32, #tpu.memory_space<vmem>>, vector<16xi32>,
        %swap3A_425 = vector.shape_cast %swap3A_424 : vector<16xi32> to vector<16xi32>
        %swap3A_426 = vector.shape_cast %add3A_420 : vector<16xi32> to vector<16xi32>
        tpu.vector_store %arg14[%swap3A_423], %swap3A_426 {strides = array<i32>} : memref<16384xi32, #tpu.memory_space<vmem>>, vector<16xi32>,
        %mul3A_427 = arith.mulf %mul3A_419, %select_n3A_228 : vector<16xf32>
        %add3A_428 = arith.constant 8192 : i32
        %add3A_429 = arith.addi %add3A_428, %mul3A_186 : i32
        %swap3A_430 = arith.index_cast %add3A_429 : i32 to index
        %swap3A_431 = tpu.vector_load %arg18[%swap3A_430] {strides = array<i32>} : memref<16384xf32, #tpu.memory_space<vmem>>, vector<16xf32>,
        %swap3A_432 = vector.shape_cast %swap3A_431 : vector<16xf32> to vector<16xf32>
        %swap3A_433 = vector.shape_cast %mul3A_427 : vector<16xf32> to vector<16xf32>
        tpu.vector_store %arg18[%swap3A_430], %swap3A_433 {strides = array<i32>} : memref<16384xf32, #tpu.memory_space<vmem>>, vector<16xf32>,
        %add3A_434 = arith.addi %add3A_418, %min3A_224 : vector<16xi32>
        %add3A_435 = arith.constant 10240 : i32
        %add3A_436 = arith.addi %add3A_435, %mul3A_186 : i32
        %swap3A_437 = arith.index_cast %add3A_436 : i32 to index
        %swap3A_438 = tpu.vector_load %arg14[%swap3A_437] {strides = array<i32>} : memref<16384xi32, #tpu.memory_space<vmem>>, vector<16xi32>,
        %swap3A_439 = vector.shape_cast %swap3A_438 : vector<16xi32> to vector<16xi32>
        %swap3A_440 = vector.shape_cast %add3A_434 : vector<16xi32> to vector<16xi32>
        tpu.vector_store %arg14[%swap3A_437], %swap3A_440 {strides = array<i32>} : memref<16384xi32, #tpu.memory_space<vmem>>, vector<16xi32>,
        %mul3A_441 = arith.mulf %mul3A_419, %select_n3A_231 : vector<16xf32>
        %add3A_442 = arith.constant 10240 : i32
        %add3A_443 = arith.addi %add3A_442, %mul3A_186 : i32
        %swap3A_444 = arith.index_cast %add3A_443 : i32 to index
        %swap3A_445 = tpu.vector_load %arg18[%swap3A_444] {strides = array<i32>} : memref<16384xf32, #tpu.memory_space<vmem>>, vector<16xf32>,
        %swap3A_446 = vector.shape_cast %swap3A_445 : vector<16xf32> to vector<16xf32>
        %swap3A_447 = vector.shape_cast %mul3A_441 : vector<16xf32> to vector<16xf32>
        tpu.vector_store %arg18[%swap3A_444], %swap3A_447 {strides = array<i32>} : memref<16384xf32, #tpu.memory_space<vmem>>, vector<16xf32>,
        %mul3A_448 = arith.constant 256 : i32
        %mul3A_449 = vector.broadcast %mul3A_448 : i32 to vector<16xi32>
        %mul3A_450 = arith.muli %min3A_278, %mul3A_449 : vector<16xi32>
        %add3A_451 = arith.addi %mul3A_414, %mul3A_450 : vector<16xi32>
        %mul3A_452 = arith.mulf %select_n3A_343, %select_n3A_287 : vector<16xf32>
        %add3A_453 = arith.addi %add3A_451, %min3A_215 : vector<16xi32>
        %add3A_454 = arith.constant 12288 : i32
        %add3A_455 = arith.addi %add3A_454, %mul3A_186 : i32
        %swap3A_456 = arith.index_cast %add3A_455 : i32 to index
        %swap3A_457 = tpu.vector_load %arg14[%swap3A_456] {strides = array<i32>} : memref<16384xi32, #tpu.memory_space<vmem>>, vector<16xi32>,
        %swap3A_458 = vector.shape_cast %swap3A_457 : vector<16xi32> to vector<16xi32>
        %swap3A_459 = vector.shape_cast %add3A_453 : vector<16xi32> to vector<16xi32>
        tpu.vector_store %arg14[%swap3A_456], %swap3A_459 {strides = array<i32>} : memref<16384xi32, #tpu.memory_space<vmem>>, vector<16xi32>,
        %mul3A_460 = arith.mulf %mul3A_452, %select_n3A_228 : vector<16xf32>
        %add3A_461 = arith.constant 12288 : i32
        %add3A_462 = arith.addi %add3A_461, %mul3A_186 : i32
        %swap3A_463 = arith.index_cast %add3A_462 : i32 to index
        %swap3A_464 = tpu.vector_load %arg18[%swap3A_463] {strides = array<i32>} : memref<16384xf32, #tpu.memory_space<vmem>>, vector<16xf32>,
        %swap3A_465 = vector.shape_cast %swap3A_464 : vector<16xf32> to vector<16xf32>
        %swap3A_466 = vector.shape_cast %mul3A_460 : vector<16xf32> to vector<16xf32>
        tpu.vector_store %arg18[%swap3A_463], %swap3A_466 {strides = array<i32>} : memref<16384xf32, #tpu.memory_space<vmem>>, vector<16xf32>,
        %add3A_467 = arith.addi %add3A_451, %min3A_224 : vector<16xi32>
        %add3A_468 = arith.constant 14336 : i32
        %add3A_469 = arith.addi %add3A_468, %mul3A_186 : i32
        %swap3A_470 = arith.index_cast %add3A_469 : i32 to index
        %swap3A_471 = tpu.vector_load %arg14[%swap3A_470] {strides = array<i32>} : memref<16384xi32, #tpu.memory_space<vmem>>, vector<16xi32>,
        %swap3A_472 = vector.shape_cast %swap3A_471 : vector<16xi32> to vector<16xi32>
        %swap3A_473 = vector.shape_cast %add3A_467 : vector<16xi32> to vector<16xi32>
        tpu.vector_store %arg14[%swap3A_470], %swap3A_473 {strides = array<i32>} : memref<16384xi32, #tpu.memory_space<vmem>>, vector<16xi32>,
        %mul3A_474 = arith.mulf %mul3A_452, %select_n3A_231 : vector<16xf32>
        %add3A_475 = arith.constant 14336 : i32
        %add3A_476 = arith.addi %add3A_475, %mul3A_186 : i32
        %swap3A_477 = arith.index_cast %add3A_476 : i32 to index
        %swap3A_478 = tpu.vector_load %arg18[%swap3A_477] {strides = array<i32>} : memref<16384xf32, #tpu.memory_space<vmem>>, vector<16xf32>,
        %swap3A_479 = vector.shape_cast %swap3A_478 : vector<16xf32> to vector<16xf32>
        %swap3A_480 = vector.shape_cast %mul3A_474 : vector<16xf32> to vector<16xf32>
        tpu.vector_store %arg18[%swap3A_477], %swap3A_480 {strides = array<i32>} : memref<16384xf32, #tpu.memory_space<vmem>>, vector<16xf32>,
      }
      %scan3A_118 = arith.constant 128 : i32
      %dma_wait3A_119 = arith.constant 0 : i32
      %dma_wait3A_120 = tpu.memref_slice %arg5[%dma_wait3A_119] : memref<16777216xf32, #tpu.memory_space<hbm>> -> memref<16777216xf32, #tpu.memory_space<hbm>>
      tpu.wait_indirect_dma semaphore(%arg20 : memref<!tpu.dma_semaphore, #tpu.memory_space<semaphore_mem>>) src(%dma_wait3A_120 : memref<16777216xf32, #tpu.memory_space<hbm>>) dst(%arg15 : memref<16384xf32, #tpu.memory_space<vmem>>)
      %dma_start3A_121 = arith.constant 0 : i32
      %dma_start3A_122 = tpu.memref_slice %arg5[%dma_start3A_121] : memref<16777216xf32, #tpu.memory_space<hbm>> -> memref<16777216xf32, #tpu.memory_space<hbm>>
      tpu.enqueue_indirect_dma source(%dma_start3A_122 : memref<16777216xf32, #tpu.memory_space<hbm>>) target(%arg16 : memref<16384xf32, #tpu.memory_space<vmem>>) offsets(%arg14 : memref<16384xi32, #tpu.memory_space<vmem>>) semaphore(%arg21 : memref<!tpu.dma_semaphore, #tpu.memory_space<semaphore_mem>>)
      %sub3A = arith.constant 1 : i32
      %sub3A_123 = arith.subi %add3A_88, %sub3A : i32
      %scan3A_124 = arith.constant 0 : i32
      %scan3A_125 = arith.constant 0 : i32
      %scan3A_126 = arith.constant 128 : i32
      %scan3A_127 = arith.addi %scan3A_125, %scan3A_126 : i32
      %scan3A_128 = arith.constant 1 : i32
      scf.for %scan3A_184 = %scan3A_125 to %scan3A_127 step %scan3A_128  : i32 {
        %mul3A_185 = arith.constant 16 : i32
        %mul3A_186 = arith.muli %scan3A_184, %mul3A_185 : i32
        %get3A = arith.index_cast %mul3A_186 : i32 to index
        %get3A_187 = tpu.vector_load %arg17[%get3A] {strides = array<i32>} : memref<16384xf32, #tpu.memory_space<vmem>>, vector<16xf32>,
        %get3A_188 = vector.shape_cast %get3A_187 : vector<16xf32> to vector<16xf32>
        %get3A_189 = arith.index_cast %mul3A_186 : i32 to index
        %get3A_190 = tpu.vector_load %arg15[%get3A_189] {strides = array<i32>} : memref<16384xf32, #tpu.memory_space<vmem>>, vector<16xf32>,
        %get3A_191 = vector.shape_cast %get3A_190 : vector<16xf32> to vector<16xf32>
        %mul3A_192 = arith.mulf %get3A_188, %get3A_191 : vector<16xf32>
        %add3A_193 = arith.constant 2048 : i32
        %add3A_194 = arith.addi %add3A_193, %mul3A_186 : i32
        %get3A_195 = arith.index_cast %add3A_194 : i32 to index
        %get3A_196 = tpu.vector_load %arg17[%get3A_195] {strides = array<i32>} : memref<16384xf32, #tpu.memory_space<vmem>>, vector<16xf32>,
        %get3A_197 = vector.shape_cast %get3A_196 : vector<16xf32> to vector<16xf32>
        %get3A_198 = arith.index_cast %add3A_194 : i32 to index
        %get3A_199 = tpu.vector_load %arg15[%get3A_198] {strides = array<i32>} : memref<16384xf32, #tpu.memory_space<vmem>>, vector<16xf32>,
        %get3A_200 = vector.shape_cast %get3A_199 : vector<16xf32> to vector<16xf32>
        %mul3A_201 = arith.mulf %get3A_197, %get3A_200 : vector<16xf32>
        %add3A_202 = arith.addf %mul3A_192, %mul3A_201 : vector<16xf32>
        %add3A_203 = arith.constant 4096 : i32
        %add3A_204 = arith.addi %add3A_203, %mul3A_186 : i32
        %get3A_205 = arith.index_cast %add3A_204 : i32 to index
        %get3A_206 = tpu.vector_load %arg17[%get3A_205] {strides = array<i32>} : memref<16384xf32, #tpu.memory_space<vmem>>, vector<16xf32>,
        %get3A_207 = vector.shape_cast %get3A_206 : vector<16xf32> to vector<16xf32>
        %get3A_208 = arith.index_cast %add3A_204 : i32 to index
        %get3A_209 = tpu.vector_load %arg15[%get3A_208] {strides = array<i32>} : memref<16384xf32, #tpu.memory_space<vmem>>, vector<16xf32>,
        %get3A_210 = vector.shape_cast %get3A_209 : vector<16xf32> to vector<16xf32>
        %mul3A_211 = arith.mulf %get3A_207, %get3A_210 : vector<16xf32>
        %add3A_212 = arith.addf %add3A_202, %mul3A_211 : vector<16xf32>
        %add3A_213 = arith.constant 6144 : i32
        %add3A_214 = arith.addi %add3A_213, %mul3A_186 : i32
        %get3A_215 = arith.index_cast %add3A_214 : i32 to index
        %get3A_216 = tpu.vector_load %arg17[%get3A_215] {strides = array<i32>} : memref<16384xf32, #tpu.memory_space<vmem>>, vector<16xf32>,
        %get3A_217 = vector.shape_cast %get3A_216 : vector<16xf32> to vector<16xf32>
        %get3A_218 = arith.index_cast %add3A_214 : i32 to index
        %get3A_219 = tpu.vector_load %arg15[%get3A_218] {strides = array<i32>} : memref<16384xf32, #tpu.memory_space<vmem>>, vector<16xf32>,
        %get3A_220 = vector.shape_cast %get3A_219 : vector<16xf32> to vector<16xf32>
        %mul3A_221 = arith.mulf %get3A_217, %get3A_220 : vector<16xf32>
        %add3A_222 = arith.addf %add3A_212, %mul3A_221 : vector<16xf32>
        %add3A_223 = arith.constant 8192 : i32
        %add3A_224 = arith.addi %add3A_223, %mul3A_186 : i32
        %get3A_225 = arith.index_cast %add3A_224 : i32 to index
        %get3A_226 = tpu.vector_load %arg17[%get3A_225] {strides = array<i32>} : memref<16384xf32, #tpu.memory_space<vmem>>, vector<16xf32>,
        %get3A_227 = vector.shape_cast %get3A_226 : vector<16xf32> to vector<16xf32>
        %get3A_228 = arith.index_cast %add3A_224 : i32 to index
        %get3A_229 = tpu.vector_load %arg15[%get3A_228] {strides = array<i32>} : memref<16384xf32, #tpu.memory_space<vmem>>, vector<16xf32>,
        %get3A_230 = vector.shape_cast %get3A_229 : vector<16xf32> to vector<16xf32>
        %mul3A_231 = arith.mulf %get3A_227, %get3A_230 : vector<16xf32>
        %add3A_232 = arith.addf %add3A_222, %mul3A_231 : vector<16xf32>
        %add3A_233 = arith.constant 10240 : i32
        %add3A_234 = arith.addi %add3A_233, %mul3A_186 : i32
        %get3A_235 = arith.index_cast %add3A_234 : i32 to index
        %get3A_236 = tpu.vector_load %arg17[%get3A_235] {strides = array<i32>} : memref<16384xf32, #tpu.memory_space<vmem>>, vector<16xf32>,
        %get3A_237 = vector.shape_cast %get3A_236 : vector<16xf32> to vector<16xf32>
        %get3A_238 = arith.index_cast %add3A_234 : i32 to index
        %get3A_239 = tpu.vector_load %arg15[%get3A_238] {strides = array<i32>} : memref<16384xf32, #tpu.memory_space<vmem>>, vector<16xf32>,
        %get3A_240 = vector.shape_cast %get3A_239 : vector<16xf32> to vector<16xf32>
        %mul3A_241 = arith.mulf %get3A_237, %get3A_240 : vector<16xf32>
        %add3A_242 = arith.addf %add3A_232, %mul3A_241 : vector<16xf32>
        %add3A_243 = arith.constant 12288 : i32
        %add3A_244 = arith.addi %add3A_243, %mul3A_186 : i32
        %get3A_245 = arith.index_cast %add3A_244 : i32 to index
        %get3A_246 = tpu.vector_load %arg17[%get3A_245] {strides = array<i32>} : memref<16384xf32, #tpu.memory_space<vmem>>, vector<16xf32>,
        %get3A_247 = vector.shape_cast %get3A_246 : vector<16xf32> to vector<16xf32>
        %get3A_248 = arith.index_cast %add3A_244 : i32 to index
        %get3A_249 = tpu.vector_load %arg15[%get3A_248] {strides = array<i32>} : memref<16384xf32, #tpu.memory_space<vmem>>, vector<16xf32>,
        %get3A_250 = vector.shape_cast %get3A_249 : vector<16xf32> to vector<16xf32>
        %mul3A_251 = arith.mulf %get3A_247, %get3A_250 : vector<16xf32>
        %add3A_252 = arith.addf %add3A_242, %mul3A_251 : vector<16xf32>
        %add3A_253 = arith.constant 14336 : i32
        %add3A_254 = arith.addi %add3A_253, %mul3A_186 : i32
        %get3A_255 = arith.index_cast %add3A_254 : i32 to index
        %get3A_256 = tpu.vector_load %arg17[%get3A_255] {strides = array<i32>} : memref<16384xf32, #tpu.memory_space<vmem>>, vector<16xf32>,
        %get3A_257 = vector.shape_cast %get3A_256 : vector<16xf32> to vector<16xf32>
        %get3A_258 = arith.index_cast %add3A_254 : i32 to index
        %get3A_259 = tpu.vector_load %arg15[%get3A_258] {strides = array<i32>} : memref<16384xf32, #tpu.memory_space<vmem>>, vector<16xf32>,
        %get3A_260 = vector.shape_cast %get3A_259 : vector<16xf32> to vector<16xf32>
        %mul3A_261 = arith.mulf %get3A_257, %get3A_260 : vector<16xf32>
        %add3A_262 = arith.addf %add3A_252, %mul3A_261 : vector<16xf32>
        %swap3A = arith.index_cast %mul3A_186 : i32 to index
        %swap3A_263 = tpu.vector_load %arg19[%swap3A] {strides = array<i32>} : memref<2048xf32, #tpu.memory_space<vmem>>, vector<16xf32>,
        %swap3A_264 = vector.shape_cast %swap3A_263 : vector<16xf32> to vector<16xf32>
        %swap3A_265 = vector.shape_cast %add3A_262 : vector<16xf32> to vector<16xf32>
        tpu.vector_store %arg19[%swap3A], %swap3A_265 {strides = array<i32>} : memref<2048xf32, #tpu.memory_space<vmem>>, vector<16xf32>,
      }
      %scan3A_129 = arith.constant 128 : i32
      %mul3A_130 = arith.constant 131072 : i32
      %mul3A_131 = arith.muli %add3A, %mul3A_130 : i32
      %mul3A_132 = arith.constant 2048 : i32
      %mul3A_133 = arith.muli %sub3A_123, %mul3A_132 : i32
      %add3A_134 = arith.addi %mul3A_131, %mul3A_133 : i32
      "tpu.region"() ({
        %run_scoped3A = tpu.sem_alloc : memref<!tpu.dma_semaphore, #tpu.memory_space<semaphore_mem>>
        %dma_start3A_184 = tpu.memref_slice %arg6[%add3A_134] : memref<4194304xf32, #tpu.memory_space<hbm>> -> memref<2048xf32, #tpu.memory_space<hbm>>
        %dma_start3A_185 = tpu.memref_slice %arg6[%add3A_134] : memref<4194304xf32, #tpu.memory_space<hbm>> -> memref<2048xf32, #tpu.memory_space<hbm>>
        tpu.enqueue_dma source(%arg19 : memref<2048xf32, #tpu.memory_space<vmem>>) target(%dma_start3A_185 : memref<2048xf32, #tpu.memory_space<hbm>>) target_semaphore(%run_scoped3A : memref<!tpu.dma_semaphore, #tpu.memory_space<semaphore_mem>>)
        %dma_wait3A_186 = tpu.memref_slice %arg6[%add3A_134] : memref<4194304xf32, #tpu.memory_space<hbm>> -> memref<2048xf32, #tpu.memory_space<hbm>>
        %dma_wait3A_187 = tpu.memref_slice %arg6[%add3A_134] : memref<4194304xf32, #tpu.memory_space<hbm>> -> memref<2048xf32, #tpu.memory_space<hbm>>
        tpu.wait_dma2 semaphore(%run_scoped3A : memref<!tpu.dma_semaphore, #tpu.memory_space<semaphore_mem>>) src(%arg19 : memref<2048xf32, #tpu.memory_space<vmem>>) dst(%dma_wait3A_187 : memref<2048xf32, #tpu.memory_space<hbm>>)
        tpu.yield
      }) : () -> ()
      %add3A_135 = arith.constant 1 : i32
      %add3A_136 = arith.addi %add3A_88, %add3A_135 : i32
      %mul3A_137 = arith.constant 131072 : i32
      %mul3A_138 = arith.muli %add3A, %mul3A_137 : i32
      %mul3A_139 = arith.constant 2048 : i32
      %mul3A_140 = arith.muli %add3A_136, %mul3A_139 : i32
      %add3A_141 = arith.addi %mul3A_138, %mul3A_140 : i32
      %dma_wait3A_142 = tpu.memref_slice %arg2[%add3A_141] : memref<4194304xf32, #tpu.memory_space<hbm>> -> memref<2048xf32, #tpu.memory_space<hbm>>
      %dma_wait3A_143 = tpu.memref_slice %arg2[%add3A_141] : memref<4194304xf32, #tpu.memory_space<hbm>> -> memref<2048xf32, #tpu.memory_space<hbm>>
      tpu.wait_dma2 semaphore(%arg22 : memref<!tpu.dma_semaphore, #tpu.memory_space<semaphore_mem>>) src(%dma_wait3A_143 : memref<2048xf32, #tpu.memory_space<hbm>>) dst(%arg7 : memref<2048xf32, #tpu.memory_space<vmem>>)
      %dma_wait3A_144 = tpu.memref_slice %arg3[%add3A_141] : memref<4194304xf32, #tpu.memory_space<hbm>> -> memref<2048xf32, #tpu.memory_space<hbm>>
      %dma_wait3A_145 = tpu.memref_slice %arg3[%add3A_141] : memref<4194304xf32, #tpu.memory_space<hbm>> -> memref<2048xf32, #tpu.memory_space<hbm>>
      tpu.wait_dma2 semaphore(%arg22 : memref<!tpu.dma_semaphore, #tpu.memory_space<semaphore_mem>>) src(%dma_wait3A_145 : memref<2048xf32, #tpu.memory_space<hbm>>) dst(%arg8 : memref<2048xf32, #tpu.memory_space<vmem>>)
      %dma_wait3A_146 = tpu.memref_slice %arg4[%add3A_141] : memref<4194304xf32, #tpu.memory_space<hbm>> -> memref<2048xf32, #tpu.memory_space<hbm>>
      %dma_wait3A_147 = tpu.memref_slice %arg4[%add3A_141] : memref<4194304xf32, #tpu.memory_space<hbm>> -> memref<2048xf32, #tpu.memory_space<hbm>>
      tpu.wait_dma2 semaphore(%arg22 : memref<!tpu.dma_semaphore, #tpu.memory_space<semaphore_mem>>) src(%dma_wait3A_147 : memref<2048xf32, #tpu.memory_space<hbm>>) dst(%arg9 : memref<2048xf32, #tpu.memory_space<vmem>>)
      %add3A_148 = arith.constant 1 : i32
      %add3A_149 = arith.addi %add3A_136, %add3A_148 : i32
      %mul3A_150 = arith.constant 131072 : i32
      %mul3A_151 = arith.muli %add3A, %mul3A_150 : i32
      %mul3A_152 = arith.constant 2048 : i32
      %mul3A_153 = arith.muli %add3A_149, %mul3A_152 : i32
      %add3A_154 = arith.addi %mul3A_151, %mul3A_153 : i32
      %dma_start3A_155 = tpu.memref_slice %arg2[%add3A_154] : memref<4194304xf32, #tpu.memory_space<hbm>> -> memref<2048xf32, #tpu.memory_space<hbm>>
      %dma_start3A_156 = tpu.memref_slice %arg2[%add3A_154] : memref<4194304xf32, #tpu.memory_space<hbm>> -> memref<2048xf32, #tpu.memory_space<hbm>>
      tpu.enqueue_dma source(%dma_start3A_156 : memref<2048xf32, #tpu.memory_space<hbm>>) target(%arg10 : memref<2048xf32, #tpu.memory_space<vmem>>) target_semaphore(%arg23 : memref<!tpu.dma_semaphore, #tpu.memory_space<semaphore_mem>>)
      %dma_start3A_157 = tpu.memref_slice %arg3[%add3A_154] : memref<4194304xf32, #tpu.memory_space<hbm>> -> memref<2048xf32, #tpu.memory_space<hbm>>
      %dma_start3A_158 = tpu.memref_slice %arg3[%add3A_154] : memref<4194304xf32, #tpu.memory_space<hbm>> -> memref<2048xf32, #tpu.memory_space<hbm>>
      tpu.enqueue_dma source(%dma_start3A_158 : memref<2048xf32, #tpu.memory_space<hbm>>) target(%arg11 : memref<2048xf32, #tpu.memory_space<vmem>>) target_semaphore(%arg23 : memref<!tpu.dma_semaphore, #tpu.memory_space<semaphore_mem>>)
      %dma_start3A_159 = tpu.memref_slice %arg4[%add3A_154] : memref<4194304xf32, #tpu.memory_space<hbm>> -> memref<2048xf32, #tpu.memory_space<hbm>>
      %dma_start3A_160 = tpu.memref_slice %arg4[%add3A_154] : memref<4194304xf32, #tpu.memory_space<hbm>> -> memref<2048xf32, #tpu.memory_space<hbm>>
      tpu.enqueue_dma source(%dma_start3A_160 : memref<2048xf32, #tpu.memory_space<hbm>>) target(%arg12 : memref<2048xf32, #tpu.memory_space<vmem>>) target_semaphore(%arg23 : memref<!tpu.dma_semaphore, #tpu.memory_space<semaphore_mem>>)
      %scan3A_161 = arith.constant 0 : i32
      %scan3A_162 = arith.constant 0 : i32
      %scan3A_163 = arith.constant 128 : i32
      %scan3A_164 = arith.addi %scan3A_162, %scan3A_163 : i32
      %scan3A_165 = arith.constant 1 : i32
      scf.for %scan3A_184 = %scan3A_162 to %scan3A_164 step %scan3A_165  : i32 {
        %mul3A_185 = arith.constant 16 : i32
        %mul3A_186 = arith.muli %scan3A_184, %mul3A_185 : i32
        %get3A = arith.index_cast %mul3A_186 : i32 to index
        %get3A_187 = tpu.vector_load %arg7[%get3A] {strides = array<i32>} : memref<2048xf32, #tpu.memory_space<vmem>>, vector<16xf32>,
        %get3A_188 = vector.shape_cast %get3A_187 : vector<16xf32> to vector<16xf32>
        %mul3A_189 = arith.constant 42.6666679 : f32
        %mul3A_190 = vector.broadcast %mul3A_189 : f32 to vector<16xf32>
        %mul3A_191 = arith.mulf %get3A_188, %mul3A_190 : vector<16xf32>
        %add3A_192 = arith.constant 1.275000e+02 : f32
        %add3A_193 = vector.broadcast %add3A_192 : f32 to vector<16xf32>
        %add3A_194 = arith.addf %mul3A_191, %add3A_193 : vector<16xf32>
        %convert_element_type3A = arith.fptosi %add3A_194 : vector<16xf32> to vector<16xi32>
        %convert_element_type3A_195 = arith.sitofp %convert_element_type3A : vector<16xi32> to vector<16xf32>
        %gt3A = arith.cmpf ogt, %convert_element_type3A_195, %add3A_194 : vector<16xf32>
        %sub3A_196 = arith.constant 1 : i32
        %sub3A_197 = vector.broadcast %sub3A_196 : i32 to vector<16xi32>
        %sub3A_198 = arith.subi %convert_element_type3A, %sub3A_197 : vector<16xi32>
        %select_n3A = arith.select %gt3A, %sub3A_198, %convert_element_type3A : vector<16xi1>, vector<16xi32>
        %convert_element_type3A_199 = arith.sitofp %select_n3A : vector<16xi32> to vector<16xf32>
        %sub3A_200 = arith.subf %add3A_194, %convert_element_type3A_199 : vector<16xf32>
        %ge3A = arith.constant 0 : i32
        %ge3A_201 = vector.broadcast %ge3A : i32 to vector<16xi32>
        %ge3A_202 = arith.cmpi sge, %select_n3A, %ge3A_201 : vector<16xi32>
        %le3A = arith.constant 255 : i32
        %le3A_203 = vector.broadcast %le3A : i32 to vector<16xi32>
        %le3A_204 = arith.cmpi sle, %select_n3A, %le3A_203 : vector<16xi32>
        %and3A = arith.andi %ge3A_202, %le3A_204 : vector<16xi1>
        %ge3A_205 = arith.constant -1 : i32
        %ge3A_206 = vector.broadcast %ge3A_205 : i32 to vector<16xi32>
        %ge3A_207 = arith.cmpi sge, %select_n3A, %ge3A_206 : vector<16xi32>
        %le3A_208 = arith.constant 254 : i32
        %le3A_209 = vector.broadcast %le3A_208 : i32 to vector<16xi32>
        %le3A_210 = arith.cmpi sle, %select_n3A, %le3A_209 : vector<16xi32>
        %and3A_211 = arith.andi %ge3A_207, %le3A_210 : vector<16xi1>
        %max3A = arith.constant 0 : i32
        %max3A_212 = vector.broadcast %max3A : i32 to vector<16xi32>
        %max3A_213 = arith.maxsi %select_n3A, %max3A_212 : vector<16xi32>
        %min3A = arith.constant 255 : i32
        %min3A_214 = vector.broadcast %min3A : i32 to vector<16xi32>
        %min3A_215 = arith.minsi %max3A_213, %min3A_214 : vector<16xi32>
        %add3A_216 = arith.constant 1 : i32
        %add3A_217 = vector.broadcast %add3A_216 : i32 to vector<16xi32>
        %add3A_218 = arith.addi %select_n3A, %add3A_217 : vector<16xi32>
        %max3A_219 = arith.constant 0 : i32
        %max3A_220 = vector.broadcast %max3A_219 : i32 to vector<16xi32>
        %max3A_221 = arith.maxsi %add3A_218, %max3A_220 : vector<16xi32>
        %min3A_222 = arith.constant 255 : i32
        %min3A_223 = vector.broadcast %min3A_222 : i32 to vector<16xi32>
        %min3A_224 = arith.minsi %max3A_221, %min3A_223 : vector<16xi32>
        %sub3A_225 = arith.constant 1.000000e+00 : f32
        %sub3A_226 = vector.broadcast %sub3A_225 : f32 to vector<16xf32>
        %sub3A_227 = arith.subf %sub3A_226, %sub3A_200 : vector<16xf32>
        %jit3A = arith.constant 0.000000e+00 : f32
        %broadcast_in_dim3A = vector.broadcast %jit3A : f32 to vector<16xf32>
        %select_n3A_228 = arith.select %and3A, %sub3A_227, %broadcast_in_dim3A : vector<16xi1>, vector<16xf32>
        %jit3A_229 = arith.constant 0.000000e+00 : f32
        %broadcast_in_dim3A_230 = vector.broadcast %jit3A_229 : f32 to vector<16xf32>
        %select_n3A_231 = arith.select %and3A_211, %sub3A_200, %broadcast_in_dim3A_230 : vector<16xi1>, vector<16xf32>
        %get3A_232 = arith.index_cast %mul3A_186 : i32 to index
        %get3A_233 = tpu.vector_load %arg8[%get3A_232] {strides = array<i32>} : memref<2048xf32, #tpu.memory_space<vmem>>, vector<16xf32>,
        %get3A_234 = vector.shape_cast %get3A_233 : vector<16xf32> to vector<16xf32>
        %mul3A_235 = arith.constant 42.6666679 : f32
        %mul3A_236 = vector.broadcast %mul3A_235 : f32 to vector<16xf32>
        %mul3A_237 = arith.mulf %get3A_234, %mul3A_236 : vector<16xf32>
        %add3A_238 = arith.constant 1.275000e+02 : f32
        %add3A_239 = vector.broadcast %add3A_238 : f32 to vector<16xf32>
        %add3A_240 = arith.addf %mul3A_237, %add3A_239 : vector<16xf32>
        %convert_element_type3A_241 = arith.fptosi %add3A_240 : vector<16xf32> to vector<16xi32>
        %convert_element_type3A_242 = arith.sitofp %convert_element_type3A_241 : vector<16xi32> to vector<16xf32>
        %gt3A_243 = arith.cmpf ogt, %convert_element_type3A_242, %add3A_240 : vector<16xf32>
        %sub3A_244 = arith.constant 1 : i32
        %sub3A_245 = vector.broadcast %sub3A_244 : i32 to vector<16xi32>
        %sub3A_246 = arith.subi %convert_element_type3A_241, %sub3A_245 : vector<16xi32>
        %select_n3A_247 = arith.select %gt3A_243, %sub3A_246, %convert_element_type3A_241 : vector<16xi1>, vector<16xi32>
        %convert_element_type3A_248 = arith.sitofp %select_n3A_247 : vector<16xi32> to vector<16xf32>
        %sub3A_249 = arith.subf %add3A_240, %convert_element_type3A_248 : vector<16xf32>
        %ge3A_250 = arith.constant 0 : i32
        %ge3A_251 = vector.broadcast %ge3A_250 : i32 to vector<16xi32>
        %ge3A_252 = arith.cmpi sge, %select_n3A_247, %ge3A_251 : vector<16xi32>
        %le3A_253 = arith.constant 255 : i32
        %le3A_254 = vector.broadcast %le3A_253 : i32 to vector<16xi32>
        %le3A_255 = arith.cmpi sle, %select_n3A_247, %le3A_254 : vector<16xi32>
        %and3A_256 = arith.andi %ge3A_252, %le3A_255 : vector<16xi1>
        %ge3A_257 = arith.constant -1 : i32
        %ge3A_258 = vector.broadcast %ge3A_257 : i32 to vector<16xi32>
        %ge3A_259 = arith.cmpi sge, %select_n3A_247, %ge3A_258 : vector<16xi32>
        %le3A_260 = arith.constant 254 : i32
        %le3A_261 = vector.broadcast %le3A_260 : i32 to vector<16xi32>
        %le3A_262 = arith.cmpi sle, %select_n3A_247, %le3A_261 : vector<16xi32>
        %and3A_263 = arith.andi %ge3A_259, %le3A_262 : vector<16xi1>
        %max3A_264 = arith.constant 0 : i32
        %max3A_265 = vector.broadcast %max3A_264 : i32 to vector<16xi32>
        %max3A_266 = arith.maxsi %select_n3A_247, %max3A_265 : vector<16xi32>
        %min3A_267 = arith.constant 255 : i32
        %min3A_268 = vector.broadcast %min3A_267 : i32 to vector<16xi32>
        %min3A_269 = arith.minsi %max3A_266, %min3A_268 : vector<16xi32>
        %add3A_270 = arith.constant 1 : i32
        %add3A_271 = vector.broadcast %add3A_270 : i32 to vector<16xi32>
        %add3A_272 = arith.addi %select_n3A_247, %add3A_271 : vector<16xi32>
        %max3A_273 = arith.constant 0 : i32
        %max3A_274 = vector.broadcast %max3A_273 : i32 to vector<16xi32>
        %max3A_275 = arith.maxsi %add3A_272, %max3A_274 : vector<16xi32>
        %min3A_276 = arith.constant 255 : i32
        %min3A_277 = vector.broadcast %min3A_276 : i32 to vector<16xi32>
        %min3A_278 = arith.minsi %max3A_275, %min3A_277 : vector<16xi32>
        %sub3A_279 = arith.constant 1.000000e+00 : f32
        %sub3A_280 = vector.broadcast %sub3A_279 : f32 to vector<16xf32>
        %sub3A_281 = arith.subf %sub3A_280, %sub3A_249 : vector<16xf32>
        %jit3A_282 = arith.constant 0.000000e+00 : f32
        %broadcast_in_dim3A_283 = vector.broadcast %jit3A_282 : f32 to vector<16xf32>
        %select_n3A_284 = arith.select %and3A_256, %sub3A_281, %broadcast_in_dim3A_283 : vector<16xi1>, vector<16xf32>
        %jit3A_285 = arith.constant 0.000000e+00 : f32
        %broadcast_in_dim3A_286 = vector.broadcast %jit3A_285 : f32 to vector<16xf32>
        %select_n3A_287 = arith.select %and3A_263, %sub3A_249, %broadcast_in_dim3A_286 : vector<16xi1>, vector<16xf32>
        %get3A_288 = arith.index_cast %mul3A_186 : i32 to index
        %get3A_289 = tpu.vector_load %arg9[%get3A_288] {strides = array<i32>} : memref<2048xf32, #tpu.memory_space<vmem>>, vector<16xf32>,
        %get3A_290 = vector.shape_cast %get3A_289 : vector<16xf32> to vector<16xf32>
        %mul3A_291 = arith.constant 42.6666679 : f32
        %mul3A_292 = vector.broadcast %mul3A_291 : f32 to vector<16xf32>
        %mul3A_293 = arith.mulf %get3A_290, %mul3A_292 : vector<16xf32>
        %add3A_294 = arith.constant 1.275000e+02 : f32
        %add3A_295 = vector.broadcast %add3A_294 : f32 to vector<16xf32>
        %add3A_296 = arith.addf %mul3A_293, %add3A_295 : vector<16xf32>
        %convert_element_type3A_297 = arith.fptosi %add3A_296 : vector<16xf32> to vector<16xi32>
        %convert_element_type3A_298 = arith.sitofp %convert_element_type3A_297 : vector<16xi32> to vector<16xf32>
        %gt3A_299 = arith.cmpf ogt, %convert_element_type3A_298, %add3A_296 : vector<16xf32>
        %sub3A_300 = arith.constant 1 : i32
        %sub3A_301 = vector.broadcast %sub3A_300 : i32 to vector<16xi32>
        %sub3A_302 = arith.subi %convert_element_type3A_297, %sub3A_301 : vector<16xi32>
        %select_n3A_303 = arith.select %gt3A_299, %sub3A_302, %convert_element_type3A_297 : vector<16xi1>, vector<16xi32>
        %convert_element_type3A_304 = arith.sitofp %select_n3A_303 : vector<16xi32> to vector<16xf32>
        %sub3A_305 = arith.subf %add3A_296, %convert_element_type3A_304 : vector<16xf32>
        %ge3A_306 = arith.constant 0 : i32
        %ge3A_307 = vector.broadcast %ge3A_306 : i32 to vector<16xi32>
        %ge3A_308 = arith.cmpi sge, %select_n3A_303, %ge3A_307 : vector<16xi32>
        %le3A_309 = arith.constant 255 : i32
        %le3A_310 = vector.broadcast %le3A_309 : i32 to vector<16xi32>
        %le3A_311 = arith.cmpi sle, %select_n3A_303, %le3A_310 : vector<16xi32>
        %and3A_312 = arith.andi %ge3A_308, %le3A_311 : vector<16xi1>
        %ge3A_313 = arith.constant -1 : i32
        %ge3A_314 = vector.broadcast %ge3A_313 : i32 to vector<16xi32>
        %ge3A_315 = arith.cmpi sge, %select_n3A_303, %ge3A_314 : vector<16xi32>
        %le3A_316 = arith.constant 254 : i32
        %le3A_317 = vector.broadcast %le3A_316 : i32 to vector<16xi32>
        %le3A_318 = arith.cmpi sle, %select_n3A_303, %le3A_317 : vector<16xi32>
        %and3A_319 = arith.andi %ge3A_315, %le3A_318 : vector<16xi1>
        %max3A_320 = arith.constant 0 : i32
        %max3A_321 = vector.broadcast %max3A_320 : i32 to vector<16xi32>
        %max3A_322 = arith.maxsi %select_n3A_303, %max3A_321 : vector<16xi32>
        %min3A_323 = arith.constant 255 : i32
        %min3A_324 = vector.broadcast %min3A_323 : i32 to vector<16xi32>
        %min3A_325 = arith.minsi %max3A_322, %min3A_324 : vector<16xi32>
        %add3A_326 = arith.constant 1 : i32
        %add3A_327 = vector.broadcast %add3A_326 : i32 to vector<16xi32>
        %add3A_328 = arith.addi %select_n3A_303, %add3A_327 : vector<16xi32>
        %max3A_329 = arith.constant 0 : i32
        %max3A_330 = vector.broadcast %max3A_329 : i32 to vector<16xi32>
        %max3A_331 = arith.maxsi %add3A_328, %max3A_330 : vector<16xi32>
        %min3A_332 = arith.constant 255 : i32
        %min3A_333 = vector.broadcast %min3A_332 : i32 to vector<16xi32>
        %min3A_334 = arith.minsi %max3A_331, %min3A_333 : vector<16xi32>
        %sub3A_335 = arith.constant 1.000000e+00 : f32
        %sub3A_336 = vector.broadcast %sub3A_335 : f32 to vector<16xf32>
        %sub3A_337 = arith.subf %sub3A_336, %sub3A_305 : vector<16xf32>
        %jit3A_338 = arith.constant 0.000000e+00 : f32
        %broadcast_in_dim3A_339 = vector.broadcast %jit3A_338 : f32 to vector<16xf32>
        %select_n3A_340 = arith.select %and3A_312, %sub3A_337, %broadcast_in_dim3A_339 : vector<16xi1>, vector<16xf32>
        %jit3A_341 = arith.constant 0.000000e+00 : f32
        %broadcast_in_dim3A_342 = vector.broadcast %jit3A_341 : f32 to vector<16xf32>
        %select_n3A_343 = arith.select %and3A_319, %sub3A_305, %broadcast_in_dim3A_342 : vector<16xi1>, vector<16xf32>
        %mul3A_344 = arith.constant 65536 : i32
        %mul3A_345 = vector.broadcast %mul3A_344 : i32 to vector<16xi32>
        %mul3A_346 = arith.muli %min3A_325, %mul3A_345 : vector<16xi32>
        %mul3A_347 = arith.constant 256 : i32
        %mul3A_348 = vector.broadcast %mul3A_347 : i32 to vector<16xi32>
        %mul3A_349 = arith.muli %min3A_269, %mul3A_348 : vector<16xi32>
        %add3A_350 = arith.addi %mul3A_346, %mul3A_349 : vector<16xi32>
        %mul3A_351 = arith.mulf %select_n3A_340, %select_n3A_284 : vector<16xf32>
        %add3A_352 = arith.addi %add3A_350, %min3A_215 : vector<16xi32>
        %add3A_353 = arith.constant 0 : i32
        %add3A_354 = arith.addi %add3A_353, %mul3A_186 : i32
        %swap3A = arith.index_cast %add3A_354 : i32 to index
        %swap3A_355 = tpu.vector_load %arg13[%swap3A] {strides = array<i32>} : memref<16384xi32, #tpu.memory_space<vmem>>, vector<16xi32>,
        %swap3A_356 = vector.shape_cast %swap3A_355 : vector<16xi32> to vector<16xi32>
        %swap3A_357 = vector.shape_cast %add3A_352 : vector<16xi32> to vector<16xi32>
        tpu.vector_store %arg13[%swap3A], %swap3A_357 {strides = array<i32>} : memref<16384xi32, #tpu.memory_space<vmem>>, vector<16xi32>,
        %mul3A_358 = arith.mulf %mul3A_351, %select_n3A_228 : vector<16xf32>
        %add3A_359 = arith.constant 0 : i32
        %add3A_360 = arith.addi %add3A_359, %mul3A_186 : i32
        %swap3A_361 = arith.index_cast %add3A_360 : i32 to index
        %swap3A_362 = tpu.vector_load %arg17[%swap3A_361] {strides = array<i32>} : memref<16384xf32, #tpu.memory_space<vmem>>, vector<16xf32>,
        %swap3A_363 = vector.shape_cast %swap3A_362 : vector<16xf32> to vector<16xf32>
        %swap3A_364 = vector.shape_cast %mul3A_358 : vector<16xf32> to vector<16xf32>
        tpu.vector_store %arg17[%swap3A_361], %swap3A_364 {strides = array<i32>} : memref<16384xf32, #tpu.memory_space<vmem>>, vector<16xf32>,
        %add3A_365 = arith.addi %add3A_350, %min3A_224 : vector<16xi32>
        %add3A_366 = arith.constant 2048 : i32
        %add3A_367 = arith.addi %add3A_366, %mul3A_186 : i32
        %swap3A_368 = arith.index_cast %add3A_367 : i32 to index
        %swap3A_369 = tpu.vector_load %arg13[%swap3A_368] {strides = array<i32>} : memref<16384xi32, #tpu.memory_space<vmem>>, vector<16xi32>,
        %swap3A_370 = vector.shape_cast %swap3A_369 : vector<16xi32> to vector<16xi32>
        %swap3A_371 = vector.shape_cast %add3A_365 : vector<16xi32> to vector<16xi32>
        tpu.vector_store %arg13[%swap3A_368], %swap3A_371 {strides = array<i32>} : memref<16384xi32, #tpu.memory_space<vmem>>, vector<16xi32>,
        %mul3A_372 = arith.mulf %mul3A_351, %select_n3A_231 : vector<16xf32>
        %add3A_373 = arith.constant 2048 : i32
        %add3A_374 = arith.addi %add3A_373, %mul3A_186 : i32
        %swap3A_375 = arith.index_cast %add3A_374 : i32 to index
        %swap3A_376 = tpu.vector_load %arg17[%swap3A_375] {strides = array<i32>} : memref<16384xf32, #tpu.memory_space<vmem>>, vector<16xf32>,
        %swap3A_377 = vector.shape_cast %swap3A_376 : vector<16xf32> to vector<16xf32>
        %swap3A_378 = vector.shape_cast %mul3A_372 : vector<16xf32> to vector<16xf32>
        tpu.vector_store %arg17[%swap3A_375], %swap3A_378 {strides = array<i32>} : memref<16384xf32, #tpu.memory_space<vmem>>, vector<16xf32>,
        %mul3A_379 = arith.constant 256 : i32
        %mul3A_380 = vector.broadcast %mul3A_379 : i32 to vector<16xi32>
        %mul3A_381 = arith.muli %min3A_278, %mul3A_380 : vector<16xi32>
        %add3A_382 = arith.addi %mul3A_346, %mul3A_381 : vector<16xi32>
        %mul3A_383 = arith.mulf %select_n3A_340, %select_n3A_287 : vector<16xf32>
        %add3A_384 = arith.addi %add3A_382, %min3A_215 : vector<16xi32>
        %add3A_385 = arith.constant 4096 : i32
        %add3A_386 = arith.addi %add3A_385, %mul3A_186 : i32
        %swap3A_387 = arith.index_cast %add3A_386 : i32 to index
        %swap3A_388 = tpu.vector_load %arg13[%swap3A_387] {strides = array<i32>} : memref<16384xi32, #tpu.memory_space<vmem>>, vector<16xi32>,
        %swap3A_389 = vector.shape_cast %swap3A_388 : vector<16xi32> to vector<16xi32>
        %swap3A_390 = vector.shape_cast %add3A_384 : vector<16xi32> to vector<16xi32>
        tpu.vector_store %arg13[%swap3A_387], %swap3A_390 {strides = array<i32>} : memref<16384xi32, #tpu.memory_space<vmem>>, vector<16xi32>,
        %mul3A_391 = arith.mulf %mul3A_383, %select_n3A_228 : vector<16xf32>
        %add3A_392 = arith.constant 4096 : i32
        %add3A_393 = arith.addi %add3A_392, %mul3A_186 : i32
        %swap3A_394 = arith.index_cast %add3A_393 : i32 to index
        %swap3A_395 = tpu.vector_load %arg17[%swap3A_394] {strides = array<i32>} : memref<16384xf32, #tpu.memory_space<vmem>>, vector<16xf32>,
        %swap3A_396 = vector.shape_cast %swap3A_395 : vector<16xf32> to vector<16xf32>
        %swap3A_397 = vector.shape_cast %mul3A_391 : vector<16xf32> to vector<16xf32>
        tpu.vector_store %arg17[%swap3A_394], %swap3A_397 {strides = array<i32>} : memref<16384xf32, #tpu.memory_space<vmem>>, vector<16xf32>,
        %add3A_398 = arith.addi %add3A_382, %min3A_224 : vector<16xi32>
        %add3A_399 = arith.constant 6144 : i32
        %add3A_400 = arith.addi %add3A_399, %mul3A_186 : i32
        %swap3A_401 = arith.index_cast %add3A_400 : i32 to index
        %swap3A_402 = tpu.vector_load %arg13[%swap3A_401] {strides = array<i32>} : memref<16384xi32, #tpu.memory_space<vmem>>, vector<16xi32>,
        %swap3A_403 = vector.shape_cast %swap3A_402 : vector<16xi32> to vector<16xi32>
        %swap3A_404 = vector.shape_cast %add3A_398 : vector<16xi32> to vector<16xi32>
        tpu.vector_store %arg13[%swap3A_401], %swap3A_404 {strides = array<i32>} : memref<16384xi32, #tpu.memory_space<vmem>>, vector<16xi32>,
        %mul3A_405 = arith.mulf %mul3A_383, %select_n3A_231 : vector<16xf32>
        %add3A_406 = arith.constant 6144 : i32
        %add3A_407 = arith.addi %add3A_406, %mul3A_186 : i32
        %swap3A_408 = arith.index_cast %add3A_407 : i32 to index
        %swap3A_409 = tpu.vector_load %arg17[%swap3A_408] {strides = array<i32>} : memref<16384xf32, #tpu.memory_space<vmem>>, vector<16xf32>,
        %swap3A_410 = vector.shape_cast %swap3A_409 : vector<16xf32> to vector<16xf32>
        %swap3A_411 = vector.shape_cast %mul3A_405 : vector<16xf32> to vector<16xf32>
        tpu.vector_store %arg17[%swap3A_408], %swap3A_411 {strides = array<i32>} : memref<16384xf32, #tpu.memory_space<vmem>>, vector<16xf32>,
        %mul3A_412 = arith.constant 65536 : i32
        %mul3A_413 = vector.broadcast %mul3A_412 : i32 to vector<16xi32>
        %mul3A_414 = arith.muli %min3A_334, %mul3A_413 : vector<16xi32>
        %mul3A_415 = arith.constant 256 : i32
        %mul3A_416 = vector.broadcast %mul3A_415 : i32 to vector<16xi32>
        %mul3A_417 = arith.muli %min3A_269, %mul3A_416 : vector<16xi32>
        %add3A_418 = arith.addi %mul3A_414, %mul3A_417 : vector<16xi32>
        %mul3A_419 = arith.mulf %select_n3A_343, %select_n3A_284 : vector<16xf32>
        %add3A_420 = arith.addi %add3A_418, %min3A_215 : vector<16xi32>
        %add3A_421 = arith.constant 8192 : i32
        %add3A_422 = arith.addi %add3A_421, %mul3A_186 : i32
        %swap3A_423 = arith.index_cast %add3A_422 : i32 to index
        %swap3A_424 = tpu.vector_load %arg13[%swap3A_423] {strides = array<i32>} : memref<16384xi32, #tpu.memory_space<vmem>>, vector<16xi32>,
        %swap3A_425 = vector.shape_cast %swap3A_424 : vector<16xi32> to vector<16xi32>
        %swap3A_426 = vector.shape_cast %add3A_420 : vector<16xi32> to vector<16xi32>
        tpu.vector_store %arg13[%swap3A_423], %swap3A_426 {strides = array<i32>} : memref<16384xi32, #tpu.memory_space<vmem>>, vector<16xi32>,
        %mul3A_427 = arith.mulf %mul3A_419, %select_n3A_228 : vector<16xf32>
        %add3A_428 = arith.constant 8192 : i32
        %add3A_429 = arith.addi %add3A_428, %mul3A_186 : i32
        %swap3A_430 = arith.index_cast %add3A_429 : i32 to index
        %swap3A_431 = tpu.vector_load %arg17[%swap3A_430] {strides = array<i32>} : memref<16384xf32, #tpu.memory_space<vmem>>, vector<16xf32>,
        %swap3A_432 = vector.shape_cast %swap3A_431 : vector<16xf32> to vector<16xf32>
        %swap3A_433 = vector.shape_cast %mul3A_427 : vector<16xf32> to vector<16xf32>
        tpu.vector_store %arg17[%swap3A_430], %swap3A_433 {strides = array<i32>} : memref<16384xf32, #tpu.memory_space<vmem>>, vector<16xf32>,
        %add3A_434 = arith.addi %add3A_418, %min3A_224 : vector<16xi32>
        %add3A_435 = arith.constant 10240 : i32
        %add3A_436 = arith.addi %add3A_435, %mul3A_186 : i32
        %swap3A_437 = arith.index_cast %add3A_436 : i32 to index
        %swap3A_438 = tpu.vector_load %arg13[%swap3A_437] {strides = array<i32>} : memref<16384xi32, #tpu.memory_space<vmem>>, vector<16xi32>,
        %swap3A_439 = vector.shape_cast %swap3A_438 : vector<16xi32> to vector<16xi32>
        %swap3A_440 = vector.shape_cast %add3A_434 : vector<16xi32> to vector<16xi32>
        tpu.vector_store %arg13[%swap3A_437], %swap3A_440 {strides = array<i32>} : memref<16384xi32, #tpu.memory_space<vmem>>, vector<16xi32>,
        %mul3A_441 = arith.mulf %mul3A_419, %select_n3A_231 : vector<16xf32>
        %add3A_442 = arith.constant 10240 : i32
        %add3A_443 = arith.addi %add3A_442, %mul3A_186 : i32
        %swap3A_444 = arith.index_cast %add3A_443 : i32 to index
        %swap3A_445 = tpu.vector_load %arg17[%swap3A_444] {strides = array<i32>} : memref<16384xf32, #tpu.memory_space<vmem>>, vector<16xf32>,
        %swap3A_446 = vector.shape_cast %swap3A_445 : vector<16xf32> to vector<16xf32>
        %swap3A_447 = vector.shape_cast %mul3A_441 : vector<16xf32> to vector<16xf32>
        tpu.vector_store %arg17[%swap3A_444], %swap3A_447 {strides = array<i32>} : memref<16384xf32, #tpu.memory_space<vmem>>, vector<16xf32>,
        %mul3A_448 = arith.constant 256 : i32
        %mul3A_449 = vector.broadcast %mul3A_448 : i32 to vector<16xi32>
        %mul3A_450 = arith.muli %min3A_278, %mul3A_449 : vector<16xi32>
        %add3A_451 = arith.addi %mul3A_414, %mul3A_450 : vector<16xi32>
        %mul3A_452 = arith.mulf %select_n3A_343, %select_n3A_287 : vector<16xf32>
        %add3A_453 = arith.addi %add3A_451, %min3A_215 : vector<16xi32>
        %add3A_454 = arith.constant 12288 : i32
        %add3A_455 = arith.addi %add3A_454, %mul3A_186 : i32
        %swap3A_456 = arith.index_cast %add3A_455 : i32 to index
        %swap3A_457 = tpu.vector_load %arg13[%swap3A_456] {strides = array<i32>} : memref<16384xi32, #tpu.memory_space<vmem>>, vector<16xi32>,
        %swap3A_458 = vector.shape_cast %swap3A_457 : vector<16xi32> to vector<16xi32>
        %swap3A_459 = vector.shape_cast %add3A_453 : vector<16xi32> to vector<16xi32>
        tpu.vector_store %arg13[%swap3A_456], %swap3A_459 {strides = array<i32>} : memref<16384xi32, #tpu.memory_space<vmem>>, vector<16xi32>,
        %mul3A_460 = arith.mulf %mul3A_452, %select_n3A_228 : vector<16xf32>
        %add3A_461 = arith.constant 12288 : i32
        %add3A_462 = arith.addi %add3A_461, %mul3A_186 : i32
        %swap3A_463 = arith.index_cast %add3A_462 : i32 to index
        %swap3A_464 = tpu.vector_load %arg17[%swap3A_463] {strides = array<i32>} : memref<16384xf32, #tpu.memory_space<vmem>>, vector<16xf32>,
        %swap3A_465 = vector.shape_cast %swap3A_464 : vector<16xf32> to vector<16xf32>
        %swap3A_466 = vector.shape_cast %mul3A_460 : vector<16xf32> to vector<16xf32>
        tpu.vector_store %arg17[%swap3A_463], %swap3A_466 {strides = array<i32>} : memref<16384xf32, #tpu.memory_space<vmem>>, vector<16xf32>,
        %add3A_467 = arith.addi %add3A_451, %min3A_224 : vector<16xi32>
        %add3A_468 = arith.constant 14336 : i32
        %add3A_469 = arith.addi %add3A_468, %mul3A_186 : i32
        %swap3A_470 = arith.index_cast %add3A_469 : i32 to index
        %swap3A_471 = tpu.vector_load %arg13[%swap3A_470] {strides = array<i32>} : memref<16384xi32, #tpu.memory_space<vmem>>, vector<16xi32>,
        %swap3A_472 = vector.shape_cast %swap3A_471 : vector<16xi32> to vector<16xi32>
        %swap3A_473 = vector.shape_cast %add3A_467 : vector<16xi32> to vector<16xi32>
        tpu.vector_store %arg13[%swap3A_470], %swap3A_473 {strides = array<i32>} : memref<16384xi32, #tpu.memory_space<vmem>>, vector<16xi32>,
        %mul3A_474 = arith.mulf %mul3A_452, %select_n3A_231 : vector<16xf32>
        %add3A_475 = arith.constant 14336 : i32
        %add3A_476 = arith.addi %add3A_475, %mul3A_186 : i32
        %swap3A_477 = arith.index_cast %add3A_476 : i32 to index
        %swap3A_478 = tpu.vector_load %arg17[%swap3A_477] {strides = array<i32>} : memref<16384xf32, #tpu.memory_space<vmem>>, vector<16xf32>,
        %swap3A_479 = vector.shape_cast %swap3A_478 : vector<16xf32> to vector<16xf32>
        %swap3A_480 = vector.shape_cast %mul3A_474 : vector<16xf32> to vector<16xf32>
        tpu.vector_store %arg17[%swap3A_477], %swap3A_480 {strides = array<i32>} : memref<16384xf32, #tpu.memory_space<vmem>>, vector<16xf32>,
      }
      %scan3A_166 = arith.constant 128 : i32
      %dma_wait3A_167 = arith.constant 0 : i32
      %dma_wait3A_168 = tpu.memref_slice %arg5[%dma_wait3A_167] : memref<16777216xf32, #tpu.memory_space<hbm>> -> memref<16777216xf32, #tpu.memory_space<hbm>>
      tpu.wait_indirect_dma semaphore(%arg21 : memref<!tpu.dma_semaphore, #tpu.memory_space<semaphore_mem>>) src(%dma_wait3A_168 : memref<16777216xf32, #tpu.memory_space<hbm>>) dst(%arg16 : memref<16384xf32, #tpu.memory_space<vmem>>)
      %dma_start3A_169 = arith.constant 0 : i32
      %dma_start3A_170 = tpu.memref_slice %arg5[%dma_start3A_169] : memref<16777216xf32, #tpu.memory_space<hbm>> -> memref<16777216xf32, #tpu.memory_space<hbm>>
      tpu.enqueue_indirect_dma source(%dma_start3A_170 : memref<16777216xf32, #tpu.memory_space<hbm>>) target(%arg15 : memref<16384xf32, #tpu.memory_space<vmem>>) offsets(%arg13 : memref<16384xi32, #tpu.memory_space<vmem>>) semaphore(%arg20 : memref<!tpu.dma_semaphore, #tpu.memory_space<semaphore_mem>>)
      %sub3A_171 = arith.constant 1 : i32
      %sub3A_172 = arith.subi %add3A_136, %sub3A_171 : i32
      %scan3A_173 = arith.constant 0 : i32
      %scan3A_174 = arith.constant 0 : i32
      %scan3A_175 = arith.constant 128 : i32
      %scan3A_176 = arith.addi %scan3A_174, %scan3A_175 : i32
      %scan3A_177 = arith.constant 1 : i32
      scf.for %scan3A_184 = %scan3A_174 to %scan3A_176 step %scan3A_177  : i32 {
        %mul3A_185 = arith.constant 16 : i32
        %mul3A_186 = arith.muli %scan3A_184, %mul3A_185 : i32
        %get3A = arith.index_cast %mul3A_186 : i32 to index
        %get3A_187 = tpu.vector_load %arg18[%get3A] {strides = array<i32>} : memref<16384xf32, #tpu.memory_space<vmem>>, vector<16xf32>,
        %get3A_188 = vector.shape_cast %get3A_187 : vector<16xf32> to vector<16xf32>
        %get3A_189 = arith.index_cast %mul3A_186 : i32 to index
        %get3A_190 = tpu.vector_load %arg16[%get3A_189] {strides = array<i32>} : memref<16384xf32, #tpu.memory_space<vmem>>, vector<16xf32>,
        %get3A_191 = vector.shape_cast %get3A_190 : vector<16xf32> to vector<16xf32>
        %mul3A_192 = arith.mulf %get3A_188, %get3A_191 : vector<16xf32>
        %add3A_193 = arith.constant 2048 : i32
        %add3A_194 = arith.addi %add3A_193, %mul3A_186 : i32
        %get3A_195 = arith.index_cast %add3A_194 : i32 to index
        %get3A_196 = tpu.vector_load %arg18[%get3A_195] {strides = array<i32>} : memref<16384xf32, #tpu.memory_space<vmem>>, vector<16xf32>,
        %get3A_197 = vector.shape_cast %get3A_196 : vector<16xf32> to vector<16xf32>
        %get3A_198 = arith.index_cast %add3A_194 : i32 to index
        %get3A_199 = tpu.vector_load %arg16[%get3A_198] {strides = array<i32>} : memref<16384xf32, #tpu.memory_space<vmem>>, vector<16xf32>,
        %get3A_200 = vector.shape_cast %get3A_199 : vector<16xf32> to vector<16xf32>
        %mul3A_201 = arith.mulf %get3A_197, %get3A_200 : vector<16xf32>
        %add3A_202 = arith.addf %mul3A_192, %mul3A_201 : vector<16xf32>
        %add3A_203 = arith.constant 4096 : i32
        %add3A_204 = arith.addi %add3A_203, %mul3A_186 : i32
        %get3A_205 = arith.index_cast %add3A_204 : i32 to index
        %get3A_206 = tpu.vector_load %arg18[%get3A_205] {strides = array<i32>} : memref<16384xf32, #tpu.memory_space<vmem>>, vector<16xf32>,
        %get3A_207 = vector.shape_cast %get3A_206 : vector<16xf32> to vector<16xf32>
        %get3A_208 = arith.index_cast %add3A_204 : i32 to index
        %get3A_209 = tpu.vector_load %arg16[%get3A_208] {strides = array<i32>} : memref<16384xf32, #tpu.memory_space<vmem>>, vector<16xf32>,
        %get3A_210 = vector.shape_cast %get3A_209 : vector<16xf32> to vector<16xf32>
        %mul3A_211 = arith.mulf %get3A_207, %get3A_210 : vector<16xf32>
        %add3A_212 = arith.addf %add3A_202, %mul3A_211 : vector<16xf32>
        %add3A_213 = arith.constant 6144 : i32
        %add3A_214 = arith.addi %add3A_213, %mul3A_186 : i32
        %get3A_215 = arith.index_cast %add3A_214 : i32 to index
        %get3A_216 = tpu.vector_load %arg18[%get3A_215] {strides = array<i32>} : memref<16384xf32, #tpu.memory_space<vmem>>, vector<16xf32>,
        %get3A_217 = vector.shape_cast %get3A_216 : vector<16xf32> to vector<16xf32>
        %get3A_218 = arith.index_cast %add3A_214 : i32 to index
        %get3A_219 = tpu.vector_load %arg16[%get3A_218] {strides = array<i32>} : memref<16384xf32, #tpu.memory_space<vmem>>, vector<16xf32>,
        %get3A_220 = vector.shape_cast %get3A_219 : vector<16xf32> to vector<16xf32>
        %mul3A_221 = arith.mulf %get3A_217, %get3A_220 : vector<16xf32>
        %add3A_222 = arith.addf %add3A_212, %mul3A_221 : vector<16xf32>
        %add3A_223 = arith.constant 8192 : i32
        %add3A_224 = arith.addi %add3A_223, %mul3A_186 : i32
        %get3A_225 = arith.index_cast %add3A_224 : i32 to index
        %get3A_226 = tpu.vector_load %arg18[%get3A_225] {strides = array<i32>} : memref<16384xf32, #tpu.memory_space<vmem>>, vector<16xf32>,
        %get3A_227 = vector.shape_cast %get3A_226 : vector<16xf32> to vector<16xf32>
        %get3A_228 = arith.index_cast %add3A_224 : i32 to index
        %get3A_229 = tpu.vector_load %arg16[%get3A_228] {strides = array<i32>} : memref<16384xf32, #tpu.memory_space<vmem>>, vector<16xf32>,
        %get3A_230 = vector.shape_cast %get3A_229 : vector<16xf32> to vector<16xf32>
        %mul3A_231 = arith.mulf %get3A_227, %get3A_230 : vector<16xf32>
        %add3A_232 = arith.addf %add3A_222, %mul3A_231 : vector<16xf32>
        %add3A_233 = arith.constant 10240 : i32
        %add3A_234 = arith.addi %add3A_233, %mul3A_186 : i32
        %get3A_235 = arith.index_cast %add3A_234 : i32 to index
        %get3A_236 = tpu.vector_load %arg18[%get3A_235] {strides = array<i32>} : memref<16384xf32, #tpu.memory_space<vmem>>, vector<16xf32>,
        %get3A_237 = vector.shape_cast %get3A_236 : vector<16xf32> to vector<16xf32>
        %get3A_238 = arith.index_cast %add3A_234 : i32 to index
        %get3A_239 = tpu.vector_load %arg16[%get3A_238] {strides = array<i32>} : memref<16384xf32, #tpu.memory_space<vmem>>, vector<16xf32>,
        %get3A_240 = vector.shape_cast %get3A_239 : vector<16xf32> to vector<16xf32>
        %mul3A_241 = arith.mulf %get3A_237, %get3A_240 : vector<16xf32>
        %add3A_242 = arith.addf %add3A_232, %mul3A_241 : vector<16xf32>
        %add3A_243 = arith.constant 12288 : i32
        %add3A_244 = arith.addi %add3A_243, %mul3A_186 : i32
        %get3A_245 = arith.index_cast %add3A_244 : i32 to index
        %get3A_246 = tpu.vector_load %arg18[%get3A_245] {strides = array<i32>} : memref<16384xf32, #tpu.memory_space<vmem>>, vector<16xf32>,
        %get3A_247 = vector.shape_cast %get3A_246 : vector<16xf32> to vector<16xf32>
        %get3A_248 = arith.index_cast %add3A_244 : i32 to index
        %get3A_249 = tpu.vector_load %arg16[%get3A_248] {strides = array<i32>} : memref<16384xf32, #tpu.memory_space<vmem>>, vector<16xf32>,
        %get3A_250 = vector.shape_cast %get3A_249 : vector<16xf32> to vector<16xf32>
        %mul3A_251 = arith.mulf %get3A_247, %get3A_250 : vector<16xf32>
        %add3A_252 = arith.addf %add3A_242, %mul3A_251 : vector<16xf32>
        %add3A_253 = arith.constant 14336 : i32
        %add3A_254 = arith.addi %add3A_253, %mul3A_186 : i32
        %get3A_255 = arith.index_cast %add3A_254 : i32 to index
        %get3A_256 = tpu.vector_load %arg18[%get3A_255] {strides = array<i32>} : memref<16384xf32, #tpu.memory_space<vmem>>, vector<16xf32>,
        %get3A_257 = vector.shape_cast %get3A_256 : vector<16xf32> to vector<16xf32>
        %get3A_258 = arith.index_cast %add3A_254 : i32 to index
        %get3A_259 = tpu.vector_load %arg16[%get3A_258] {strides = array<i32>} : memref<16384xf32, #tpu.memory_space<vmem>>, vector<16xf32>,
        %get3A_260 = vector.shape_cast %get3A_259 : vector<16xf32> to vector<16xf32>
        %mul3A_261 = arith.mulf %get3A_257, %get3A_260 : vector<16xf32>
        %add3A_262 = arith.addf %add3A_252, %mul3A_261 : vector<16xf32>
        %swap3A = arith.index_cast %mul3A_186 : i32 to index
        %swap3A_263 = tpu.vector_load %arg19[%swap3A] {strides = array<i32>} : memref<2048xf32, #tpu.memory_space<vmem>>, vector<16xf32>,
        %swap3A_264 = vector.shape_cast %swap3A_263 : vector<16xf32> to vector<16xf32>
        %swap3A_265 = vector.shape_cast %add3A_262 : vector<16xf32> to vector<16xf32>
        tpu.vector_store %arg19[%swap3A], %swap3A_265 {strides = array<i32>} : memref<2048xf32, #tpu.memory_space<vmem>>, vector<16xf32>,
      }
      %scan3A_178 = arith.constant 128 : i32
      %mul3A_179 = arith.constant 131072 : i32
      %mul3A_180 = arith.muli %add3A, %mul3A_179 : i32
      %mul3A_181 = arith.constant 2048 : i32
      %mul3A_182 = arith.muli %sub3A_172, %mul3A_181 : i32
      %add3A_183 = arith.addi %mul3A_180, %mul3A_182 : i32
      "tpu.region"() ({
        %run_scoped3A = tpu.sem_alloc : memref<!tpu.dma_semaphore, #tpu.memory_space<semaphore_mem>>
        %dma_start3A_184 = tpu.memref_slice %arg6[%add3A_183] : memref<4194304xf32, #tpu.memory_space<hbm>> -> memref<2048xf32, #tpu.memory_space<hbm>>
        %dma_start3A_185 = tpu.memref_slice %arg6[%add3A_183] : memref<4194304xf32, #tpu.memory_space<hbm>> -> memref<2048xf32, #tpu.memory_space<hbm>>
        tpu.enqueue_dma source(%arg19 : memref<2048xf32, #tpu.memory_space<vmem>>) target(%dma_start3A_185 : memref<2048xf32, #tpu.memory_space<hbm>>) target_semaphore(%run_scoped3A : memref<!tpu.dma_semaphore, #tpu.memory_space<semaphore_mem>>)
        %dma_wait3A_186 = tpu.memref_slice %arg6[%add3A_183] : memref<4194304xf32, #tpu.memory_space<hbm>> -> memref<2048xf32, #tpu.memory_space<hbm>>
        %dma_wait3A_187 = tpu.memref_slice %arg6[%add3A_183] : memref<4194304xf32, #tpu.memory_space<hbm>> -> memref<2048xf32, #tpu.memory_space<hbm>>
        tpu.wait_dma2 semaphore(%run_scoped3A : memref<!tpu.dma_semaphore, #tpu.memory_space<semaphore_mem>>) src(%arg19 : memref<2048xf32, #tpu.memory_space<vmem>>) dst(%dma_wait3A_187 : memref<2048xf32, #tpu.memory_space<hbm>>)
        tpu.yield
      }) : () -> ()
    }
    %scan3A_41 = arith.constant 31 : i32
    %mul3A_42 = arith.constant 131072 : i32
    %mul3A_43 = arith.muli %add3A, %mul3A_42 : i32
    %add3A_44 = arith.constant 129024 : i32
    %add3A_45 = arith.addi %mul3A_43, %add3A_44 : i32
    %dma_wait3A_46 = tpu.memref_slice %arg2[%add3A_45] : memref<4194304xf32, #tpu.memory_space<hbm>> -> memref<2048xf32, #tpu.memory_space<hbm>>
    %dma_wait3A_47 = tpu.memref_slice %arg2[%add3A_45] : memref<4194304xf32, #tpu.memory_space<hbm>> -> memref<2048xf32, #tpu.memory_space<hbm>>
    tpu.wait_dma2 semaphore(%arg23 : memref<!tpu.dma_semaphore, #tpu.memory_space<semaphore_mem>>) src(%dma_wait3A_47 : memref<2048xf32, #tpu.memory_space<hbm>>) dst(%arg10 : memref<2048xf32, #tpu.memory_space<vmem>>)
    %dma_wait3A_48 = tpu.memref_slice %arg3[%add3A_45] : memref<4194304xf32, #tpu.memory_space<hbm>> -> memref<2048xf32, #tpu.memory_space<hbm>>
    %dma_wait3A_49 = tpu.memref_slice %arg3[%add3A_45] : memref<4194304xf32, #tpu.memory_space<hbm>> -> memref<2048xf32, #tpu.memory_space<hbm>>
    tpu.wait_dma2 semaphore(%arg23 : memref<!tpu.dma_semaphore, #tpu.memory_space<semaphore_mem>>) src(%dma_wait3A_49 : memref<2048xf32, #tpu.memory_space<hbm>>) dst(%arg11 : memref<2048xf32, #tpu.memory_space<vmem>>)
    %dma_wait3A_50 = tpu.memref_slice %arg4[%add3A_45] : memref<4194304xf32, #tpu.memory_space<hbm>> -> memref<2048xf32, #tpu.memory_space<hbm>>
    %dma_wait3A_51 = tpu.memref_slice %arg4[%add3A_45] : memref<4194304xf32, #tpu.memory_space<hbm>> -> memref<2048xf32, #tpu.memory_space<hbm>>
    tpu.wait_dma2 semaphore(%arg23 : memref<!tpu.dma_semaphore, #tpu.memory_space<semaphore_mem>>) src(%dma_wait3A_51 : memref<2048xf32, #tpu.memory_space<hbm>>) dst(%arg12 : memref<2048xf32, #tpu.memory_space<vmem>>)
    %scan3A_52 = arith.constant 0 : i32
    %scan3A_53 = arith.constant 0 : i32
    %scan3A_54 = arith.constant 128 : i32
    %scan3A_55 = arith.addi %scan3A_53, %scan3A_54 : i32
    %scan3A_56 = arith.constant 1 : i32
    scf.for %scan3A_84 = %scan3A_53 to %scan3A_55 step %scan3A_56  : i32 {
      %mul3A_85 = arith.constant 16 : i32
      %mul3A_86 = arith.muli %scan3A_84, %mul3A_85 : i32
      %get3A = arith.index_cast %mul3A_86 : i32 to index
      %get3A_87 = tpu.vector_load %arg10[%get3A] {strides = array<i32>} : memref<2048xf32, #tpu.memory_space<vmem>>, vector<16xf32>,
      %get3A_88 = vector.shape_cast %get3A_87 : vector<16xf32> to vector<16xf32>
      %mul3A_89 = arith.constant 42.6666679 : f32
      %mul3A_90 = vector.broadcast %mul3A_89 : f32 to vector<16xf32>
      %mul3A_91 = arith.mulf %get3A_88, %mul3A_90 : vector<16xf32>
      %add3A_92 = arith.constant 1.275000e+02 : f32
      %add3A_93 = vector.broadcast %add3A_92 : f32 to vector<16xf32>
      %add3A_94 = arith.addf %mul3A_91, %add3A_93 : vector<16xf32>
      %convert_element_type3A = arith.fptosi %add3A_94 : vector<16xf32> to vector<16xi32>
      %convert_element_type3A_95 = arith.sitofp %convert_element_type3A : vector<16xi32> to vector<16xf32>
      %gt3A = arith.cmpf ogt, %convert_element_type3A_95, %add3A_94 : vector<16xf32>
      %sub3A = arith.constant 1 : i32
      %sub3A_96 = vector.broadcast %sub3A : i32 to vector<16xi32>
      %sub3A_97 = arith.subi %convert_element_type3A, %sub3A_96 : vector<16xi32>
      %select_n3A = arith.select %gt3A, %sub3A_97, %convert_element_type3A : vector<16xi1>, vector<16xi32>
      %convert_element_type3A_98 = arith.sitofp %select_n3A : vector<16xi32> to vector<16xf32>
      %sub3A_99 = arith.subf %add3A_94, %convert_element_type3A_98 : vector<16xf32>
      %ge3A = arith.constant 0 : i32
      %ge3A_100 = vector.broadcast %ge3A : i32 to vector<16xi32>
      %ge3A_101 = arith.cmpi sge, %select_n3A, %ge3A_100 : vector<16xi32>
      %le3A = arith.constant 255 : i32
      %le3A_102 = vector.broadcast %le3A : i32 to vector<16xi32>
      %le3A_103 = arith.cmpi sle, %select_n3A, %le3A_102 : vector<16xi32>
      %and3A = arith.andi %ge3A_101, %le3A_103 : vector<16xi1>
      %ge3A_104 = arith.constant -1 : i32
      %ge3A_105 = vector.broadcast %ge3A_104 : i32 to vector<16xi32>
      %ge3A_106 = arith.cmpi sge, %select_n3A, %ge3A_105 : vector<16xi32>
      %le3A_107 = arith.constant 254 : i32
      %le3A_108 = vector.broadcast %le3A_107 : i32 to vector<16xi32>
      %le3A_109 = arith.cmpi sle, %select_n3A, %le3A_108 : vector<16xi32>
      %and3A_110 = arith.andi %ge3A_106, %le3A_109 : vector<16xi1>
      %max3A = arith.constant 0 : i32
      %max3A_111 = vector.broadcast %max3A : i32 to vector<16xi32>
      %max3A_112 = arith.maxsi %select_n3A, %max3A_111 : vector<16xi32>
      %min3A = arith.constant 255 : i32
      %min3A_113 = vector.broadcast %min3A : i32 to vector<16xi32>
      %min3A_114 = arith.minsi %max3A_112, %min3A_113 : vector<16xi32>
      %add3A_115 = arith.constant 1 : i32
      %add3A_116 = vector.broadcast %add3A_115 : i32 to vector<16xi32>
      %add3A_117 = arith.addi %select_n3A, %add3A_116 : vector<16xi32>
      %max3A_118 = arith.constant 0 : i32
      %max3A_119 = vector.broadcast %max3A_118 : i32 to vector<16xi32>
      %max3A_120 = arith.maxsi %add3A_117, %max3A_119 : vector<16xi32>
      %min3A_121 = arith.constant 255 : i32
      %min3A_122 = vector.broadcast %min3A_121 : i32 to vector<16xi32>
      %min3A_123 = arith.minsi %max3A_120, %min3A_122 : vector<16xi32>
      %sub3A_124 = arith.constant 1.000000e+00 : f32
      %sub3A_125 = vector.broadcast %sub3A_124 : f32 to vector<16xf32>
      %sub3A_126 = arith.subf %sub3A_125, %sub3A_99 : vector<16xf32>
      %jit3A = arith.constant 0.000000e+00 : f32
      %broadcast_in_dim3A = vector.broadcast %jit3A : f32 to vector<16xf32>
      %select_n3A_127 = arith.select %and3A, %sub3A_126, %broadcast_in_dim3A : vector<16xi1>, vector<16xf32>
      %jit3A_128 = arith.constant 0.000000e+00 : f32
      %broadcast_in_dim3A_129 = vector.broadcast %jit3A_128 : f32 to vector<16xf32>
      %select_n3A_130 = arith.select %and3A_110, %sub3A_99, %broadcast_in_dim3A_129 : vector<16xi1>, vector<16xf32>
      %get3A_131 = arith.index_cast %mul3A_86 : i32 to index
      %get3A_132 = tpu.vector_load %arg11[%get3A_131] {strides = array<i32>} : memref<2048xf32, #tpu.memory_space<vmem>>, vector<16xf32>,
      %get3A_133 = vector.shape_cast %get3A_132 : vector<16xf32> to vector<16xf32>
      %mul3A_134 = arith.constant 42.6666679 : f32
      %mul3A_135 = vector.broadcast %mul3A_134 : f32 to vector<16xf32>
      %mul3A_136 = arith.mulf %get3A_133, %mul3A_135 : vector<16xf32>
      %add3A_137 = arith.constant 1.275000e+02 : f32
      %add3A_138 = vector.broadcast %add3A_137 : f32 to vector<16xf32>
      %add3A_139 = arith.addf %mul3A_136, %add3A_138 : vector<16xf32>
      %convert_element_type3A_140 = arith.fptosi %add3A_139 : vector<16xf32> to vector<16xi32>
      %convert_element_type3A_141 = arith.sitofp %convert_element_type3A_140 : vector<16xi32> to vector<16xf32>
      %gt3A_142 = arith.cmpf ogt, %convert_element_type3A_141, %add3A_139 : vector<16xf32>
      %sub3A_143 = arith.constant 1 : i32
      %sub3A_144 = vector.broadcast %sub3A_143 : i32 to vector<16xi32>
      %sub3A_145 = arith.subi %convert_element_type3A_140, %sub3A_144 : vector<16xi32>
      %select_n3A_146 = arith.select %gt3A_142, %sub3A_145, %convert_element_type3A_140 : vector<16xi1>, vector<16xi32>
      %convert_element_type3A_147 = arith.sitofp %select_n3A_146 : vector<16xi32> to vector<16xf32>
      %sub3A_148 = arith.subf %add3A_139, %convert_element_type3A_147 : vector<16xf32>
      %ge3A_149 = arith.constant 0 : i32
      %ge3A_150 = vector.broadcast %ge3A_149 : i32 to vector<16xi32>
      %ge3A_151 = arith.cmpi sge, %select_n3A_146, %ge3A_150 : vector<16xi32>
      %le3A_152 = arith.constant 255 : i32
      %le3A_153 = vector.broadcast %le3A_152 : i32 to vector<16xi32>
      %le3A_154 = arith.cmpi sle, %select_n3A_146, %le3A_153 : vector<16xi32>
      %and3A_155 = arith.andi %ge3A_151, %le3A_154 : vector<16xi1>
      %ge3A_156 = arith.constant -1 : i32
      %ge3A_157 = vector.broadcast %ge3A_156 : i32 to vector<16xi32>
      %ge3A_158 = arith.cmpi sge, %select_n3A_146, %ge3A_157 : vector<16xi32>
      %le3A_159 = arith.constant 254 : i32
      %le3A_160 = vector.broadcast %le3A_159 : i32 to vector<16xi32>
      %le3A_161 = arith.cmpi sle, %select_n3A_146, %le3A_160 : vector<16xi32>
      %and3A_162 = arith.andi %ge3A_158, %le3A_161 : vector<16xi1>
      %max3A_163 = arith.constant 0 : i32
      %max3A_164 = vector.broadcast %max3A_163 : i32 to vector<16xi32>
      %max3A_165 = arith.maxsi %select_n3A_146, %max3A_164 : vector<16xi32>
      %min3A_166 = arith.constant 255 : i32
      %min3A_167 = vector.broadcast %min3A_166 : i32 to vector<16xi32>
      %min3A_168 = arith.minsi %max3A_165, %min3A_167 : vector<16xi32>
      %add3A_169 = arith.constant 1 : i32
      %add3A_170 = vector.broadcast %add3A_169 : i32 to vector<16xi32>
      %add3A_171 = arith.addi %select_n3A_146, %add3A_170 : vector<16xi32>
      %max3A_172 = arith.constant 0 : i32
      %max3A_173 = vector.broadcast %max3A_172 : i32 to vector<16xi32>
      %max3A_174 = arith.maxsi %add3A_171, %max3A_173 : vector<16xi32>
      %min3A_175 = arith.constant 255 : i32
      %min3A_176 = vector.broadcast %min3A_175 : i32 to vector<16xi32>
      %min3A_177 = arith.minsi %max3A_174, %min3A_176 : vector<16xi32>
      %sub3A_178 = arith.constant 1.000000e+00 : f32
      %sub3A_179 = vector.broadcast %sub3A_178 : f32 to vector<16xf32>
      %sub3A_180 = arith.subf %sub3A_179, %sub3A_148 : vector<16xf32>
      %jit3A_181 = arith.constant 0.000000e+00 : f32
      %broadcast_in_dim3A_182 = vector.broadcast %jit3A_181 : f32 to vector<16xf32>
      %select_n3A_183 = arith.select %and3A_155, %sub3A_180, %broadcast_in_dim3A_182 : vector<16xi1>, vector<16xf32>
      %jit3A_184 = arith.constant 0.000000e+00 : f32
      %broadcast_in_dim3A_185 = vector.broadcast %jit3A_184 : f32 to vector<16xf32>
      %select_n3A_186 = arith.select %and3A_162, %sub3A_148, %broadcast_in_dim3A_185 : vector<16xi1>, vector<16xf32>
      %get3A_187 = arith.index_cast %mul3A_86 : i32 to index
      %get3A_188 = tpu.vector_load %arg12[%get3A_187] {strides = array<i32>} : memref<2048xf32, #tpu.memory_space<vmem>>, vector<16xf32>,
      %get3A_189 = vector.shape_cast %get3A_188 : vector<16xf32> to vector<16xf32>
      %mul3A_190 = arith.constant 42.6666679 : f32
      %mul3A_191 = vector.broadcast %mul3A_190 : f32 to vector<16xf32>
      %mul3A_192 = arith.mulf %get3A_189, %mul3A_191 : vector<16xf32>
      %add3A_193 = arith.constant 1.275000e+02 : f32
      %add3A_194 = vector.broadcast %add3A_193 : f32 to vector<16xf32>
      %add3A_195 = arith.addf %mul3A_192, %add3A_194 : vector<16xf32>
      %convert_element_type3A_196 = arith.fptosi %add3A_195 : vector<16xf32> to vector<16xi32>
      %convert_element_type3A_197 = arith.sitofp %convert_element_type3A_196 : vector<16xi32> to vector<16xf32>
      %gt3A_198 = arith.cmpf ogt, %convert_element_type3A_197, %add3A_195 : vector<16xf32>
      %sub3A_199 = arith.constant 1 : i32
      %sub3A_200 = vector.broadcast %sub3A_199 : i32 to vector<16xi32>
      %sub3A_201 = arith.subi %convert_element_type3A_196, %sub3A_200 : vector<16xi32>
      %select_n3A_202 = arith.select %gt3A_198, %sub3A_201, %convert_element_type3A_196 : vector<16xi1>, vector<16xi32>
      %convert_element_type3A_203 = arith.sitofp %select_n3A_202 : vector<16xi32> to vector<16xf32>
      %sub3A_204 = arith.subf %add3A_195, %convert_element_type3A_203 : vector<16xf32>
      %ge3A_205 = arith.constant 0 : i32
      %ge3A_206 = vector.broadcast %ge3A_205 : i32 to vector<16xi32>
      %ge3A_207 = arith.cmpi sge, %select_n3A_202, %ge3A_206 : vector<16xi32>
      %le3A_208 = arith.constant 255 : i32
      %le3A_209 = vector.broadcast %le3A_208 : i32 to vector<16xi32>
      %le3A_210 = arith.cmpi sle, %select_n3A_202, %le3A_209 : vector<16xi32>
      %and3A_211 = arith.andi %ge3A_207, %le3A_210 : vector<16xi1>
      %ge3A_212 = arith.constant -1 : i32
      %ge3A_213 = vector.broadcast %ge3A_212 : i32 to vector<16xi32>
      %ge3A_214 = arith.cmpi sge, %select_n3A_202, %ge3A_213 : vector<16xi32>
      %le3A_215 = arith.constant 254 : i32
      %le3A_216 = vector.broadcast %le3A_215 : i32 to vector<16xi32>
      %le3A_217 = arith.cmpi sle, %select_n3A_202, %le3A_216 : vector<16xi32>
      %and3A_218 = arith.andi %ge3A_214, %le3A_217 : vector<16xi1>
      %max3A_219 = arith.constant 0 : i32
      %max3A_220 = vector.broadcast %max3A_219 : i32 to vector<16xi32>
      %max3A_221 = arith.maxsi %select_n3A_202, %max3A_220 : vector<16xi32>
      %min3A_222 = arith.constant 255 : i32
      %min3A_223 = vector.broadcast %min3A_222 : i32 to vector<16xi32>
      %min3A_224 = arith.minsi %max3A_221, %min3A_223 : vector<16xi32>
      %add3A_225 = arith.constant 1 : i32
      %add3A_226 = vector.broadcast %add3A_225 : i32 to vector<16xi32>
      %add3A_227 = arith.addi %select_n3A_202, %add3A_226 : vector<16xi32>
      %max3A_228 = arith.constant 0 : i32
      %max3A_229 = vector.broadcast %max3A_228 : i32 to vector<16xi32>
      %max3A_230 = arith.maxsi %add3A_227, %max3A_229 : vector<16xi32>
      %min3A_231 = arith.constant 255 : i32
      %min3A_232 = vector.broadcast %min3A_231 : i32 to vector<16xi32>
      %min3A_233 = arith.minsi %max3A_230, %min3A_232 : vector<16xi32>
      %sub3A_234 = arith.constant 1.000000e+00 : f32
      %sub3A_235 = vector.broadcast %sub3A_234 : f32 to vector<16xf32>
      %sub3A_236 = arith.subf %sub3A_235, %sub3A_204 : vector<16xf32>
      %jit3A_237 = arith.constant 0.000000e+00 : f32
      %broadcast_in_dim3A_238 = vector.broadcast %jit3A_237 : f32 to vector<16xf32>
      %select_n3A_239 = arith.select %and3A_211, %sub3A_236, %broadcast_in_dim3A_238 : vector<16xi1>, vector<16xf32>
      %jit3A_240 = arith.constant 0.000000e+00 : f32
      %broadcast_in_dim3A_241 = vector.broadcast %jit3A_240 : f32 to vector<16xf32>
      %select_n3A_242 = arith.select %and3A_218, %sub3A_204, %broadcast_in_dim3A_241 : vector<16xi1>, vector<16xf32>
      %mul3A_243 = arith.constant 65536 : i32
      %mul3A_244 = vector.broadcast %mul3A_243 : i32 to vector<16xi32>
      %mul3A_245 = arith.muli %min3A_224, %mul3A_244 : vector<16xi32>
      %mul3A_246 = arith.constant 256 : i32
      %mul3A_247 = vector.broadcast %mul3A_246 : i32 to vector<16xi32>
      %mul3A_248 = arith.muli %min3A_168, %mul3A_247 : vector<16xi32>
      %add3A_249 = arith.addi %mul3A_245, %mul3A_248 : vector<16xi32>
      %mul3A_250 = arith.mulf %select_n3A_239, %select_n3A_183 : vector<16xf32>
      %add3A_251 = arith.addi %add3A_249, %min3A_114 : vector<16xi32>
      %add3A_252 = arith.constant 0 : i32
      %add3A_253 = arith.addi %add3A_252, %mul3A_86 : i32
      %swap3A = arith.index_cast %add3A_253 : i32 to index
      %swap3A_254 = tpu.vector_load %arg14[%swap3A] {strides = array<i32>} : memref<16384xi32, #tpu.memory_space<vmem>>, vector<16xi32>,
      %swap3A_255 = vector.shape_cast %swap3A_254 : vector<16xi32> to vector<16xi32>
      %swap3A_256 = vector.shape_cast %add3A_251 : vector<16xi32> to vector<16xi32>
      tpu.vector_store %arg14[%swap3A], %swap3A_256 {strides = array<i32>} : memref<16384xi32, #tpu.memory_space<vmem>>, vector<16xi32>,
      %mul3A_257 = arith.mulf %mul3A_250, %select_n3A_127 : vector<16xf32>
      %add3A_258 = arith.constant 0 : i32
      %add3A_259 = arith.addi %add3A_258, %mul3A_86 : i32
      %swap3A_260 = arith.index_cast %add3A_259 : i32 to index
      %swap3A_261 = tpu.vector_load %arg18[%swap3A_260] {strides = array<i32>} : memref<16384xf32, #tpu.memory_space<vmem>>, vector<16xf32>,
      %swap3A_262 = vector.shape_cast %swap3A_261 : vector<16xf32> to vector<16xf32>
      %swap3A_263 = vector.shape_cast %mul3A_257 : vector<16xf32> to vector<16xf32>
      tpu.vector_store %arg18[%swap3A_260], %swap3A_263 {strides = array<i32>} : memref<16384xf32, #tpu.memory_space<vmem>>, vector<16xf32>,
      %add3A_264 = arith.addi %add3A_249, %min3A_123 : vector<16xi32>
      %add3A_265 = arith.constant 2048 : i32
      %add3A_266 = arith.addi %add3A_265, %mul3A_86 : i32
      %swap3A_267 = arith.index_cast %add3A_266 : i32 to index
      %swap3A_268 = tpu.vector_load %arg14[%swap3A_267] {strides = array<i32>} : memref<16384xi32, #tpu.memory_space<vmem>>, vector<16xi32>,
      %swap3A_269 = vector.shape_cast %swap3A_268 : vector<16xi32> to vector<16xi32>
      %swap3A_270 = vector.shape_cast %add3A_264 : vector<16xi32> to vector<16xi32>
      tpu.vector_store %arg14[%swap3A_267], %swap3A_270 {strides = array<i32>} : memref<16384xi32, #tpu.memory_space<vmem>>, vector<16xi32>,
      %mul3A_271 = arith.mulf %mul3A_250, %select_n3A_130 : vector<16xf32>
      %add3A_272 = arith.constant 2048 : i32
      %add3A_273 = arith.addi %add3A_272, %mul3A_86 : i32
      %swap3A_274 = arith.index_cast %add3A_273 : i32 to index
      %swap3A_275 = tpu.vector_load %arg18[%swap3A_274] {strides = array<i32>} : memref<16384xf32, #tpu.memory_space<vmem>>, vector<16xf32>,
      %swap3A_276 = vector.shape_cast %swap3A_275 : vector<16xf32> to vector<16xf32>
      %swap3A_277 = vector.shape_cast %mul3A_271 : vector<16xf32> to vector<16xf32>
      tpu.vector_store %arg18[%swap3A_274], %swap3A_277 {strides = array<i32>} : memref<16384xf32, #tpu.memory_space<vmem>>, vector<16xf32>,
      %mul3A_278 = arith.constant 256 : i32
      %mul3A_279 = vector.broadcast %mul3A_278 : i32 to vector<16xi32>
      %mul3A_280 = arith.muli %min3A_177, %mul3A_279 : vector<16xi32>
      %add3A_281 = arith.addi %mul3A_245, %mul3A_280 : vector<16xi32>
      %mul3A_282 = arith.mulf %select_n3A_239, %select_n3A_186 : vector<16xf32>
      %add3A_283 = arith.addi %add3A_281, %min3A_114 : vector<16xi32>
      %add3A_284 = arith.constant 4096 : i32
      %add3A_285 = arith.addi %add3A_284, %mul3A_86 : i32
      %swap3A_286 = arith.index_cast %add3A_285 : i32 to index
      %swap3A_287 = tpu.vector_load %arg14[%swap3A_286] {strides = array<i32>} : memref<16384xi32, #tpu.memory_space<vmem>>, vector<16xi32>,
      %swap3A_288 = vector.shape_cast %swap3A_287 : vector<16xi32> to vector<16xi32>
      %swap3A_289 = vector.shape_cast %add3A_283 : vector<16xi32> to vector<16xi32>
      tpu.vector_store %arg14[%swap3A_286], %swap3A_289 {strides = array<i32>} : memref<16384xi32, #tpu.memory_space<vmem>>, vector<16xi32>,
      %mul3A_290 = arith.mulf %mul3A_282, %select_n3A_127 : vector<16xf32>
      %add3A_291 = arith.constant 4096 : i32
      %add3A_292 = arith.addi %add3A_291, %mul3A_86 : i32
      %swap3A_293 = arith.index_cast %add3A_292 : i32 to index
      %swap3A_294 = tpu.vector_load %arg18[%swap3A_293] {strides = array<i32>} : memref<16384xf32, #tpu.memory_space<vmem>>, vector<16xf32>,
      %swap3A_295 = vector.shape_cast %swap3A_294 : vector<16xf32> to vector<16xf32>
      %swap3A_296 = vector.shape_cast %mul3A_290 : vector<16xf32> to vector<16xf32>
      tpu.vector_store %arg18[%swap3A_293], %swap3A_296 {strides = array<i32>} : memref<16384xf32, #tpu.memory_space<vmem>>, vector<16xf32>,
      %add3A_297 = arith.addi %add3A_281, %min3A_123 : vector<16xi32>
      %add3A_298 = arith.constant 6144 : i32
      %add3A_299 = arith.addi %add3A_298, %mul3A_86 : i32
      %swap3A_300 = arith.index_cast %add3A_299 : i32 to index
      %swap3A_301 = tpu.vector_load %arg14[%swap3A_300] {strides = array<i32>} : memref<16384xi32, #tpu.memory_space<vmem>>, vector<16xi32>,
      %swap3A_302 = vector.shape_cast %swap3A_301 : vector<16xi32> to vector<16xi32>
      %swap3A_303 = vector.shape_cast %add3A_297 : vector<16xi32> to vector<16xi32>
      tpu.vector_store %arg14[%swap3A_300], %swap3A_303 {strides = array<i32>} : memref<16384xi32, #tpu.memory_space<vmem>>, vector<16xi32>,
      %mul3A_304 = arith.mulf %mul3A_282, %select_n3A_130 : vector<16xf32>
      %add3A_305 = arith.constant 6144 : i32
      %add3A_306 = arith.addi %add3A_305, %mul3A_86 : i32
      %swap3A_307 = arith.index_cast %add3A_306 : i32 to index
      %swap3A_308 = tpu.vector_load %arg18[%swap3A_307] {strides = array<i32>} : memref<16384xf32, #tpu.memory_space<vmem>>, vector<16xf32>,
      %swap3A_309 = vector.shape_cast %swap3A_308 : vector<16xf32> to vector<16xf32>
      %swap3A_310 = vector.shape_cast %mul3A_304 : vector<16xf32> to vector<16xf32>
      tpu.vector_store %arg18[%swap3A_307], %swap3A_310 {strides = array<i32>} : memref<16384xf32, #tpu.memory_space<vmem>>, vector<16xf32>,
      %mul3A_311 = arith.constant 65536 : i32
      %mul3A_312 = vector.broadcast %mul3A_311 : i32 to vector<16xi32>
      %mul3A_313 = arith.muli %min3A_233, %mul3A_312 : vector<16xi32>
      %mul3A_314 = arith.constant 256 : i32
      %mul3A_315 = vector.broadcast %mul3A_314 : i32 to vector<16xi32>
      %mul3A_316 = arith.muli %min3A_168, %mul3A_315 : vector<16xi32>
      %add3A_317 = arith.addi %mul3A_313, %mul3A_316 : vector<16xi32>
      %mul3A_318 = arith.mulf %select_n3A_242, %select_n3A_183 : vector<16xf32>
      %add3A_319 = arith.addi %add3A_317, %min3A_114 : vector<16xi32>
      %add3A_320 = arith.constant 8192 : i32
      %add3A_321 = arith.addi %add3A_320, %mul3A_86 : i32
      %swap3A_322 = arith.index_cast %add3A_321 : i32 to index
      %swap3A_323 = tpu.vector_load %arg14[%swap3A_322] {strides = array<i32>} : memref<16384xi32, #tpu.memory_space<vmem>>, vector<16xi32>,
      %swap3A_324 = vector.shape_cast %swap3A_323 : vector<16xi32> to vector<16xi32>
      %swap3A_325 = vector.shape_cast %add3A_319 : vector<16xi32> to vector<16xi32>
      tpu.vector_store %arg14[%swap3A_322], %swap3A_325 {strides = array<i32>} : memref<16384xi32, #tpu.memory_space<vmem>>, vector<16xi32>,
      %mul3A_326 = arith.mulf %mul3A_318, %select_n3A_127 : vector<16xf32>
      %add3A_327 = arith.constant 8192 : i32
      %add3A_328 = arith.addi %add3A_327, %mul3A_86 : i32
      %swap3A_329 = arith.index_cast %add3A_328 : i32 to index
      %swap3A_330 = tpu.vector_load %arg18[%swap3A_329] {strides = array<i32>} : memref<16384xf32, #tpu.memory_space<vmem>>, vector<16xf32>,
      %swap3A_331 = vector.shape_cast %swap3A_330 : vector<16xf32> to vector<16xf32>
      %swap3A_332 = vector.shape_cast %mul3A_326 : vector<16xf32> to vector<16xf32>
      tpu.vector_store %arg18[%swap3A_329], %swap3A_332 {strides = array<i32>} : memref<16384xf32, #tpu.memory_space<vmem>>, vector<16xf32>,
      %add3A_333 = arith.addi %add3A_317, %min3A_123 : vector<16xi32>
      %add3A_334 = arith.constant 10240 : i32
      %add3A_335 = arith.addi %add3A_334, %mul3A_86 : i32
      %swap3A_336 = arith.index_cast %add3A_335 : i32 to index
      %swap3A_337 = tpu.vector_load %arg14[%swap3A_336] {strides = array<i32>} : memref<16384xi32, #tpu.memory_space<vmem>>, vector<16xi32>,
      %swap3A_338 = vector.shape_cast %swap3A_337 : vector<16xi32> to vector<16xi32>
      %swap3A_339 = vector.shape_cast %add3A_333 : vector<16xi32> to vector<16xi32>
      tpu.vector_store %arg14[%swap3A_336], %swap3A_339 {strides = array<i32>} : memref<16384xi32, #tpu.memory_space<vmem>>, vector<16xi32>,
      %mul3A_340 = arith.mulf %mul3A_318, %select_n3A_130 : vector<16xf32>
      %add3A_341 = arith.constant 10240 : i32
      %add3A_342 = arith.addi %add3A_341, %mul3A_86 : i32
      %swap3A_343 = arith.index_cast %add3A_342 : i32 to index
      %swap3A_344 = tpu.vector_load %arg18[%swap3A_343] {strides = array<i32>} : memref<16384xf32, #tpu.memory_space<vmem>>, vector<16xf32>,
      %swap3A_345 = vector.shape_cast %swap3A_344 : vector<16xf32> to vector<16xf32>
      %swap3A_346 = vector.shape_cast %mul3A_340 : vector<16xf32> to vector<16xf32>
      tpu.vector_store %arg18[%swap3A_343], %swap3A_346 {strides = array<i32>} : memref<16384xf32, #tpu.memory_space<vmem>>, vector<16xf32>,
      %mul3A_347 = arith.constant 256 : i32
      %mul3A_348 = vector.broadcast %mul3A_347 : i32 to vector<16xi32>
      %mul3A_349 = arith.muli %min3A_177, %mul3A_348 : vector<16xi32>
      %add3A_350 = arith.addi %mul3A_313, %mul3A_349 : vector<16xi32>
      %mul3A_351 = arith.mulf %select_n3A_242, %select_n3A_186 : vector<16xf32>
      %add3A_352 = arith.addi %add3A_350, %min3A_114 : vector<16xi32>
      %add3A_353 = arith.constant 12288 : i32
      %add3A_354 = arith.addi %add3A_353, %mul3A_86 : i32
      %swap3A_355 = arith.index_cast %add3A_354 : i32 to index
      %swap3A_356 = tpu.vector_load %arg14[%swap3A_355] {strides = array<i32>} : memref<16384xi32, #tpu.memory_space<vmem>>, vector<16xi32>,
      %swap3A_357 = vector.shape_cast %swap3A_356 : vector<16xi32> to vector<16xi32>
      %swap3A_358 = vector.shape_cast %add3A_352 : vector<16xi32> to vector<16xi32>
      tpu.vector_store %arg14[%swap3A_355], %swap3A_358 {strides = array<i32>} : memref<16384xi32, #tpu.memory_space<vmem>>, vector<16xi32>,
      %mul3A_359 = arith.mulf %mul3A_351, %select_n3A_127 : vector<16xf32>
      %add3A_360 = arith.constant 12288 : i32
      %add3A_361 = arith.addi %add3A_360, %mul3A_86 : i32
      %swap3A_362 = arith.index_cast %add3A_361 : i32 to index
      %swap3A_363 = tpu.vector_load %arg18[%swap3A_362] {strides = array<i32>} : memref<16384xf32, #tpu.memory_space<vmem>>, vector<16xf32>,
      %swap3A_364 = vector.shape_cast %swap3A_363 : vector<16xf32> to vector<16xf32>
      %swap3A_365 = vector.shape_cast %mul3A_359 : vector<16xf32> to vector<16xf32>
      tpu.vector_store %arg18[%swap3A_362], %swap3A_365 {strides = array<i32>} : memref<16384xf32, #tpu.memory_space<vmem>>, vector<16xf32>,
      %add3A_366 = arith.addi %add3A_350, %min3A_123 : vector<16xi32>
      %add3A_367 = arith.constant 14336 : i32
      %add3A_368 = arith.addi %add3A_367, %mul3A_86 : i32
      %swap3A_369 = arith.index_cast %add3A_368 : i32 to index
      %swap3A_370 = tpu.vector_load %arg14[%swap3A_369] {strides = array<i32>} : memref<16384xi32, #tpu.memory_space<vmem>>, vector<16xi32>,
      %swap3A_371 = vector.shape_cast %swap3A_370 : vector<16xi32> to vector<16xi32>
      %swap3A_372 = vector.shape_cast %add3A_366 : vector<16xi32> to vector<16xi32>
      tpu.vector_store %arg14[%swap3A_369], %swap3A_372 {strides = array<i32>} : memref<16384xi32, #tpu.memory_space<vmem>>, vector<16xi32>,
      %mul3A_373 = arith.mulf %mul3A_351, %select_n3A_130 : vector<16xf32>
      %add3A_374 = arith.constant 14336 : i32
      %add3A_375 = arith.addi %add3A_374, %mul3A_86 : i32
      %swap3A_376 = arith.index_cast %add3A_375 : i32 to index
      %swap3A_377 = tpu.vector_load %arg18[%swap3A_376] {strides = array<i32>} : memref<16384xf32, #tpu.memory_space<vmem>>, vector<16xf32>,
      %swap3A_378 = vector.shape_cast %swap3A_377 : vector<16xf32> to vector<16xf32>
      %swap3A_379 = vector.shape_cast %mul3A_373 : vector<16xf32> to vector<16xf32>
      tpu.vector_store %arg18[%swap3A_376], %swap3A_379 {strides = array<i32>} : memref<16384xf32, #tpu.memory_space<vmem>>, vector<16xf32>,
    }
    %scan3A_57 = arith.constant 128 : i32
    %dma_wait3A_58 = arith.constant 0 : i32
    %dma_wait3A_59 = tpu.memref_slice %arg5[%dma_wait3A_58] : memref<16777216xf32, #tpu.memory_space<hbm>> -> memref<16777216xf32, #tpu.memory_space<hbm>>
    tpu.wait_indirect_dma semaphore(%arg20 : memref<!tpu.dma_semaphore, #tpu.memory_space<semaphore_mem>>) src(%dma_wait3A_59 : memref<16777216xf32, #tpu.memory_space<hbm>>) dst(%arg15 : memref<16384xf32, #tpu.memory_space<vmem>>)
    %dma_start3A_60 = arith.constant 0 : i32
    %dma_start3A_61 = tpu.memref_slice %arg5[%dma_start3A_60] : memref<16777216xf32, #tpu.memory_space<hbm>> -> memref<16777216xf32, #tpu.memory_space<hbm>>
    tpu.enqueue_indirect_dma source(%dma_start3A_61 : memref<16777216xf32, #tpu.memory_space<hbm>>) target(%arg16 : memref<16384xf32, #tpu.memory_space<vmem>>) offsets(%arg14 : memref<16384xi32, #tpu.memory_space<vmem>>) semaphore(%arg21 : memref<!tpu.dma_semaphore, #tpu.memory_space<semaphore_mem>>)
    %scan3A_62 = arith.constant 0 : i32
    %scan3A_63 = arith.constant 0 : i32
    %scan3A_64 = arith.constant 128 : i32
    %scan3A_65 = arith.addi %scan3A_63, %scan3A_64 : i32
    %scan3A_66 = arith.constant 1 : i32
    scf.for %scan3A_84 = %scan3A_63 to %scan3A_65 step %scan3A_66  : i32 {
      %mul3A_85 = arith.constant 16 : i32
      %mul3A_86 = arith.muli %scan3A_84, %mul3A_85 : i32
      %get3A = arith.index_cast %mul3A_86 : i32 to index
      %get3A_87 = tpu.vector_load %arg17[%get3A] {strides = array<i32>} : memref<16384xf32, #tpu.memory_space<vmem>>, vector<16xf32>,
      %get3A_88 = vector.shape_cast %get3A_87 : vector<16xf32> to vector<16xf32>
      %get3A_89 = arith.index_cast %mul3A_86 : i32 to index
      %get3A_90 = tpu.vector_load %arg15[%get3A_89] {strides = array<i32>} : memref<16384xf32, #tpu.memory_space<vmem>>, vector<16xf32>,
      %get3A_91 = vector.shape_cast %get3A_90 : vector<16xf32> to vector<16xf32>
      %mul3A_92 = arith.mulf %get3A_88, %get3A_91 : vector<16xf32>
      %add3A_93 = arith.constant 2048 : i32
      %add3A_94 = arith.addi %add3A_93, %mul3A_86 : i32
      %get3A_95 = arith.index_cast %add3A_94 : i32 to index
      %get3A_96 = tpu.vector_load %arg17[%get3A_95] {strides = array<i32>} : memref<16384xf32, #tpu.memory_space<vmem>>, vector<16xf32>,
      %get3A_97 = vector.shape_cast %get3A_96 : vector<16xf32> to vector<16xf32>
      %get3A_98 = arith.index_cast %add3A_94 : i32 to index
      %get3A_99 = tpu.vector_load %arg15[%get3A_98] {strides = array<i32>} : memref<16384xf32, #tpu.memory_space<vmem>>, vector<16xf32>,
      %get3A_100 = vector.shape_cast %get3A_99 : vector<16xf32> to vector<16xf32>
      %mul3A_101 = arith.mulf %get3A_97, %get3A_100 : vector<16xf32>
      %add3A_102 = arith.addf %mul3A_92, %mul3A_101 : vector<16xf32>
      %add3A_103 = arith.constant 4096 : i32
      %add3A_104 = arith.addi %add3A_103, %mul3A_86 : i32
      %get3A_105 = arith.index_cast %add3A_104 : i32 to index
      %get3A_106 = tpu.vector_load %arg17[%get3A_105] {strides = array<i32>} : memref<16384xf32, #tpu.memory_space<vmem>>, vector<16xf32>,
      %get3A_107 = vector.shape_cast %get3A_106 : vector<16xf32> to vector<16xf32>
      %get3A_108 = arith.index_cast %add3A_104 : i32 to index
      %get3A_109 = tpu.vector_load %arg15[%get3A_108] {strides = array<i32>} : memref<16384xf32, #tpu.memory_space<vmem>>, vector<16xf32>,
      %get3A_110 = vector.shape_cast %get3A_109 : vector<16xf32> to vector<16xf32>
      %mul3A_111 = arith.mulf %get3A_107, %get3A_110 : vector<16xf32>
      %add3A_112 = arith.addf %add3A_102, %mul3A_111 : vector<16xf32>
      %add3A_113 = arith.constant 6144 : i32
      %add3A_114 = arith.addi %add3A_113, %mul3A_86 : i32
      %get3A_115 = arith.index_cast %add3A_114 : i32 to index
      %get3A_116 = tpu.vector_load %arg17[%get3A_115] {strides = array<i32>} : memref<16384xf32, #tpu.memory_space<vmem>>, vector<16xf32>,
      %get3A_117 = vector.shape_cast %get3A_116 : vector<16xf32> to vector<16xf32>
      %get3A_118 = arith.index_cast %add3A_114 : i32 to index
      %get3A_119 = tpu.vector_load %arg15[%get3A_118] {strides = array<i32>} : memref<16384xf32, #tpu.memory_space<vmem>>, vector<16xf32>,
      %get3A_120 = vector.shape_cast %get3A_119 : vector<16xf32> to vector<16xf32>
      %mul3A_121 = arith.mulf %get3A_117, %get3A_120 : vector<16xf32>
      %add3A_122 = arith.addf %add3A_112, %mul3A_121 : vector<16xf32>
      %add3A_123 = arith.constant 8192 : i32
      %add3A_124 = arith.addi %add3A_123, %mul3A_86 : i32
      %get3A_125 = arith.index_cast %add3A_124 : i32 to index
      %get3A_126 = tpu.vector_load %arg17[%get3A_125] {strides = array<i32>} : memref<16384xf32, #tpu.memory_space<vmem>>, vector<16xf32>,
      %get3A_127 = vector.shape_cast %get3A_126 : vector<16xf32> to vector<16xf32>
      %get3A_128 = arith.index_cast %add3A_124 : i32 to index
      %get3A_129 = tpu.vector_load %arg15[%get3A_128] {strides = array<i32>} : memref<16384xf32, #tpu.memory_space<vmem>>, vector<16xf32>,
      %get3A_130 = vector.shape_cast %get3A_129 : vector<16xf32> to vector<16xf32>
      %mul3A_131 = arith.mulf %get3A_127, %get3A_130 : vector<16xf32>
      %add3A_132 = arith.addf %add3A_122, %mul3A_131 : vector<16xf32>
      %add3A_133 = arith.constant 10240 : i32
      %add3A_134 = arith.addi %add3A_133, %mul3A_86 : i32
      %get3A_135 = arith.index_cast %add3A_134 : i32 to index
      %get3A_136 = tpu.vector_load %arg17[%get3A_135] {strides = array<i32>} : memref<16384xf32, #tpu.memory_space<vmem>>, vector<16xf32>,
      %get3A_137 = vector.shape_cast %get3A_136 : vector<16xf32> to vector<16xf32>
      %get3A_138 = arith.index_cast %add3A_134 : i32 to index
      %get3A_139 = tpu.vector_load %arg15[%get3A_138] {strides = array<i32>} : memref<16384xf32, #tpu.memory_space<vmem>>, vector<16xf32>,
      %get3A_140 = vector.shape_cast %get3A_139 : vector<16xf32> to vector<16xf32>
      %mul3A_141 = arith.mulf %get3A_137, %get3A_140 : vector<16xf32>
      %add3A_142 = arith.addf %add3A_132, %mul3A_141 : vector<16xf32>
      %add3A_143 = arith.constant 12288 : i32
      %add3A_144 = arith.addi %add3A_143, %mul3A_86 : i32
      %get3A_145 = arith.index_cast %add3A_144 : i32 to index
      %get3A_146 = tpu.vector_load %arg17[%get3A_145] {strides = array<i32>} : memref<16384xf32, #tpu.memory_space<vmem>>, vector<16xf32>,
      %get3A_147 = vector.shape_cast %get3A_146 : vector<16xf32> to vector<16xf32>
      %get3A_148 = arith.index_cast %add3A_144 : i32 to index
      %get3A_149 = tpu.vector_load %arg15[%get3A_148] {strides = array<i32>} : memref<16384xf32, #tpu.memory_space<vmem>>, vector<16xf32>,
      %get3A_150 = vector.shape_cast %get3A_149 : vector<16xf32> to vector<16xf32>
      %mul3A_151 = arith.mulf %get3A_147, %get3A_150 : vector<16xf32>
      %add3A_152 = arith.addf %add3A_142, %mul3A_151 : vector<16xf32>
      %add3A_153 = arith.constant 14336 : i32
      %add3A_154 = arith.addi %add3A_153, %mul3A_86 : i32
      %get3A_155 = arith.index_cast %add3A_154 : i32 to index
      %get3A_156 = tpu.vector_load %arg17[%get3A_155] {strides = array<i32>} : memref<16384xf32, #tpu.memory_space<vmem>>, vector<16xf32>,
      %get3A_157 = vector.shape_cast %get3A_156 : vector<16xf32> to vector<16xf32>
      %get3A_158 = arith.index_cast %add3A_154 : i32 to index
      %get3A_159 = tpu.vector_load %arg15[%get3A_158] {strides = array<i32>} : memref<16384xf32, #tpu.memory_space<vmem>>, vector<16xf32>,
      %get3A_160 = vector.shape_cast %get3A_159 : vector<16xf32> to vector<16xf32>
      %mul3A_161 = arith.mulf %get3A_157, %get3A_160 : vector<16xf32>
      %add3A_162 = arith.addf %add3A_152, %mul3A_161 : vector<16xf32>
      %swap3A = arith.index_cast %mul3A_86 : i32 to index
      %swap3A_163 = tpu.vector_load %arg19[%swap3A] {strides = array<i32>} : memref<2048xf32, #tpu.memory_space<vmem>>, vector<16xf32>,
      %swap3A_164 = vector.shape_cast %swap3A_163 : vector<16xf32> to vector<16xf32>
      %swap3A_165 = vector.shape_cast %add3A_162 : vector<16xf32> to vector<16xf32>
      tpu.vector_store %arg19[%swap3A], %swap3A_165 {strides = array<i32>} : memref<2048xf32, #tpu.memory_space<vmem>>, vector<16xf32>,
    }
    %scan3A_67 = arith.constant 128 : i32
    %mul3A_68 = arith.constant 131072 : i32
    %mul3A_69 = arith.muli %add3A, %mul3A_68 : i32
    %add3A_70 = arith.constant 126976 : i32
    %add3A_71 = arith.addi %mul3A_69, %add3A_70 : i32
    "tpu.region"() ({
      %run_scoped3A = tpu.sem_alloc : memref<!tpu.dma_semaphore, #tpu.memory_space<semaphore_mem>>
      %dma_start3A_84 = tpu.memref_slice %arg6[%add3A_71] : memref<4194304xf32, #tpu.memory_space<hbm>> -> memref<2048xf32, #tpu.memory_space<hbm>>
      %dma_start3A_85 = tpu.memref_slice %arg6[%add3A_71] : memref<4194304xf32, #tpu.memory_space<hbm>> -> memref<2048xf32, #tpu.memory_space<hbm>>
      tpu.enqueue_dma source(%arg19 : memref<2048xf32, #tpu.memory_space<vmem>>) target(%dma_start3A_85 : memref<2048xf32, #tpu.memory_space<hbm>>) target_semaphore(%run_scoped3A : memref<!tpu.dma_semaphore, #tpu.memory_space<semaphore_mem>>)
      %dma_wait3A_86 = tpu.memref_slice %arg6[%add3A_71] : memref<4194304xf32, #tpu.memory_space<hbm>> -> memref<2048xf32, #tpu.memory_space<hbm>>
      %dma_wait3A_87 = tpu.memref_slice %arg6[%add3A_71] : memref<4194304xf32, #tpu.memory_space<hbm>> -> memref<2048xf32, #tpu.memory_space<hbm>>
      tpu.wait_dma2 semaphore(%run_scoped3A : memref<!tpu.dma_semaphore, #tpu.memory_space<semaphore_mem>>) src(%arg19 : memref<2048xf32, #tpu.memory_space<vmem>>) dst(%dma_wait3A_87 : memref<2048xf32, #tpu.memory_space<hbm>>)
      tpu.yield
    }) : () -> ()
    %dma_wait3A_72 = arith.constant 0 : i32
    %dma_wait3A_73 = tpu.memref_slice %arg5[%dma_wait3A_72] : memref<16777216xf32, #tpu.memory_space<hbm>> -> memref<16777216xf32, #tpu.memory_space<hbm>>
    tpu.wait_indirect_dma semaphore(%arg21 : memref<!tpu.dma_semaphore, #tpu.memory_space<semaphore_mem>>) src(%dma_wait3A_73 : memref<16777216xf32, #tpu.memory_space<hbm>>) dst(%arg16 : memref<16384xf32, #tpu.memory_space<vmem>>)
    %scan3A_74 = arith.constant 0 : i32
    %scan3A_75 = arith.constant 0 : i32
    %scan3A_76 = arith.constant 128 : i32
    %scan3A_77 = arith.addi %scan3A_75, %scan3A_76 : i32
    %scan3A_78 = arith.constant 1 : i32
    scf.for %scan3A_84 = %scan3A_75 to %scan3A_77 step %scan3A_78  : i32 {
      %mul3A_85 = arith.constant 16 : i32
      %mul3A_86 = arith.muli %scan3A_84, %mul3A_85 : i32
      %get3A = arith.index_cast %mul3A_86 : i32 to index
      %get3A_87 = tpu.vector_load %arg18[%get3A] {strides = array<i32>} : memref<16384xf32, #tpu.memory_space<vmem>>, vector<16xf32>,
      %get3A_88 = vector.shape_cast %get3A_87 : vector<16xf32> to vector<16xf32>
      %get3A_89 = arith.index_cast %mul3A_86 : i32 to index
      %get3A_90 = tpu.vector_load %arg16[%get3A_89] {strides = array<i32>} : memref<16384xf32, #tpu.memory_space<vmem>>, vector<16xf32>,
      %get3A_91 = vector.shape_cast %get3A_90 : vector<16xf32> to vector<16xf32>
      %mul3A_92 = arith.mulf %get3A_88, %get3A_91 : vector<16xf32>
      %add3A_93 = arith.constant 2048 : i32
      %add3A_94 = arith.addi %add3A_93, %mul3A_86 : i32
      %get3A_95 = arith.index_cast %add3A_94 : i32 to index
      %get3A_96 = tpu.vector_load %arg18[%get3A_95] {strides = array<i32>} : memref<16384xf32, #tpu.memory_space<vmem>>, vector<16xf32>,
      %get3A_97 = vector.shape_cast %get3A_96 : vector<16xf32> to vector<16xf32>
      %get3A_98 = arith.index_cast %add3A_94 : i32 to index
      %get3A_99 = tpu.vector_load %arg16[%get3A_98] {strides = array<i32>} : memref<16384xf32, #tpu.memory_space<vmem>>, vector<16xf32>,
      %get3A_100 = vector.shape_cast %get3A_99 : vector<16xf32> to vector<16xf32>
      %mul3A_101 = arith.mulf %get3A_97, %get3A_100 : vector<16xf32>
      %add3A_102 = arith.addf %mul3A_92, %mul3A_101 : vector<16xf32>
      %add3A_103 = arith.constant 4096 : i32
      %add3A_104 = arith.addi %add3A_103, %mul3A_86 : i32
      %get3A_105 = arith.index_cast %add3A_104 : i32 to index
      %get3A_106 = tpu.vector_load %arg18[%get3A_105] {strides = array<i32>} : memref<16384xf32, #tpu.memory_space<vmem>>, vector<16xf32>,
      %get3A_107 = vector.shape_cast %get3A_106 : vector<16xf32> to vector<16xf32>
      %get3A_108 = arith.index_cast %add3A_104 : i32 to index
      %get3A_109 = tpu.vector_load %arg16[%get3A_108] {strides = array<i32>} : memref<16384xf32, #tpu.memory_space<vmem>>, vector<16xf32>,
      %get3A_110 = vector.shape_cast %get3A_109 : vector<16xf32> to vector<16xf32>
      %mul3A_111 = arith.mulf %get3A_107, %get3A_110 : vector<16xf32>
      %add3A_112 = arith.addf %add3A_102, %mul3A_111 : vector<16xf32>
      %add3A_113 = arith.constant 6144 : i32
      %add3A_114 = arith.addi %add3A_113, %mul3A_86 : i32
      %get3A_115 = arith.index_cast %add3A_114 : i32 to index
      %get3A_116 = tpu.vector_load %arg18[%get3A_115] {strides = array<i32>} : memref<16384xf32, #tpu.memory_space<vmem>>, vector<16xf32>,
      %get3A_117 = vector.shape_cast %get3A_116 : vector<16xf32> to vector<16xf32>
      %get3A_118 = arith.index_cast %add3A_114 : i32 to index
      %get3A_119 = tpu.vector_load %arg16[%get3A_118] {strides = array<i32>} : memref<16384xf32, #tpu.memory_space<vmem>>, vector<16xf32>,
      %get3A_120 = vector.shape_cast %get3A_119 : vector<16xf32> to vector<16xf32>
      %mul3A_121 = arith.mulf %get3A_117, %get3A_120 : vector<16xf32>
      %add3A_122 = arith.addf %add3A_112, %mul3A_121 : vector<16xf32>
      %add3A_123 = arith.constant 8192 : i32
      %add3A_124 = arith.addi %add3A_123, %mul3A_86 : i32
      %get3A_125 = arith.index_cast %add3A_124 : i32 to index
      %get3A_126 = tpu.vector_load %arg18[%get3A_125] {strides = array<i32>} : memref<16384xf32, #tpu.memory_space<vmem>>, vector<16xf32>,
      %get3A_127 = vector.shape_cast %get3A_126 : vector<16xf32> to vector<16xf32>
      %get3A_128 = arith.index_cast %add3A_124 : i32 to index
      %get3A_129 = tpu.vector_load %arg16[%get3A_128] {strides = array<i32>} : memref<16384xf32, #tpu.memory_space<vmem>>, vector<16xf32>,
      %get3A_130 = vector.shape_cast %get3A_129 : vector<16xf32> to vector<16xf32>
      %mul3A_131 = arith.mulf %get3A_127, %get3A_130 : vector<16xf32>
      %add3A_132 = arith.addf %add3A_122, %mul3A_131 : vector<16xf32>
      %add3A_133 = arith.constant 10240 : i32
      %add3A_134 = arith.addi %add3A_133, %mul3A_86 : i32
      %get3A_135 = arith.index_cast %add3A_134 : i32 to index
      %get3A_136 = tpu.vector_load %arg18[%get3A_135] {strides = array<i32>} : memref<16384xf32, #tpu.memory_space<vmem>>, vector<16xf32>,
      %get3A_137 = vector.shape_cast %get3A_136 : vector<16xf32> to vector<16xf32>
      %get3A_138 = arith.index_cast %add3A_134 : i32 to index
      %get3A_139 = tpu.vector_load %arg16[%get3A_138] {strides = array<i32>} : memref<16384xf32, #tpu.memory_space<vmem>>, vector<16xf32>,
      %get3A_140 = vector.shape_cast %get3A_139 : vector<16xf32> to vector<16xf32>
      %mul3A_141 = arith.mulf %get3A_137, %get3A_140 : vector<16xf32>
      %add3A_142 = arith.addf %add3A_132, %mul3A_141 : vector<16xf32>
      %add3A_143 = arith.constant 12288 : i32
      %add3A_144 = arith.addi %add3A_143, %mul3A_86 : i32
      %get3A_145 = arith.index_cast %add3A_144 : i32 to index
      %get3A_146 = tpu.vector_load %arg18[%get3A_145] {strides = array<i32>} : memref<16384xf32, #tpu.memory_space<vmem>>, vector<16xf32>,
      %get3A_147 = vector.shape_cast %get3A_146 : vector<16xf32> to vector<16xf32>
      %get3A_148 = arith.index_cast %add3A_144 : i32 to index
      %get3A_149 = tpu.vector_load %arg16[%get3A_148] {strides = array<i32>} : memref<16384xf32, #tpu.memory_space<vmem>>, vector<16xf32>,
      %get3A_150 = vector.shape_cast %get3A_149 : vector<16xf32> to vector<16xf32>
      %mul3A_151 = arith.mulf %get3A_147, %get3A_150 : vector<16xf32>
      %add3A_152 = arith.addf %add3A_142, %mul3A_151 : vector<16xf32>
      %add3A_153 = arith.constant 14336 : i32
      %add3A_154 = arith.addi %add3A_153, %mul3A_86 : i32
      %get3A_155 = arith.index_cast %add3A_154 : i32 to index
      %get3A_156 = tpu.vector_load %arg18[%get3A_155] {strides = array<i32>} : memref<16384xf32, #tpu.memory_space<vmem>>, vector<16xf32>,
      %get3A_157 = vector.shape_cast %get3A_156 : vector<16xf32> to vector<16xf32>
      %get3A_158 = arith.index_cast %add3A_154 : i32 to index
      %get3A_159 = tpu.vector_load %arg16[%get3A_158] {strides = array<i32>} : memref<16384xf32, #tpu.memory_space<vmem>>, vector<16xf32>,
      %get3A_160 = vector.shape_cast %get3A_159 : vector<16xf32> to vector<16xf32>
      %mul3A_161 = arith.mulf %get3A_157, %get3A_160 : vector<16xf32>
      %add3A_162 = arith.addf %add3A_152, %mul3A_161 : vector<16xf32>
      %swap3A = arith.index_cast %mul3A_86 : i32 to index
      %swap3A_163 = tpu.vector_load %arg19[%swap3A] {strides = array<i32>} : memref<2048xf32, #tpu.memory_space<vmem>>, vector<16xf32>,
      %swap3A_164 = vector.shape_cast %swap3A_163 : vector<16xf32> to vector<16xf32>
      %swap3A_165 = vector.shape_cast %add3A_162 : vector<16xf32> to vector<16xf32>
      tpu.vector_store %arg19[%swap3A], %swap3A_165 {strides = array<i32>} : memref<2048xf32, #tpu.memory_space<vmem>>, vector<16xf32>,
    }
    %scan3A_79 = arith.constant 128 : i32
    %mul3A_80 = arith.constant 131072 : i32
    %mul3A_81 = arith.muli %add3A, %mul3A_80 : i32
    %add3A_82 = arith.constant 129024 : i32
    %add3A_83 = arith.addi %mul3A_81, %add3A_82 : i32
    "tpu.region"() ({
      %run_scoped3A = tpu.sem_alloc : memref<!tpu.dma_semaphore, #tpu.memory_space<semaphore_mem>>
      %dma_start3A_84 = tpu.memref_slice %arg6[%add3A_83] : memref<4194304xf32, #tpu.memory_space<hbm>> -> memref<2048xf32, #tpu.memory_space<hbm>>
      %dma_start3A_85 = tpu.memref_slice %arg6[%add3A_83] : memref<4194304xf32, #tpu.memory_space<hbm>> -> memref<2048xf32, #tpu.memory_space<hbm>>
      tpu.enqueue_dma source(%arg19 : memref<2048xf32, #tpu.memory_space<vmem>>) target(%dma_start3A_85 : memref<2048xf32, #tpu.memory_space<hbm>>) target_semaphore(%run_scoped3A : memref<!tpu.dma_semaphore, #tpu.memory_space<semaphore_mem>>)
      %dma_wait3A_86 = tpu.memref_slice %arg6[%add3A_83] : memref<4194304xf32, #tpu.memory_space<hbm>> -> memref<2048xf32, #tpu.memory_space<hbm>>
      %dma_wait3A_87 = tpu.memref_slice %arg6[%add3A_83] : memref<4194304xf32, #tpu.memory_space<hbm>> -> memref<2048xf32, #tpu.memory_space<hbm>>
      tpu.wait_dma2 semaphore(%run_scoped3A : memref<!tpu.dma_semaphore, #tpu.memory_space<semaphore_mem>>) src(%arg19 : memref<2048xf32, #tpu.memory_space<vmem>>) dst(%dma_wait3A_87 : memref<2048xf32, #tpu.memory_space<hbm>>)
      tpu.yield
    }) : () -> ()
    return
  }
}

</mosaic_0001>

<sc_bundles>
// kernel: kernel.3.cloned.1.call-start
scs
__scs_entry_jumppad:
0x0: {  	(pc) =	sbr.rel $0x88, $3  }
0x1: {  	(tag) =	ssettag $0x0;
	lr =	simm.s32 $0x1  }
0x2: {  	[smem:$0x3F9F] =	sst lr;
	_ =	strace $0xD0000000  }
0x3: {  	_ = 	snop  }
0x4: {  	_ = 	snop  }
0x5: {  	_ = 	snop  }
0x6: {  	_ = 	snop  }
0x7: {  	_ = 	snop  }
__scs_overlays_trampoline_lowered:
0x8: {  	[smem:$0x3FAE] =	sst s0  }
0x9: {  	[smem:$0x3FAF] =	sst s1  }
0xa: {  	[smem:$0x3FB0] =	sst s2  }
0xb: {  	[smem:$0x3FB1] =	sst s3  }
0xc: {  	[smem:$0x3FB2] =	sst s4  }
0xd: {  	[smem:$0x3FB3] =	sst s5  }
0xe: {  	[smem:$0x3FB4] =	sst s6  }
0xf: {  	[smem:$0x3FB5] =	sst s7  }
0x10: {  	[smem:$0x3FB6] =	sst s8  }
0x11: {  	[smem:$0x3FB7] =	sst s9;
	s0 =	simm.s32 @!p0 $0x0  }
0x12: {  	s1 =	sld [smem:$0x3F9D];
	s0 =	simm.s32 @p0 $0x1  }
0x13: {  	[smem:$0x3FB8] =	sst s0;
	s0 =	simm.s32 @!p1 $0x0  }
0x14: {  	s2 =	sld [smem:$0x3F9C];
	s0 =	simm.s32 @p1 $0x1  }
0x15: {  	[smem:$0x3FB9] =	sst s0;
	s0 =	simm.s32 @!p2 $0x0  }
0x16: {  	s3 =	sld [smem:$0x3FDB];
	s0 =	simm.s32 @p2 $0x1  }
0x17: {  	s4 =	simm.s32 $0x1BF5;
	[smem:$0x3FBB] =	sst s0  }
0x18: {  	s0 =	sld [smem:$0x3F9E];
	_ =	swait.ge [sflag:s4], $0x0  }
0x19: {  	s7 =	sld [smem:$0x3F9F]  }
0x1a: {  	s8 =	sadd.s32 $0xFFFFE003, lr  }
0x1b: {  	s9 =	sadd.s32 $0xFFFFFEF7, lr;
	s5 =	simm.s32 $0xFFFFFFFF;
	p2 =	slt.u32 s8, $0xFFFFF086  }
0x1c: {  	p1 =	slt.u32 s9, $0xF7A;
	s5 =	simm.s32 @!p2 $0x0  }
0x1d: {  	s5 =	simm.s32 @p1 $0x1;
	p0 =	seq.s32 s7, s2  }
0x1e: {  	s7 =	smul.u32 @!p0 $0xF7A, s2;
	p2 =	seq.s32 @!p0 s5, $0x0  }
0x1f: {  	s9 =	smul.u32 $0xF7A, s1;
	s8 =	simm.s32 @!p0 $0x1BF5;
	p2 =	por !p2, p0  }
0x20: {  	[sflag:s8] =	ssyncset.s32 @!p0 $0xFFFFF086;
	s6 =	sadd.s32 @!p0 s3, s7;
	s7 =	simm.s32 @!p0 $0x108  }
0x21: {  	s3 =	sadd.s32 s3, s9;
	s6 =	sadd.s32 @!p0 $0x88, s6;
	s7 =	simm.s32 @p2 $0x1082  }
0x22: {  	[simem:s7], [sflag:s8] =	dma.local @!p0 [hbm:s6], $0xF7A  }
0x23: {  	s9 =	sor.u32 $0xD0000000, s2;
	s6 =	simm.s32 $0x108;
	_ =	swait.ge @!p0 [sflag:s8], $0x0  }
0x24: {  	s3 =	sadd.s32 $0x88, s3;
	s6 =	simm.s32 @!p1 $0x1082;
	[sflag:s4] =	ssyncset.s32 $0xFFFFF086  }
0x25: {  	[simem:s6], [sflag:s4] =	dma.local [hbm:s3], $0xF7A  }
0x26: {  	[smem:$0x3F9F] =	sst s1;
	(tag) =	ssettag s2;
	_ =	strace s9  }
0x27: {  	s1 =	sld [smem:$0x3FAF]  }
0x28: {  	s2 =	sld [smem:$0x3FB0]  }
0x29: {  	s4 =	sld [smem:$0x3FB2]  }
0x2a: {  	p0 =	seq.s32 s5, $0x0;
	s5 =	sld [smem:$0x3FB3]  }
0x2b: {  	s6 =	sld [smem:$0x3FB4]  }
0x2c: {  	s7 =	sld [smem:$0x3FB5]  }
0x2d: {  	s3 =	simm.s32 $0x108;
	s8 =	sld [smem:$0x3FB6]  }
0x2e: {  	s3 =	simm.s32 @!p0 $0x1082;
	s9 =	sld [smem:$0x3FB7]  }
0x2f: {  	lr =	sadd.s32 s0, s3;
	s0 =	sld [smem:$0x3FAE]  }
0x30: {  	s3 =	sld [smem:$0x3FB1]  }
0x31: {  	[smem:$0x3FBA] =	sst s10  }
0x32: {  	s10 =	sld [smem:$0x3FB8];
	_ =	sdelay $0x3  }
0x33: {  	p0 =	seq.s32 s10, $0x1;
	s10 =	sld [smem:$0x3FBA];
	_ =	sdelay $0x3  }
0x34: {  	[smem:$0x3FBA] =	sst s10  }
0x35: {  	s10 =	sld [smem:$0x3FB9];
	_ =	sdelay $0x3  }
0x36: {  	p1 =	seq.s32 s10, $0x1;
	s10 =	sld [smem:$0x3FBA];
	_ =	sdelay $0x3  }
0x37: {  	[smem:$0x3FBA] =	sst s10  }
0x38: {  	s10 =	sld [smem:$0x3FBB]  }
0x39: {  	_ = 	snop;
	(pc) =	sbr.ind lr, $3  }
0x3a: {  	_ = 	snop  }
0x3b: {  	_ = 	snop  }
0x3c: {  	p2 =	seq.s32 s10, $0x1;
	s10 =	sld [smem:$0x3FBA]  }
0x3d: {  	_ =	shalt  }
0x3e: {  	_ =	shalt  }
0x3f: {  	_ =	shalt  }
0x40: {  	_ =	shalt  }
0x41: {  	_ =	shalt  }
0x42: {  	_ =	shalt  }
0x43: {  	_ =	shalt  }
0x44: {  	_ =	shalt  }
0x45: {  	_ =	shalt  }
0x46: {  	_ =	shalt  }
0x47: {  	_ =	shalt  }
0x48: {  	_ =	shalt  }
0x49: {  	_ =	shalt  }
0x4a: {  	_ =	shalt  }
0x4b: {  	_ =	shalt  }
0x4c: {  	_ =	shalt  }
0x4d: {  	_ =	shalt  }
0x4e: {  	_ =	shalt  }
0x4f: {  	_ =	shalt  }
0x50: {  	_ =	shalt  }
0x51: {  	_ =	shalt  }
0x52: {  	_ =	shalt  }
0x53: {  	_ =	shalt  }
0x54: {  	_ =	shalt  }
0x55: {  	_ =	shalt  }
0x56: {  	_ =	shalt  }
0x57: {  	_ =	shalt  }
0x58: {  	_ =	shalt  }
0x59: {  	_ =	shalt  }
0x5a: {  	_ =	shalt  }
0x5b: {  	_ =	shalt  }
0x5c: {  	_ =	shalt  }
0x5d: {  	_ =	shalt  }
0x5e: {  	_ =	shalt  }
0x5f: {  	_ =	shalt  }
0x60: {  	_ =	shalt  }
0x61: {  	_ =	shalt  }
0x62: {  	_ =	shalt  }
0x63: {  	_ =	shalt  }
0x64: {  	_ =	shalt  }
0x65: {  	_ =	shalt  }
0x66: {  	_ =	shalt  }
0x67: {  	_ =	shalt  }
0x68: {  	_ =	shalt  }
0x69: {  	_ =	shalt  }
0x6a: {  	_ =	shalt  }
0x6b: {  	_ =	shalt  }
0x6c: {  	_ =	shalt  }
0x6d: {  	_ =	shalt  }
0x6e: {  	_ =	shalt  }
0x6f: {  	_ =	shalt  }
0x70: {  	_ =	shalt  }
0x71: {  	_ =	shalt  }
0x72: {  	_ =	shalt  }
0x73: {  	_ =	shalt  }
0x74: {  	_ =	shalt  }
0x75: {  	_ =	shalt  }
0x76: {  	_ =	shalt  }
0x77: {  	_ =	shalt  }
0x78: {  	_ =	shalt  }
0x79: {  	_ =	shalt  }
0x7a: {  	_ =	shalt  }
0x7b: {  	_ =	shalt  }
0x7c: {  	_ =	shalt  }
0x7d: {  	_ =	shalt  }
0x7e: {  	_ =	shalt  }
0x7f: {  	_ =	shalt  }
0x80: {  	_ =	shalt  }
0x81: {  	_ =	shalt  }
0x82: {  	_ =	shalt  }
0x83: {  	_ =	shalt  }
0x84: {  	_ =	shalt  }
0x85: {  	_ =	shalt  }
0x86: {  	_ =	shalt  }
0x87: {  	_ =	shalt  }
.Lfunc_end0:
.L_simem_size_0:
called_computation.1_lowered:
.L_overlay_start_0:
0x88: {  	s2 =	sld [smem:$0x3FD9]  }
0x89: {  	s3 =	sld [smem:$0x3FFE];
	_ =	sdelay $0x1  }
0x8a: {  	s1 =	srdreg.scid  }
0x8b: {  	s0 =	sand.u32 $0x1, s1  }
0x8c: {  	s17 =	sshll.u32 s0, $0xA;
	s2 =	sadd.s32 s3, s2  }
0x8d: {  	s2 =	sadd.s32 s2, s17  }
0x8e: {  	[smem:$0x3FC6] =	sst s2  }
0x8f: {  	_ = 	snop  }
0x90: {  	s2 =	sld [smem:$0x3FD0];
	(tm) =	ssettm $0x1  }
0x91: {  	s18 =	sld [smem:$0x3FFB];
	_ =	sdelay $0x3  }
0x92: {  	_ =	strace s18  }
0x93: {  	s3 =	sld [smem:$0x3FFC];
	_ =	sdelay $0x3  }
0x94: {  	_ =	strace s3  }
0x95: {  	s3 =	sld [smem:$0x3FFD];
	_ =	sdelay $0x3  }
0x96: {  	_ =	strace s3  }
0x97: {  	_ =	strace $0x8FFFFFFF  }
0x98: {  	s19 =	sld [smem:$0x3FDB];
	_ =	sdelay $0x1  }
0x99: {  	s4 =	simm.s32 $_scs_section_size  }
0x9a: {  	s5 =	simm.s32 $_size__tile_overlayer_lowered;
	s6 =	simm.s32 $_tile_overlayer_lowered  }
0x9b: {  	s22 =	simm.s32 $0x1BFF;
	s21 =	sshll.u32 s6, $0x1;
	s3 =	sadd.s32 s4, s19  }
0x9c: {  	s7 =	simm.s32 $0x0;
	s20 =	sshll.u32 s5, $0x1;
	s5 =	sadd.s32 s21, s3  }
0x9d: {  	[timem:s7], [sflag:s22] =	dma.local [hbm:s5], s20  }
0x9e: {  	_ =	swait.ge [sflag:s22], s20  }
0x9f: {  	s4 =	ssub.s32 $0x0, s20;
	[sflag:s22] =	ssyncset.done $0x0  }
0xa0: {  	[sflag:s22] =	ssyncadd.s32 s4;
	_ =	sdelay $0x1  }
0xa1: {  	s23 =	simm.s32 $0x1B8B  }
0xa2: {  	_ =	swait.ge [sflag:s23], $0x1  }
0xa3: {  	[sflag:s23] =	ssyncset.done $0x0  }
0xa4: {  	s25 =	simm.s32 $0x1B8E;
	s24 =	sld [smem:$0x3FFE];
	[sflag:s23] =	ssyncadd.s32 $0xFFFFFFFF  }
0xa5: {  	s26 =	simm.s32 $execute0_lowered;
	[smem:$0x3FD2] =	sst s25  }
0xa6: {  	s5 =	sshll.u32 s26, $0x1;
	_ =	strace $0x80000049;
	[dreg:$0x1] =	wrdreg $0xFFFFFFFF  }
0xa7: {  	s28 =	simm.s32 $_size_execute0_lowered;
	s3 =	sadd.s32 s3, s5;
	[dreg:$0x0] =	wrdreg $0x0  }
0xa8: {  	s5 =	sshll.u32 s28, $0x1;
	[dreg:$0x2] =	wrdreg s3  }
0xa9: {  	[dreg:$0x3] =	wrdreg s5  }
0xaa: {  	[dreg:$0x4] =	wrdreg $0xC0  }
0xab: {  	_ =	task [dreg:s7], $0x5FFFF  }
0xac: {  	[dreg:$0x1] =	wrdreg $0xFFFFFFFF  }
0xad: {  	[dreg:$0x0] =	wrdreg $0x60  }
0xae: {  	[dreg:$0x2] =	wrdreg s24  }
0xaf: {  	[dreg:$0x3] =	wrdreg s2  }
0xb0: {  	[dreg:$0x4] =	wrdreg $0x9  }
0xb1: {  	_ =	task.clear_ibuf [dreg:s7], $0x5FFFF;
	_ =	strace $0x90000049  }
0xb2: {  	s29 =	simm.s32 $0x9;
	_ =	strace $0x8000004B  }
0xb3: {  	_ =	swait.ge [sflag:s29], $0x1  }
0xb4: {  	[sflag:s29] =	ssyncadd.s32 $0xFFFFFFFF  }
0xb5: {  	_ =	strace $0x9000004B  }
0xb6: {  	_ =	sfence  }
0xb7: {  	s30 =	sld [smem:$0x0];
	_ =	sdelay $0x2  }
0xb8: {  	s31 =	sshll.u32 s1, $0xD;
	s1 =	sshrl.u32 s1, $0x2  }
0xb9: {  	s3 =	sand.u32 $0x4000, s31;
	s1 =	sadd.s32 s1, s30  }
0xba: {  	s0 =	sor.u32 s3, s0;
	s1 =	sshll.u32 s1, $0x11  }
0xbb: {  	s0 =	sor.u32 s1, s0  }
0xbc: {  	s0 =	sadd.s32 $0x8F2B, s0  }
0xbd: {  	[sflag:s0] =	ssyncadd.remote.s32 $0x1  }
0xbe: {  	_ =	sfence.sel $0xFFFF  }
0xbf: {  	[dreg:$0x0] =	wrdreg $0xFFFFFFFF;
	(pc) =	sbr.abs _section_cstart, $3  }
0xc0: {  	[dreg:$0x1] =	wrdreg $0xFFFFFFFF  }
0xc1: {  	_ =	task.clear_ibuf [dreg:s7], $0x2FFFF;
	_ =	strace $0x9FFFFFFF  }
0xc2: {  	(tm) =	ssettm $0x7FFFFFFF  }
0xc3: {  	_ =	shalt  }
tec
execute0_lowered:
.L_overlay_start_1:
0x0: {  	(tag) =	ssettag $0x1  }
0x1: {  	s0 =	rddreg [dreg:$0x0]  }
0x2: {  	s1 =	rddreg [dreg:$0x1];
	s2 =	simm.s32 $0x0;
	s3 =	srdreg.scid  }
0x3: {  	s6 =	stileid.u32;
	s28 =	simm.s32 $0x3000;
	s29 =	simm.s32 $0xB000  }
0x4: {  	s30 =	simm.s32 $0x4;
	s31 =	simm.s32 $0x1;
	s11 =	simm.s32 $0x2  }
0x5: {  	s13 =	simm.s32 $0x0;
	[smem:$0x7FF] =	sst s2;
	s4 =	sadd.s32 $0x300A00, s0  }
0x6: {  	s5 =	sadd.s32 $0x280A00, s0;
	s3 =	sand.u32 $0x1, s3;
	s7 =	sshll.u32 s6, $0x12  }
0x7: {  	s6 =	sadd.s32 $0x200A00, s0;
	s9 =	ssub.s32 $0x2, s3;
	s3 =	sshll.u32 s3, $0x11  }
0x8: {  	s8 =	sadd.s32 $0xA00, s0;
	s10 =	sshrl.u32 s9, $0x1;
	s7 =	sor.u32 s3, s7  }
0x9: {  	_ =	strace $0x8000004A;
	s19 =	ssub.s32 s9, s10;
	s3 =	sshrl.u32 s7, $0x3  }
0xa: {  	s15 =	sor.u32 $0x1000, s7;
	s16 =	sor.u32 $0x1800, s7;
	s20 =	sadd.s32 s4, s3  }
0xb: {  	s10 =	simm.s32 $0x5;
	s21 =	sadd.s32 s5, s3;
	[dreg:$0x3] =	wrdreg s20  }
0xc: {  	s22 =	sor.u32 $0x100, s3;
	s23 =	sadd.s32 s6, s3;
	[dreg:$0x4] =	wrdreg s21  }
0xd: {  	s3 =	sadd.s32 s3, s1;
	s0 =	smax.u32 s19, $0x1;
	[dreg:$0x5] =	wrdreg s23  }
0xe: {  	s24 =	sadd.s32 s4, s22;
	s25 =	sadd.s32 s5, s22;
	[dreg:$0xb] =	wrdreg s0  }
0xf: {  	s9 =	sadd.s32 s6, s22;
	s26 =	sadd.s32 $0x3E00, s3;
	[dreg:$0x6] =	wrdreg s24  }
0x10: {  	s3 =	sadd.s32 $0x3F00, s3;
	s20 =	simm.s32 $0x800;
	[dreg:$0x7] =	wrdreg s25  }
0x11: {  	s21 =	simm.s32 $0x1000;
	s22 =	simm.s32 $0x3;
	[dreg:$0x8] =	wrdreg s9  }
0x12: {  	s23 =	simm.s32 $0x1800;
	s0 =	simm.s32 $0x7000;
	[dreg:$0x9] =	wrdreg s26  }
0x13: {  	[dreg:$0xa] =	wrdreg s3;
	s24 =	simm.s32 $0x2000;
	s25 =	simm.s32 $0x2800  }
0x14: {  	v0 =	vimm.s32 $0x0;
	s26 =	simm.s32 $0x4000;
	s3 =	simm.s32 $0xF000;
	s9 =	simm.s32 $0x1B000  }
.LBB2_1:
0x15: {  	[dreg:$0xc] =	wrdreg s13  }
0x16: {  	s12 =	rddreg [dreg:$0x3]  }
0x17: {  	[tilespmem:s2], [sflag:$0x3] =	stream.linear.gather [hbm4b:s12+s2], $0x800, $0x38;
	[tilespmem:$0x1B800] =	vst v63  }
0x18: {  	s13 =	rddreg [dreg:$0x4]  }
0x19: {  	[tilespmem:s20], [sflag:$0x3] =	stream.linear.gather [hbm4b:s13+s2], $0x800, $0x38;
	[tilespmem:$0x1B800] =	vst v63  }
0x1a: {  	s14 =	rddreg [dreg:$0x5]  }
0x1b: {  	[tilespmem:s21], [sflag:$0x3] =	stream.linear.gather [hbm4b:s14+s2], $0x800, $0x38;
	[tilespmem:$0x1B800] =	vst v63  }
0x1c: {  	_ =	swait.ge [sflag:s22], $0x800  }
0x1d: {  	[sflag:s22] =	ssyncset.done $0x0  }
0x1e: {  	[sflag:s22] =	ssyncadd.s32 $0xFFFFF800  }
0x1f: {  	_ =	swait.ge [sflag:s22], $0x800  }
0x20: {  	[sflag:s22] =	ssyncset.done $0x0  }
0x21: {  	[sflag:s22] =	ssyncadd.s32 $0xFFFFF800  }
0x22: {  	_ =	swait.ge [sflag:s22], $0x800  }
0x23: {  	[sflag:s22] =	ssyncset.done $0x0  }
0x24: {  	s17 =	rddreg [dreg:$0x6];
	[sflag:s22] =	ssyncadd.s32 $0xFFFFF800  }
0x25: {  	[tilespmem:s23], [sflag:$0x4] =	stream.linear.gather [hbm4b:s17+s2], $0x800, $0x38;
	[tilespmem:$0x1B800] =	vst v63  }
0x26: {  	s18 =	rddreg [dreg:$0x7]  }
0x27: {  	[tilespmem:s24], [sflag:$0x4] =	stream.linear.gather [hbm4b:s18+s2], $0x800, $0x38;
	[tilespmem:$0x1B800] =	vst v63  }
0x28: {  	s13 =	simm.s32 $0x0;
	s19 =	rddreg [dreg:$0x8]  }
0x29: {  	[tilespmem:s25], [sflag:$0x4] =	stream.linear.gather [hbm4b:s19+s2], $0x800, $0x38;
	[tilespmem:$0x1B800] =	vst v63  }
0x2a: {  	v1 =	vld [tilespmem:s13+$0x800];
	_ =	sdelay $0x1  }
0x2b: {  	v2 =	vld [tilespmem:s13+$0x1000];
	_ =	sdelay $0x1  }
0x2c: {  	v3 =	vld [tilespmem:s13+$0x0]  }
0x2d: {  	v1 =	vmul.f32 $4.266666790e+01, v1;
	_ =	sdelay $0x1  }
0x2e: {  	v2 =	vmul.f32 $4.266666790e+01, v2;
	v1 =	vadd.f32 $1.275000000e+02, v1;
	_ =	sdelay $0x1  }
0x2f: {  	v3 =	vmul.f32 $4.266666790e+01, v3;
	v2 =	vadd.f32 $1.275000000e+02, v2;
	v4 =	vtrunc.f32 v1  }
0x30: {  	v5 =	vcvt.f32.s32 v4;
	vm0 =	vlt.f32 v1, v4  }
0x31: {  	v6 =	vtrunc.f32 v2;
	v4 =	vadd.f32 $1.275000000e+02, v3;
	v3 =	vsel vm0, $0xFFFFFFFF, v0  }
0x32: {  	vm0 =	vlt.f32 v2, v6;
	v5 =	vadd.s32 v5, v3;
	v3 =	vcvt.f32.s32 v6  }
0x33: {  	v6 =	vtrunc.f32 v4;
	v8 =	vsel vm0, $0xFFFFFFFF, v0;
	v7 =	vcvt.s32.f32 v5  }
0x34: {  	v9 =	vcvt.f32.s32 v6;
	vm0 =	vlt.f32 v4, v6;
	vm2 =	vgt.s32 v5, $0x0  }
0x35: {  	v6 =	vadd.s32 v3, v8;
	v3 =	vsel vm0, $0xFFFFFFFF, v0;
	vm0 =	vlt.u32 v5, $0x100  }
0x36: {  	v7 =	vsub.f32 v1, v7;
	v8 =	vcvt.s32.f32 v6;
	v1 =	vadd.s32 v9, v3  }
0x37: {  	v9 =	vadd.s32 $0x1, v5;
	v10 =	vadd.s32 $0x1, v6;
	vm4 =	vlt.u32 v6, $0x100  }
0x38: {  	vm5 =	vgt.s32 v6, $0x0;
	v5 =	vnsel vm2, $0x0, v5;
	v11 =	vcvt.s32.f32 v1  }
0x39: {  	v3 =	vadd.s32 $0x1, v1;
	vm1 =	vlt.u32 v10, $0x100;
	vm3 =	vgt.s32 v10, $0x0  }
0x3a: {  	v15 =	vnsel vm5, $0x0, v6;
	v12 =	vsub.f32 $1.000000000e+00, v7;
	v2 =	vsub.f32 v2, v8  }
0x3b: {  	vm2 =	vlt.u32 v1, $0x100;
	v16 =	vnsel vm3, $0x0, v10;
	v8 =	vsub.f32 v4, v11  }
0x3c: {  	v16 =	vmin.u32 v16, $0xFF;
	v11 =	vnsel vm0, $0x0, v12;
	v12 =	vnsel vm1, $0x0, v2  }
0x3d: {  	vm0 =	vlt.u32 v3, $0x100;
	v13 =	vsub.f32 $1.000000000e+00, v2;
	vm1 =	vgt.s32 v9, $0x0  }
0x3e: {  	v4 =	vmul.f32 v11, v12;
	v2 =	vnsel vm0, $0x0, v8;
	vm0 =	vlt.u32 v9, $0x100  }
0x3f: {  	v8 =	vsub.f32 $1.000000000e+00, v8;
	v9 =	vnsel vm1, $0x0, v9;
	vm1 =	vgt.s32 v1, $0x0  }
0x40: {  	v7 =	vnsel vm0, $0x0, v7;
	v13 =	vnsel vm4, $0x0, v13;
	v9 =	vmin.u32 v9, $0xFF  }
0x41: {  	vm0 =	vgt.s32 v3, $0x0;
	v14 =	vmul.f32 v4, v2;
	v10 =	vmul.f32 v13, v11  }
0x42: {  	v6 =	vmul.f32 v13, v7;
	v13 =	vmin.u32 v5, $0xFF;
	v5 =	vmul.f32 v12, v7  }
0x43: {  	v7 =	vmin.u32 v15, $0xFF;
	v8 =	vnsel vm2, $0x0, v8;
	v11 =	vshll.u32 v9, $0x8  }
0x44: {  	s14 =	simm.s32 $0x10;
	s17 =	simm.s32 $0x80;
	v12 =	vshll.u32 v16, $0x10;
	v7 =	vshll.u32 v7, $0x10;
	v9 =	vshll.u32 v13, $0x8;
	[tilespmem:s13+$0x15800] =	vst v14  }
.LBB2_2:
0x45: {  	p0 =	sne.s32 s17, $0x1FC0;
	v13 =	vld [tilespmem:s14+$0x800];
	v1 =	vnsel vm1, $0x0, v1;
	v3 =	vnsel vm0, $0x0, v3;
	v14 =	vmul.f32 v10, v8  }
0x46: {  	v10 =	vmul.f32 v10, v2;
	v15 =	vor.u32 v11, v7;
	v16 =	vmul.f32 v6, v8  }
0x47: {  	v6 =	vmul.f32 v6, v2;
	v4 =	vmul.f32 v4, v8;
	v17 =	vld [tilespmem:s14+$0x1000];
	[tilespmem:s13+$0x13000] =	vst v14;
	v14 =	vor.u32 v9, v12  }
0x48: {  	v8 =	vmul.f32 v5, v8;
	v2 =	vmul.f32 v5, v2;
	[tilespmem:s13+$0x13800] =	vst v10;
	v10 =	vor.u32 v11, v12  }
0x49: {  	v7 =	vor.u32 v9, v7;
	v1 =	vmin.u32 v1, $0xFF;
	v3 =	vmin.u32 v3, $0xFF;
	v5 =	vld [tilespmem:s14+$0x0];
	[tilespmem:s13+$0x14000] =	vst v16  }
0x4a: {  	v11 =	vor.u32 v1, v15;
	v12 =	vor.u32 v3, v15;
	v9 =	vmul.f32 $4.266666790e+01, v13;
	[tilespmem:s13+$0x14800] =	vst v6  }
0x4b: {  	v6 =	vor.u32 v1, v14;
	v13 =	vor.u32 v1, v10;
	[tilespmem:s13+$0x15000] =	vst v4;
	v4 =	vor.u32 v3, v14  }
0x4c: {  	v9 =	vadd.f32 $1.275000000e+02, v9;
	v14 =	vmul.f32 $4.266666790e+01, v17;
	[tilespmem:s13+$0x16000] =	vst v8;
	v8 =	vor.u32 v3, v10  }
0x4d: {  	v1 =	vor.u32 v1, v7;
	v3 =	vor.u32 v3, v7;
	[tilespmem:s13+$0x16800] =	vst v2  }
0x4e: {  	v2 =	vmul.f32 $4.266666790e+01, v5;
	v5 =	vtrunc.f32 v9;
	v7 =	vadd.f32 $1.275000000e+02, v14;
	[tilespmem:s13+$0x4000] =	vst v11  }
0x4f: {  	v10 =	vcvt.f32.s32 v5;
	vm0 =	vlt.f32 v9, v5;
	[tilespmem:s13+$0x4800] =	vst v12  }
0x50: {  	v2 =	vadd.f32 $1.275000000e+02, v2;
	v5 =	vsel vm0, $0xFFFFFFFF, v0;
	v11 =	vtrunc.f32 v7;
	[tilespmem:s13+$0x5000] =	vst v6  }
0x51: {  	v5 =	vadd.s32 v10, v5;
	v6 =	vcvt.f32.s32 v11;
	vm0 =	vlt.f32 v7, v11;
	[tilespmem:s13+$0x5800] =	vst v4  }
0x52: {  	v4 =	vtrunc.f32 v2;
	v10 =	vcvt.s32.f32 v5;
	v11 =	vsel vm0, $0xFFFFFFFF, v0;
	[tilespmem:s13+$0x6000] =	vst v13  }
0x53: {  	v12 =	vcvt.f32.s32 v4;
	vm0 =	vlt.f32 v2, v4;
	v6 =	vadd.s32 v6, v11;
	[tilespmem:s13+$0x6800] =	vst v8  }
0x54: {  	v4 =	vsel vm0, $0xFFFFFFFF, v0;
	v8 =	vsub.f32 v9, v10;
	v9 =	vcvt.s32.f32 v6;
	[tilespmem:s13+$0x3000] =	vst v1  }
0x55: {  	v10 =	vadd.s32 $0x1, v5;
	v11 =	vadd.s32 $0x1, v6;
	v1 =	vadd.s32 v12, v4;
	[tilespmem:s13+$0x3800] =	vst v3;
	s13 =	smov.u32 s14  }
0x56: {  	v4 =	vcvt.s32.f32 v1;
	v12 =	vsub.f32 $1.000000000e+00, v8;
	v7 =	vsub.f32 v7, v9  }
0x57: {  	vm0 =	vlt.u32 v5, $0x100;
	vm1 =	vlt.u32 v11, $0x100;
	v3 =	vadd.s32 $0x1, v1  }
0x58: {  	v9 =	vsub.f32 v2, v4;
	v12 =	vnsel vm0, $0x0, v12;
	v13 =	vnsel vm1, $0x0, v7  }
0x59: {  	vm0 =	vlt.u32 v3, $0x100;
	v7 =	vsub.f32 $1.000000000e+00, v7;
	v4 =	vmul.f32 v12, v13  }
0x5a: {  	vm1 =	vgt.s32 v10, $0x0;
	v2 =	vnsel vm0, $0x0, v9;
	vm0 =	vlt.u32 v10, $0x100  }
0x5b: {  	vm2 =	vgt.s32 v5, $0x0;
	vm3 =	vgt.s32 v11, $0x0;
	v14 =	vmul.f32 v4, v2  }
0x5c: {  	vm4 =	vlt.u32 v6, $0x100;
	vm5 =	vgt.s32 v6, $0x0;
	v9 =	vsub.f32 $1.000000000e+00, v9  }
0x5d: {  	v10 =	vnsel vm1, $0x0, v10;
	v7 =	vnsel vm4, $0x0, v7;
	v8 =	vnsel vm0, $0x0, v8;
	[tilespmem:s13+$0x15800] =	vst v14  }
0x5e: {  	v5 =	vnsel vm2, $0x0, v5;
	v11 =	vnsel vm3, $0x0, v11;
	v14 =	vnsel vm5, $0x0, v6  }
.Ltmp0:
0x5f: {  	v15 =	vmin.u32 v10, $0xFF;
	v10 =	vmul.f32 v7, v12;
	v6 =	vmul.f32 v7, v8;
	(pc) =	sbr.rel @p0 .LBB2_2-.Ltmp0, $4  }
0x60: {  	v16 =	vmin.u32 v11, $0xFF;
	v12 =	vmin.u32 v5, $0xFF;
	v5 =	vmul.f32 v13, v8  }
0x61: {  	vm2 =	vlt.u32 v1, $0x100;
	vm0 =	vgt.s32 v3, $0x0;
	v7 =	vmin.u32 v14, $0xFF  }
0x62: {  	vm1 =	vgt.s32 v1, $0x0;
	v11 =	vshll.u32 v15, $0x8;
	v8 =	vnsel vm2, $0x0, v9  }
0x63: {  	s14 =	sshra.s32 s17, $0x2;
	s17 =	sadd.s32 $0x40, s17;
	v9 =	vshll.u32 v12, $0x8;
	v12 =	vshll.u32 v16, $0x10;
	v7 =	vshll.u32 v7, $0x10  }
0x64: {  	v13 =	vld [tilespmem:s14+$0x800];
	v14 =	vmul.f32 v10, v8  }
0x65: {  	v28 =	vmul.f32 v10, v2;
	v15 =	vld [tilespmem:s14+$0x1000]  }
0x66: {  	v1 =	vnsel vm1, $0x0, v1;
	v3 =	vnsel vm0, $0x0, v3;
	v16 =	vor.u32 v11, v7;
	[tilespmem:s13+$0x13000] =	vst v14  }
0x67: {  	v29 =	vmul.f32 v6, v8;
	v30 =	vmul.f32 v6, v2;
	v17 =	vor.u32 v9, v12;
	[tilespmem:s13+$0x13800] =	vst v28  }
0x68: {  	v4 =	vmul.f32 v4, v8;
	v31 =	vor.u32 v11, v12;
	v32 =	vmul.f32 v5, v8;
	v33 =	vld [tilespmem:s14+$0x0]  }
0x69: {  	v2 =	vmul.f32 v5, v2;
	v35 =	vor.u32 v9, v7;
	v1 =	vmin.u32 v1, $0xFF  }
0x6a: {  	v3 =	vmin.u32 v3, $0xFF;
	v34 =	vmul.f32 $4.266666790e+01, v13;
	v38 =	vmul.f32 $4.266666790e+01, v15  }
0x6b: {  	v36 =	vor.u32 v1, v16;
	v37 =	vor.u32 v3, v16;
	v39 =	vor.u32 v1, v17  }
0x6c: {  	v40 =	vor.u32 v3, v17;
	v5 =	vadd.f32 $1.275000000e+02, v34;
	v13 =	vadd.f32 $1.275000000e+02, v38  }
0x6d: {  	v41 =	vor.u32 v1, v31;
	v10 =	vor.u32 v3, v31;
	v11 =	vmul.f32 $4.266666790e+01, v33  }
0x6e: {  	v1 =	vor.u32 v1, v35;
	v18 =	vtrunc.f32 v5;
	v20 =	vtrunc.f32 v13  }
0x6f: {  	v19 =	vcvt.f32.s32 v18;
	vm4 =	vlt.f32 v5, v18;
	v11 =	vadd.f32 $1.275000000e+02, v11  }
0x70: {  	v42 =	vcvt.f32.s32 v20;
	vm5 =	vlt.f32 v13, v20;
	v18 =	vsel vm4, $0xFFFFFFFF, v0  }
0x71: {  	v3 =	vor.u32 v3, v35;
	v22 =	vsel vm5, $0xFFFFFFFF, v0;
	v18 =	vadd.s32 v19, v18  }
0x72: {  	v43 =	vtrunc.f32 v11;
	v44 =	vadd.s32 v42, v22;
	v21 =	vcvt.s32.f32 v18  }
0x73: {  	[tilespmem:s13+$0x14000] =	vst v29;
	vm6 =	vlt.f32 v11, v43;
	v20 =	vcvt.f32.s32 v43;
	v46 =	vcvt.s32.f32 v44  }
0x74: {  	[tilespmem:s13+$0x14800] =	vst v30;
	v47 =	vadd.s32 $0x1, v18;
	v19 =	vadd.s32 $0x1, v44;
	vm7 =	vlt.u32 v18, $0x100  }
0x75: {  	[tilespmem:s13+$0x15000] =	vst v4;
	vm2 =	vgt.s32 v18, $0x0;
	vm4 =	vlt.u32 v44, $0x100;
	vm12 =	vgt.s32 v44, $0x0  }
0x76: {  	[tilespmem:s13+$0x16000] =	vst v32;
	v45 =	vsel vm6, $0xFFFFFFFF, v0;
	vm8 =	vlt.u32 v19, $0x100;
	vm10 =	vlt.u32 v47, $0x100  }
0x77: {  	[tilespmem:s13+$0x16800] =	vst v2;
	v5 =	vsub.f32 v5, v21;
	v14 =	vadd.s32 v20, v45;
	v6 =	vsub.f32 v13, v46  }
0x78: {  	[tilespmem:s13+$0x4000] =	vst v36;
	vm11 =	vgt.s32 v47, $0x0;
	vm3 =	vgt.s32 v19, $0x0;
	v20 =	vcvt.s32.f32 v14  }
0x79: {  	[tilespmem:s13+$0x4800] =	vst v37;
	v48 =	vsub.f32 $1.000000000e+00, v5;
	v50 =	vnsel vm8, $0x0, v6;
	v6 =	vsub.f32 $1.000000000e+00, v6  }
0x7a: {  	[tilespmem:s13+$0x5000] =	vst v39;
	v54 =	vnsel vm2, $0x0, v18;
	v49 =	vadd.s32 $0x1, v14;
	v2 =	vsub.f32 v11, v20  }
0x7b: {  	[tilespmem:s13+$0x5800] =	vst v40;
	vm9 =	vlt.u32 v49, $0x100;
	v8 =	vnsel vm7, $0x0, v48;
	v6 =	vnsel vm4, $0x0, v6  }
0x7c: {  	[tilespmem:s13+$0x6000] =	vst v41;
	v51 =	vmul.f32 v8, v50;
	v52 =	vnsel vm9, $0x0, v2;
	v2 =	vsub.f32 $1.000000000e+00, v2  }
0x7d: {  	[tilespmem:s13+$0x3800] =	vst v3;
	v3 =	vnsel vm12, $0x0, v44;
	vm13 =	vlt.u32 v14, $0x100;
	v8 =	vmul.f32 v6, v8  }
0x7e: {  	[tilespmem:s13+$0x3000] =	vst v1;
	v1 =	vnsel vm10, $0x0, v5;
	v53 =	vmul.f32 v51, v52;
	v2 =	vnsel vm13, $0x0, v2  }
0x7f: {  	[tilespmem:s13+$0x6800] =	vst v10;
	v4 =	vnsel vm11, $0x0, v47;
	v6 =	vmul.f32 v6, v1;
	v55 =	vmul.f32 v8, v2  }
0x80: {  	v56 =	vnsel vm3, $0x0, v19;
	v3 =	vmin.u32 v3, $0xFF;
	v8 =	vmul.f32 v8, v52;
	[tilespmem:s14+$0x15800] =	vst v53  }
0x81: {  	v4 =	vmin.u32 v4, $0xFF;
	v10 =	vmin.u32 v56, $0xFF;
	v57 =	vmul.f32 v6, v2;
	[tilespmem:s14+$0x13000] =	vst v55  }
0x82: {  	vm15 =	vgt.s32 v14, $0x0;
	v1 =	vmul.f32 v50, v1;
	v6 =	vmul.f32 v6, v52;
	[tilespmem:s14+$0x13800] =	vst v8  }
0x83: {  	v3 =	vshll.u32 v3, $0x10;
	v5 =	vmin.u32 v54, $0xFF;
	v58 =	vmul.f32 v51, v2;
	[tilespmem:s14+$0x14000] =	vst v57  }
0x84: {  	vm14 =	vgt.s32 v49, $0x0;
	v4 =	vshll.u32 v4, $0x8;
	v2 =	vmul.f32 v1, v2;
	[tilespmem:s14+$0x14800] =	vst v6  }
0x85: {  	v59 =	vnsel vm15, $0x0, v14;
	v60 =	vnsel vm14, $0x0, v49;
	v1 =	vmul.f32 v1, v52;
	[tilespmem:s14+$0x15000] =	vst v58  }
0x86: {  	v5 =	vshll.u32 v5, $0x8;
	v61 =	vor.u32 v4, v3;
	v7 =	vmin.u32 v60, $0xFF;
	[tilespmem:s14+$0x16000] =	vst v2  }
0x87: {  	v6 =	vmin.u32 v59, $0xFF;
	v2 =	vshll.u32 v10, $0x10;
	[tilespmem:s14+$0x16800] =	vst v1;
	v8 =	vor.u32 v7, v61  }
0x88: {  	v62 =	vor.u32 v6, v61;
	v1 =	vor.u32 v5, v2;
	[tilespmem:s14+$0x4800] =	vst v8  }
0x89: {  	[tilespmem:s14+$0x4000] =	vst v62;
	v63 =	vor.u32 v6, v1  }
0x8a: {  	v2 =	vor.u32 v4, v2;
	v1 =	vor.u32 v7, v1;
	[tilespmem:s14+$0x5000] =	vst v63  }
0x8b: {  	v4 =	vor.u32 v6, v2;
	[tilespmem:s14+$0x5800] =	vst v1  }
0x8c: {  	v2 =	vor.u32 v7, v2;
	v1 =	vor.u32 v5, v3;
	[tilespmem:s14+$0x6000] =	vst v4  }
0x8d: {  	[tilespmem:s14+$0x6800] =	vst v2;
	v3 =	vor.u32 v6, v1  }
0x8e: {  	v1 =	vor.u32 v7, v1;
	[tilespmem:s14+$0x3000] =	vst v3  }
0x8f: {  	s13 =	simm.s32 $0x0;
	[tilespmem:s14+$0x3800] =	vst v1;
	s14 =	simm.s32 $0x0  }
0x90: {  	[tilespmem:s29], [sflag:$0x1] =	stream.indirect.gather [hbm4b:s8+s26], $0x1, s28, s26, $0xb8;
	[tilespmem:$0x1B800] =	vst v63  }
.LBB2_4:
0x91: {  	_ =	swait.ge [sflag:s30], $0x800  }
0x92: {  	[sflag:s30] =	ssyncset.done $0x0  }
0x93: {  	[sflag:s30] =	ssyncadd.s32 $0xFFFFF800  }
0x94: {  	_ =	swait.ge [sflag:s30], $0x800  }
0x95: {  	[sflag:s30] =	ssyncset.done $0x0  }
0x96: {  	s17 =	sshll.u32 s14, $0xC;
	[sflag:s30] =	ssyncadd.s32 $0xFFFFF800  }
0x97: {  	s12 =	sadd.s32 s17, s15;
	_ =	swait.ge [sflag:s30], $0x800  }
0x98: {  	s12 =	sshrl.u32 s12, $0x3;
	[sflag:s30] =	ssyncset.done $0x0  }
0x99: {  	s18 =	sadd.s32 s4, s12;
	[sflag:s30] =	ssyncadd.s32 $0xFFFFF800  }
0x9a: {  	[tilespmem:s13], [sflag:$0x3] =	stream.linear.gather [hbm4b:s18+s13], $0x800, $0x38;
	[tilespmem:$0x1B800] =	vst v63  }
0x9b: {  	s19 =	sadd.s32 s5, s12  }
0x9c: {  	[tilespmem:s20], [sflag:$0x3] =	stream.linear.gather [hbm4b:s19+s13], $0x800, $0x38;
	[tilespmem:$0x1B800] =	vst v63  }
0x9d: {  	s12 =	sadd.s32 s6, s12;
	s18 =	simm.s32 $0x0  }
0x9e: {  	[tilespmem:s21], [sflag:$0x3] =	stream.linear.gather [hbm4b:s12+s13], $0x800, $0x38;
	[tilespmem:$0x1B800] =	vst v63  }
0x9f: {  	v1 =	vld [tilespmem:s18+$0x2000];
	_ =	sdelay $0x1  }
0xa0: {  	v2 =	vld [tilespmem:s18+$0x2800];
	_ =	sdelay $0x1  }
0xa1: {  	v3 =	vld [tilespmem:s18+$0x1800]  }
0xa2: {  	v1 =	vmul.f32 $4.266666790e+01, v1;
	_ =	sdelay $0x1  }
0xa3: {  	v2 =	vmul.f32 $4.266666790e+01, v2;
	v1 =	vadd.f32 $1.275000000e+02, v1;
	_ =	sdelay $0x1  }
0xa4: {  	v3 =	vmul.f32 $4.266666790e+01, v3;
	v2 =	vadd.f32 $1.275000000e+02, v2;
	v4 =	vtrunc.f32 v1  }
0xa5: {  	v5 =	vcvt.f32.s32 v4;
	vm0 =	vlt.f32 v1, v4  }
0xa6: {  	v6 =	vtrunc.f32 v2;
	v4 =	vadd.f32 $1.275000000e+02, v3;
	v3 =	vsel vm0, $0xFFFFFFFF, v0  }
0xa7: {  	vm0 =	vlt.f32 v2, v6;
	v5 =	vadd.s32 v5, v3;
	v3 =	vcvt.f32.s32 v6  }
0xa8: {  	v6 =	vtrunc.f32 v4;
	v8 =	vsel vm0, $0xFFFFFFFF, v0;
	v7 =	vcvt.s32.f32 v5  }
0xa9: {  	v9 =	vcvt.f32.s32 v6;
	vm0 =	vlt.f32 v4, v6;
	vm2 =	vgt.s32 v5, $0x0  }
0xaa: {  	v6 =	vadd.s32 v3, v8;
	v3 =	vsel vm0, $0xFFFFFFFF, v0;
	vm0 =	vlt.u32 v5, $0x100  }
0xab: {  	v7 =	vsub.f32 v1, v7;
	v8 =	vcvt.s32.f32 v6;
	v1 =	vadd.s32 v9, v3  }
0xac: {  	v9 =	vadd.s32 $0x1, v5;
	v10 =	vadd.s32 $0x1, v6;
	vm4 =	vlt.u32 v6, $0x100  }
0xad: {  	vm5 =	vgt.s32 v6, $0x0;
	v5 =	vnsel vm2, $0x0, v5;
	v11 =	vcvt.s32.f32 v1  }
0xae: {  	v3 =	vadd.s32 $0x1, v1;
	vm1 =	vlt.u32 v10, $0x100;
	vm3 =	vgt.s32 v10, $0x0  }
0xaf: {  	v15 =	vnsel vm5, $0x0, v6;
	v12 =	vsub.f32 $1.000000000e+00, v7;
	v2 =	vsub.f32 v2, v8  }
0xb0: {  	vm2 =	vlt.u32 v1, $0x100;
	v16 =	vnsel vm3, $0x0, v10;
	v8 =	vsub.f32 v4, v11  }
0xb1: {  	v16 =	vmin.u32 v16, $0xFF;
	v11 =	vnsel vm0, $0x0, v12;
	v12 =	vnsel vm1, $0x0, v2  }
0xb2: {  	vm0 =	vlt.u32 v3, $0x100;
	v13 =	vsub.f32 $1.000000000e+00, v2;
	vm1 =	vgt.s32 v9, $0x0  }
0xb3: {  	v4 =	vmul.f32 v11, v12;
	v2 =	vnsel vm0, $0x0, v8;
	vm0 =	vlt.u32 v9, $0x100  }
0xb4: {  	v8 =	vsub.f32 $1.000000000e+00, v8;
	v9 =	vnsel vm1, $0x0, v9;
	vm1 =	vgt.s32 v1, $0x0  }
0xb5: {  	v7 =	vnsel vm0, $0x0, v7;
	v13 =	vnsel vm4, $0x0, v13;
	v9 =	vmin.u32 v9, $0xFF  }
0xb6: {  	vm0 =	vgt.s32 v3, $0x0;
	v14 =	vmul.f32 v4, v2;
	v10 =	vmul.f32 v13, v11  }
0xb7: {  	v6 =	vmul.f32 v13, v7;
	v13 =	vmin.u32 v5, $0xFF;
	v5 =	vmul.f32 v12, v7  }
0xb8: {  	v7 =	vmin.u32 v15, $0xFF;
	v8 =	vnsel vm2, $0x0, v8;
	v11 =	vshll.u32 v9, $0x8  }
0xb9: {  	s19 =	simm.s32 $0x10;
	s12 =	simm.s32 $0x80;
	v12 =	vshll.u32 v16, $0x10;
	v7 =	vshll.u32 v7, $0x10;
	v9 =	vshll.u32 v13, $0x8;
	[tilespmem:s18+$0x19800] =	vst v14  }
.LBB2_5:
0xba: {  	p0 =	sne.s32 s12, $0x1FC0;
	v13 =	vld [tilespmem:s19+$0x2000];
	v1 =	vnsel vm1, $0x0, v1;
	v3 =	vnsel vm0, $0x0, v3;
	v14 =	vmul.f32 v10, v8  }
0xbb: {  	v10 =	vmul.f32 v10, v2;
	v15 =	vor.u32 v11, v7;
	v16 =	vmul.f32 v6, v8  }
0xbc: {  	v6 =	vmul.f32 v6, v2;
	v4 =	vmul.f32 v4, v8;
	v17 =	vld [tilespmem:s19+$0x2800];
	[tilespmem:s18+$0x17000] =	vst v14;
	v14 =	vor.u32 v9, v12  }
0xbd: {  	v8 =	vmul.f32 v5, v8;
	v2 =	vmul.f32 v5, v2;
	[tilespmem:s18+$0x17800] =	vst v10;
	v10 =	vor.u32 v11, v12  }
0xbe: {  	v7 =	vor.u32 v9, v7;
	v1 =	vmin.u32 v1, $0xFF;
	v3 =	vmin.u32 v3, $0xFF;
	v5 =	vld [tilespmem:s19+$0x1800];
	[tilespmem:s18+$0x18000] =	vst v16  }
0xbf: {  	v11 =	vor.u32 v1, v15;
	v12 =	vor.u32 v3, v15;
	v9 =	vmul.f32 $4.266666790e+01, v13;
	[tilespmem:s18+$0x18800] =	vst v6  }
0xc0: {  	v6 =	vor.u32 v1, v14;
	v13 =	vor.u32 v1, v10;
	[tilespmem:s18+$0x19000] =	vst v4;
	v4 =	vor.u32 v3, v14  }
0xc1: {  	v9 =	vadd.f32 $1.275000000e+02, v9;
	v14 =	vmul.f32 $4.266666790e+01, v17;
	[tilespmem:s18+$0x1A000] =	vst v8;
	v8 =	vor.u32 v3, v10  }
0xc2: {  	v1 =	vor.u32 v1, v7;
	v3 =	vor.u32 v3, v7;
	[tilespmem:s18+$0x1A800] =	vst v2  }
0xc3: {  	v2 =	vmul.f32 $4.266666790e+01, v5;
	v5 =	vtrunc.f32 v9;
	v7 =	vadd.f32 $1.275000000e+02, v14;
	[tilespmem:s18+$0x8000] =	vst v11  }
0xc4: {  	v10 =	vcvt.f32.s32 v5;
	vm0 =	vlt.f32 v9, v5;
	[tilespmem:s18+$0x8800] =	vst v12  }
0xc5: {  	v2 =	vadd.f32 $1.275000000e+02, v2;
	v5 =	vsel vm0, $0xFFFFFFFF, v0;
	v11 =	vtrunc.f32 v7;
	[tilespmem:s18+$0x9000] =	vst v6  }
0xc6: {  	v5 =	vadd.s32 v10, v5;
	v6 =	vcvt.f32.s32 v11;
	vm0 =	vlt.f32 v7, v11;
	[tilespmem:s18+$0x9800] =	vst v4  }
0xc7: {  	v4 =	vtrunc.f32 v2;
	v10 =	vcvt.s32.f32 v5;
	v11 =	vsel vm0, $0xFFFFFFFF, v0;
	[tilespmem:s18+$0xA000] =	vst v13  }
0xc8: {  	v12 =	vcvt.f32.s32 v4;
	vm0 =	vlt.f32 v2, v4;
	v6 =	vadd.s32 v6, v11;
	[tilespmem:s18+$0xA800] =	vst v8  }
0xc9: {  	v4 =	vsel vm0, $0xFFFFFFFF, v0;
	v8 =	vsub.f32 v9, v10;
	v9 =	vcvt.s32.f32 v6;
	[tilespmem:s18+$0x7000] =	vst v1  }
0xca: {  	v10 =	vadd.s32 $0x1, v5;
	v11 =	vadd.s32 $0x1, v6;
	v1 =	vadd.s32 v12, v4;
	[tilespmem:s18+$0x7800] =	vst v3;
	s18 =	smov.u32 s19  }
0xcb: {  	v4 =	vcvt.s32.f32 v1;
	v12 =	vsub.f32 $1.000000000e+00, v8;
	v7 =	vsub.f32 v7, v9  }
0xcc: {  	vm0 =	vlt.u32 v5, $0x100;
	vm1 =	vlt.u32 v11, $0x100;
	v3 =	vadd.s32 $0x1, v1  }
0xcd: {  	v9 =	vsub.f32 v2, v4;
	v12 =	vnsel vm0, $0x0, v12;
	v13 =	vnsel vm1, $0x0, v7  }
0xce: {  	vm0 =	vlt.u32 v3, $0x100;
	v7 =	vsub.f32 $1.000000000e+00, v7;
	v4 =	vmul.f32 v12, v13  }
0xcf: {  	vm1 =	vgt.s32 v10, $0x0;
	v2 =	vnsel vm0, $0x0, v9;
	vm0 =	vlt.u32 v10, $0x100  }
0xd0: {  	vm2 =	vgt.s32 v5, $0x0;
	vm3 =	vgt.s32 v11, $0x0;
	v14 =	vmul.f32 v4, v2  }
0xd1: {  	vm4 =	vlt.u32 v6, $0x100;
	vm5 =	vgt.s32 v6, $0x0;
	v9 =	vsub.f32 $1.000000000e+00, v9  }
0xd2: {  	v10 =	vnsel vm1, $0x0, v10;
	v7 =	vnsel vm4, $0x0, v7;
	v8 =	vnsel vm0, $0x0, v8;
	[tilespmem:s18+$0x19800] =	vst v14  }
0xd3: {  	v5 =	vnsel vm2, $0x0, v5;
	v11 =	vnsel vm3, $0x0, v11;
	v14 =	vnsel vm5, $0x0, v6  }
.Ltmp1:
0xd4: {  	v15 =	vmin.u32 v10, $0xFF;
	v10 =	vmul.f32 v7, v12;
	v6 =	vmul.f32 v7, v8;
	(pc) =	sbr.rel @p0 .LBB2_5-.Ltmp1, $4  }
0xd5: {  	v16 =	vmin.u32 v11, $0xFF;
	v12 =	vmin.u32 v5, $0xFF;
	v5 =	vmul.f32 v13, v8  }
0xd6: {  	vm2 =	vlt.u32 v1, $0x100;
	vm0 =	vgt.s32 v3, $0x0;
	v7 =	vmin.u32 v14, $0xFF  }
0xd7: {  	vm1 =	vgt.s32 v1, $0x0;
	v11 =	vshll.u32 v15, $0x8;
	v8 =	vnsel vm2, $0x0, v9  }
0xd8: {  	s19 =	sshra.s32 s12, $0x2;
	s12 =	sadd.s32 $0x40, s12;
	v9 =	vshll.u32 v12, $0x8;
	v12 =	vshll.u32 v16, $0x10;
	v7 =	vshll.u32 v7, $0x10  }
0xd9: {  	v13 =	vld [tilespmem:s19+$0x2000];
	v14 =	vmul.f32 v10, v8  }
0xda: {  	v40 =	vmul.f32 v10, v2;
	v15 =	vld [tilespmem:s19+$0x2800]  }
0xdb: {  	v1 =	vnsel vm1, $0x0, v1;
	v3 =	vnsel vm0, $0x0, v3;
	v16 =	vor.u32 v11, v7;
	[tilespmem:s18+$0x17000] =	vst v14  }
0xdc: {  	v41 =	vmul.f32 v6, v8;
	v6 =	vmul.f32 v6, v2;
	v17 =	vor.u32 v9, v12;
	[tilespmem:s18+$0x17800] =	vst v40  }
0xdd: {  	v4 =	vmul.f32 v4, v8;
	v42 =	vor.u32 v11, v12;
	v8 =	vmul.f32 v5, v8;
	v43 =	vld [tilespmem:s19+$0x1800]  }
0xde: {  	v2 =	vmul.f32 v5, v2;
	v7 =	vor.u32 v9, v7;
	v1 =	vmin.u32 v1, $0xFF  }
0xdf: {  	v3 =	vmin.u32 v3, $0xFF;
	v5 =	vmul.f32 $4.266666790e+01, v13;
	v46 =	vmul.f32 $4.266666790e+01, v15  }
0xe0: {  	v44 =	vor.u32 v1, v16;
	v45 =	vor.u32 v3, v16;
	v47 =	vor.u32 v1, v17  }
0xe1: {  	v48 =	vor.u32 v3, v17;
	v5 =	vadd.f32 $1.275000000e+02, v5;
	v13 =	vadd.f32 $1.275000000e+02, v46  }
0xe2: {  	v49 =	vor.u32 v1, v42;
	v10 =	vor.u32 v3, v42;
	v11 =	vmul.f32 $4.266666790e+01, v43  }
0xe3: {  	v1 =	vor.u32 v1, v7;
	v18 =	vtrunc.f32 v5;
	v20 =	vtrunc.f32 v13  }
0xe4: {  	v19 =	vcvt.f32.s32 v18;
	vm4 =	vlt.f32 v5, v18;
	v11 =	vadd.f32 $1.275000000e+02, v11  }
0xe5: {  	v50 =	vcvt.f32.s32 v20;
	vm5 =	vlt.f32 v13, v20;
	v18 =	vsel vm4, $0xFFFFFFFF, v0  }
0xe6: {  	v3 =	vor.u32 v3, v7;
	v22 =	vsel vm5, $0xFFFFFFFF, v0;
	v18 =	vadd.s32 v19, v18  }
0xe7: {  	v51 =	vtrunc.f32 v11;
	v7 =	vadd.s32 v50, v22;
	v21 =	vcvt.s32.f32 v18  }
0xe8: {  	[tilespmem:s18+$0x18800] =	vst v6;
	vm6 =	vlt.f32 v11, v51;
	v20 =	vcvt.f32.s32 v51;
	v6 =	vcvt.s32.f32 v7  }
0xe9: {  	[tilespmem:s18+$0x19000] =	vst v4;
	v4 =	vadd.s32 $0x1, v18;
	v19 =	vadd.s32 $0x1, v7;
	vm7 =	vlt.u32 v18, $0x100  }
0xea: {  	[tilespmem:s18+$0x18000] =	vst v41;
	vm2 =	vgt.s32 v18, $0x0;
	vm4 =	vlt.u32 v7, $0x100;
	vm12 =	vgt.s32 v7, $0x0  }
0xeb: {  	[tilespmem:s18+$0x1A000] =	vst v8;
	v52 =	vsel vm6, $0xFFFFFFFF, v0;
	vm8 =	vlt.u32 v19, $0x100;
	vm10 =	vlt.u32 v4, $0x100  }
0xec: {  	[tilespmem:s18+$0x1A800] =	vst v2;
	v5 =	vsub.f32 v5, v21;
	v14 =	vadd.s32 v20, v52;
	v6 =	vsub.f32 v13, v6  }
0xed: {  	[tilespmem:s18+$0x8000] =	vst v44;
	vm11 =	vgt.s32 v4, $0x0;
	vm3 =	vgt.s32 v19, $0x0;
	v20 =	vcvt.s32.f32 v14  }
0xee: {  	[tilespmem:s18+$0x8800] =	vst v45;
	v8 =	vsub.f32 $1.000000000e+00, v5;
	v54 =	vnsel vm8, $0x0, v6;
	v6 =	vsub.f32 $1.000000000e+00, v6  }
0xef: {  	[tilespmem:s18+$0x7800] =	vst v3;
	v3 =	vnsel vm12, $0x0, v7;
	v53 =	vadd.s32 $0x1, v14;
	v2 =	vsub.f32 v11, v20  }
0xf0: {  	[tilespmem:s18+$0x9000] =	vst v47;
	vm9 =	vlt.u32 v53, $0x100;
	v8 =	vnsel vm7, $0x0, v8;
	v6 =	vnsel vm4, $0x0, v6  }
0xf1: {  	[tilespmem:s18+$0x9800] =	vst v48;
	v55 =	vmul.f32 v8, v54;
	v56 =	vnsel vm9, $0x0, v2;
	v2 =	vsub.f32 $1.000000000e+00, v2  }
0xf2: {  	[tilespmem:s18+$0xA000] =	vst v49;
	v4 =	vnsel vm11, $0x0, v4;
	vm13 =	vlt.u32 v14, $0x100;
	v8 =	vmul.f32 v6, v8  }
0xf3: {  	[tilespmem:s18+$0x7000] =	vst v1;
	v1 =	vnsel vm10, $0x0, v5;
	v57 =	vmul.f32 v55, v56;
	v2 =	vnsel vm13, $0x0, v2  }
0xf4: {  	[tilespmem:s18+$0xA800] =	vst v10;
	v58 =	vnsel vm3, $0x0, v19;
	v6 =	vmul.f32 v6, v1;
	v7 =	vmul.f32 v8, v2  }
0xf5: {  	v3 =	vmin.u32 v3, $0xFF;
	v4 =	vmin.u32 v4, $0xFF;
	v8 =	vmul.f32 v8, v56;
	[tilespmem:s19+$0x19800] =	vst v57  }
0xf6: {  	v10 =	vmin.u32 v58, $0xFF;
	vm15 =	vgt.s32 v14, $0x0;
	v59 =	vmul.f32 v6, v2;
	[tilespmem:s19+$0x17000] =	vst v7  }
0xf7: {  	v3 =	vshll.u32 v3, $0x10;
	v1 =	vmul.f32 v54, v1;
	v6 =	vmul.f32 v6, v56;
	[tilespmem:s19+$0x17800] =	vst v8  }
0xf8: {  	v5 =	vnsel vm2, $0x0, v18;
	vm14 =	vgt.s32 v53, $0x0;
	v7 =	vmul.f32 v55, v2;
	[tilespmem:s19+$0x18000] =	vst v59  }
0xf9: {  	v4 =	vshll.u32 v4, $0x8;
	v5 =	vmin.u32 v5, $0xFF;
	v2 =	vmul.f32 v1, v2;
	[tilespmem:s19+$0x18800] =	vst v6  }
0xfa: {  	v5 =	vshll.u32 v5, $0x8;
	v6 =	vnsel vm15, $0x0, v14;
	v1 =	vmul.f32 v1, v56;
	[tilespmem:s19+$0x19000] =	vst v7  }
0xfb: {  	v8 =	vor.u32 v4, v3;
	v6 =	vmin.u32 v6, $0xFF;
	v7 =	vnsel vm14, $0x0, v53;
	[tilespmem:s19+$0x1A000] =	vst v2  }
0xfc: {  	v2 =	vshll.u32 v10, $0x10;
	v60 =	vor.u32 v6, v8;
	[tilespmem:s19+$0x1A800] =	vst v1;
	v7 =	vmin.u32 v7, $0xFF  }
0xfd: {  	v1 =	vor.u32 v5, v2;
	[tilespmem:s19+$0x8000] =	vst v60;
	v8 =	vor.u32 v7, v8  }
0xfe: {  	v61 =	vor.u32 v6, v1;
	[tilespmem:s19+$0x8800] =	vst v8  }
0xff: {  	v2 =	vor.u32 v4, v2;
	v1 =	vor.u32 v7, v1;
	[tilespmem:s19+$0x9000] =	vst v61  }
0x100: {  	v4 =	vor.u32 v6, v2;
	[tilespmem:s19+$0x9800] =	vst v1  }
0x101: {  	v2 =	vor.u32 v7, v2;
	v1 =	vor.u32 v5, v3;
	[tilespmem:s19+$0xA000] =	vst v4  }
0x102: {  	[tilespmem:s19+$0xA800] =	vst v2;
	v3 =	vor.u32 v6, v1  }
0x103: {  	v1 =	vor.u32 v7, v1;
	[tilespmem:s19+$0x7000] =	vst v3  }
0x104: {  	[tilespmem:s19+$0x7800] =	vst v1  }
0x105: {  	_ =	swait.ge [sflag:s31], $0x4000  }
0x106: {  	[sflag:s31] =	ssyncset.done $0x0  }
0x107: {  	s12 =	simm.s32 $0x0;
	[sflag:s31] =	ssyncadd.s32 $0xFFFFC000  }
0x108: {  	[tilespmem:s3], [sflag:$0x2] =	stream.indirect.gather [hbm4b:s8+s26], $0x1, s0, s26, $0xb8;
	[tilespmem:$0x1B800] =	vst v63  }
0x109: {  	v1 =	vld [tilespmem:s12+$0x13000]  }
0x10a: {  	v2 =	vld [tilespmem:s12+$0xB000]  }
0x10b: {  	v3 =	vld [tilespmem:s12+$0x13800]  }
0x10c: {  	v4 =	vld [tilespmem:s12+$0xB800]  }
0x10d: {  	v5 =	vld [tilespmem:s12+$0x14000]  }
0x10e: {  	v6 =	vld [tilespmem:s12+$0xC000]  }
0x10f: {  	v7 =	vld [tilespmem:s12+$0x14800]  }
0x110: {  	v8 =	vld [tilespmem:s12+$0xC800]  }
0x111: {  	v1 =	vmul.f32 v2, v1;
	v2 =	vmul.f32 v4, v3;
	v3 =	vld [tilespmem:s12+$0x15000]  }
0x112: {  	v4 =	vld [tilespmem:s12+$0xD000]  }
0x113: {  	v62 =	vld [tilespmem:s12+$0xD800];
	v1 =	vadd.f32 v2, v1;
	v2 =	vmul.f32 v6, v5  }
0x114: {  	v6 =	vld [tilespmem:s12+$0x15800]  }
0x115: {  	v1 =	vadd.f32 v2, v1;
	v2 =	vmul.f32 v8, v7;
	v7 =	vld [tilespmem:s12+$0x16000]  }
0x116: {  	v8 =	vld [tilespmem:s12+$0xE000]  }
0x117: {  	v5 =	vld [tilespmem:s12+$0xE800];
	v3 =	vmul.f32 v4, v3;
	v63 =	vadd.f32 v2, v1  }
0x118: {  	s19 =	simm.s32 $0x10;
	v2 =	vld [tilespmem:s12+$0x16800]  }
0x119: {  	v4 =	vld [tilespmem:s19+$0x13800];
	v6 =	vmul.f32 v62, v6;
	v10 =	vadd.f32 v3, v63  }
0x11a: {  	v1 =	vld [tilespmem:s19+$0x13000]  }
0x11b: {  	s18 =	simm.s32 $0x80;
	v3 =	vld [tilespmem:s19+$0xB000];
	v7 =	vmul.f32 v8, v7;
	v6 =	vadd.f32 v6, v10  }
.LBB2_7:
0x11c: {  	p0 =	sne.s32 s18, $0x1FC0;
	v8 =	vld [tilespmem:s19+$0xB800]  }
0x11d: {  	v9 =	vld [tilespmem:s19+$0x14000];
	v6 =	vadd.f32 v7, v6;
	v2 =	vmul.f32 v5, v2  }
0x11e: {  	v5 =	vld [tilespmem:s19+$0xC000]  }
0x11f: {  	v7 =	vld [tilespmem:s19+$0x14800];
	v2 =	vadd.f32 v2, v6  }
0x120: {  	v6 =	vld [tilespmem:s19+$0xC800]  }
0x121: {  	v1 =	vmul.f32 v3, v1;
	v3 =	vmul.f32 v8, v4;
	v4 =	vld [tilespmem:s19+$0x15000];
	[tilespmem:s12+$0x1B000] =	vst v2;
	s12 =	smov.u32 s19  }
0x122: {  	v2 =	vld [tilespmem:s12+$0xD000]  }
0x123: {  	v1 =	vadd.f32 v3, v1;
	v3 =	vmul.f32 v5, v9;
	v8 =	vld [tilespmem:s12+$0x15800]  }
0x124: {  	v9 =	vld [tilespmem:s12+$0xD800]  }
0x125: {  	v1 =	vadd.f32 v3, v1;
	v3 =	vmul.f32 v6, v7;
	v7 =	vld [tilespmem:s12+$0x16000]  }
0x126: {  	v10 =	vld [tilespmem:s12+$0xE000]  }
.Ltmp2:
0x127: {  	v3 =	vadd.f32 v3, v1;
	v4 =	vmul.f32 v2, v4;
	v2 =	vld [tilespmem:s12+$0x16800];
	(pc) =	sbr.rel @p0 .LBB2_7-.Ltmp2, $4  }
0x128: {  	s19 =	sshra.s32 s18, $0x2;
	v5 =	vld [tilespmem:s12+$0xE800]  }
0x129: {  	v1 =	vld [tilespmem:s19+$0x13000];
	v6 =	vadd.f32 v4, v3;
	v8 =	vmul.f32 v9, v8  }
0x12a: {  	v3 =	vld [tilespmem:s19+$0xB000]  }
0x12b: {  	s18 =	sadd.s32 $0x40, s18;
	v4 =	vld [tilespmem:s19+$0x13800];
	v6 =	vadd.f32 v8, v6;
	v7 =	vmul.f32 v10, v7  }
0x12c: {  	v8 =	vld [tilespmem:s19+$0xB800]  }
0x12d: {  	v9 =	vld [tilespmem:s19+$0x14000];
	v6 =	vadd.f32 v7, v6;
	v2 =	vmul.f32 v5, v2  }
0x12e: {  	v5 =	vld [tilespmem:s19+$0xC000]  }
0x12f: {  	v7 =	vld [tilespmem:s19+$0x14800];
	v2 =	vadd.f32 v2, v6  }
0x130: {  	v6 =	vld [tilespmem:s19+$0xC800]  }
0x131: {  	v10 =	vld [tilespmem:s19+$0x15000];
	v1 =	vmul.f32 v3, v1;
	v3 =	vmul.f32 v8, v4;
	[tilespmem:s12+$0x1B000] =	vst v2  }
0x132: {  	v2 =	vld [tilespmem:s19+$0xD000]  }
0x133: {  	v4 =	vld [tilespmem:s19+$0x15800];
	v1 =	vadd.f32 v3, v1;
	v3 =	vmul.f32 v5, v9  }
0x134: {  	v5 =	vld [tilespmem:s19+$0xD800]  }
0x135: {  	v1 =	vadd.f32 v3, v1;
	v3 =	vmul.f32 v6, v7;
	v6 =	vld [tilespmem:s19+$0x16000]  }
0x136: {  	v7 =	vld [tilespmem:s19+$0xE000]  }
0x137: {  	v8 =	vld [tilespmem:s19+$0xE800];
	v1 =	vadd.f32 v3, v1;
	v2 =	vmul.f32 v2, v10  }
0x138: {  	v3 =	vld [tilespmem:s19+$0x16800]  }
0x139: {  	v1 =	vadd.f32 v2, v1;
	v2 =	vmul.f32 v5, v4;
	_ =	sdelay $0x1  }
0x13a: {  	v1 =	vadd.f32 v2, v1;
	v2 =	vmul.f32 v7, v6;
	_ =	sdelay $0x1  }
0x13b: {  	v1 =	vadd.f32 v2, v1;
	v2 =	vmul.f32 v8, v3;
	_ =	sdelay $0x1  }
0x13c: {  	s18 =	sor.u32 s7, s17;
	v1 =	vadd.f32 v2, v1  }
0x13d: {  	s18 =	sshrl.u32 s18, $0x3  }
0x13e: {  	s12 =	sadd.s32 s1, s18;
	[tilespmem:s19+$0x1B000] =	vst v1;
	s19 =	simm.s32 $0x0  }
0x13f: {  	[hbm4b:s12+s19] =	stream.linear.scatter [tilespmem:s9], [sflag:$0x5], $0x800, $0x38;
	[tilespmem:$0x1B800] =	vst v63  }
0x140: {  	_ =	swait.ge [sflag:s10], $0x800  }
0x141: {  	[sflag:s10] =	ssyncset.done $0x0  }
0x142: {  	[sflag:s10] =	ssyncadd.s32 $0xFFFFF800  }
0x143: {  	_ =	swait.ge [sflag:s22], $0x800  }
0x144: {  	[sflag:s22] =	ssyncset.done $0x0  }
0x145: {  	[sflag:s22] =	ssyncadd.s32 $0xFFFFF800  }
0x146: {  	_ =	swait.ge [sflag:s22], $0x800  }
0x147: {  	[sflag:s22] =	ssyncset.done $0x0  }
0x148: {  	[sflag:s22] =	ssyncadd.s32 $0xFFFFF800  }
0x149: {  	s17 =	sadd.s32 s17, s16;
	_ =	swait.ge [sflag:s22], $0x800  }
0x14a: {  	s12 =	sshrl.u32 s17, $0x3;
	[sflag:s22] =	ssyncset.done $0x0  }
0x14b: {  	s17 =	sadd.s32 s4, s12;
	[sflag:s22] =	ssyncadd.s32 $0xFFFFF800  }
0x14c: {  	[tilespmem:s23], [sflag:$0x4] =	stream.linear.gather [hbm4b:s17+s19], $0x800, $0x38;
	[tilespmem:$0x1B800] =	vst v63  }
0x14d: {  	s17 =	sadd.s32 s5, s12  }
0x14e: {  	[tilespmem:s24], [sflag:$0x4] =	stream.linear.gather [hbm4b:s17+s19], $0x800, $0x38;
	[tilespmem:$0x1B800] =	vst v63  }
0x14f: {  	s12 =	sadd.s32 s6, s12;
	s17 =	simm.s32 $0x0  }
0x150: {  	[tilespmem:s25], [sflag:$0x4] =	stream.linear.gather [hbm4b:s12+s19], $0x800, $0x38;
	[tilespmem:$0x1B800] =	vst v63  }
0x151: {  	v1 =	vld [tilespmem:s17+$0x800];
	_ =	sdelay $0x1  }
0x152: {  	v2 =	vld [tilespmem:s17+$0x1000];
	_ =	sdelay $0x1  }
0x153: {  	v3 =	vld [tilespmem:s17+$0x0]  }
0x154: {  	v1 =	vmul.f32 $4.266666790e+01, v1;
	_ =	sdelay $0x1  }
0x155: {  	v2 =	vmul.f32 $4.266666790e+01, v2;
	v1 =	vadd.f32 $1.275000000e+02, v1;
	_ =	sdelay $0x1  }
0x156: {  	v3 =	vmul.f32 $4.266666790e+01, v3;
	v2 =	vadd.f32 $1.275000000e+02, v2;
	v4 =	vtrunc.f32 v1  }
0x157: {  	v5 =	vcvt.f32.s32 v4;
	vm0 =	vlt.f32 v1, v4  }
0x158: {  	v6 =	vtrunc.f32 v2;
	v4 =	vadd.f32 $1.275000000e+02, v3;
	v3 =	vsel vm0, $0xFFFFFFFF, v0  }
0x159: {  	vm0 =	vlt.f32 v2, v6;
	v5 =	vadd.s32 v5, v3;
	v3 =	vcvt.f32.s32 v6  }
0x15a: {  	v6 =	vtrunc.f32 v4;
	v8 =	vsel vm0, $0xFFFFFFFF, v0;
	v7 =	vcvt.s32.f32 v5  }
0x15b: {  	v9 =	vcvt.f32.s32 v6;
	vm0 =	vlt.f32 v4, v6;
	vm2 =	vgt.s32 v5, $0x0  }
0x15c: {  	v6 =	vadd.s32 v3, v8;
	v3 =	vsel vm0, $0xFFFFFFFF, v0;
	vm0 =	vlt.u32 v5, $0x100  }
0x15d: {  	v7 =	vsub.f32 v1, v7;
	v8 =	vcvt.s32.f32 v6;
	v1 =	vadd.s32 v9, v3  }
0x15e: {  	v9 =	vadd.s32 $0x1, v5;
	v10 =	vadd.s32 $0x1, v6;
	vm4 =	vlt.u32 v6, $0x100  }
0x15f: {  	vm5 =	vgt.s32 v6, $0x0;
	v5 =	vnsel vm2, $0x0, v5;
	v11 =	vcvt.s32.f32 v1  }
0x160: {  	v3 =	vadd.s32 $0x1, v1;
	vm1 =	vlt.u32 v10, $0x100;
	vm3 =	vgt.s32 v10, $0x0  }
0x161: {  	v15 =	vnsel vm5, $0x0, v6;
	v12 =	vsub.f32 $1.000000000e+00, v7;
	v2 =	vsub.f32 v2, v8  }
0x162: {  	vm2 =	vlt.u32 v1, $0x100;
	v16 =	vnsel vm3, $0x0, v10;
	v8 =	vsub.f32 v4, v11  }
0x163: {  	v16 =	vmin.u32 v16, $0xFF;
	v11 =	vnsel vm0, $0x0, v12;
	v12 =	vnsel vm1, $0x0, v2  }
0x164: {  	vm0 =	vlt.u32 v3, $0x100;
	v13 =	vsub.f32 $1.000000000e+00, v2;
	vm1 =	vgt.s32 v9, $0x0  }
0x165: {  	v4 =	vmul.f32 v11, v12;
	v2 =	vnsel vm0, $0x0, v8;
	vm0 =	vlt.u32 v9, $0x100  }
0x166: {  	v8 =	vsub.f32 $1.000000000e+00, v8;
	v9 =	vnsel vm1, $0x0, v9;
	vm1 =	vgt.s32 v1, $0x0  }
0x167: {  	v7 =	vnsel vm0, $0x0, v7;
	v13 =	vnsel vm4, $0x0, v13;
	v9 =	vmin.u32 v9, $0xFF  }
0x168: {  	vm0 =	vgt.s32 v3, $0x0;
	v14 =	vmul.f32 v4, v2;
	v10 =	vmul.f32 v13, v11  }
0x169: {  	v6 =	vmul.f32 v13, v7;
	v13 =	vmin.u32 v5, $0xFF;
	v5 =	vmul.f32 v12, v7  }
0x16a: {  	v7 =	vmin.u32 v15, $0xFF;
	v8 =	vnsel vm2, $0x0, v8;
	v11 =	vshll.u32 v9, $0x8  }
0x16b: {  	s19 =	simm.s32 $0x10;
	s12 =	simm.s32 $0x80;
	v12 =	vshll.u32 v16, $0x10;
	v7 =	vshll.u32 v7, $0x10;
	v9 =	vshll.u32 v13, $0x8;
	[tilespmem:s17+$0x15800] =	vst v14  }
.LBB2_9:
0x16c: {  	p0 =	sne.s32 s12, $0x1FC0;
	v13 =	vld [tilespmem:s19+$0x800];
	v1 =	vnsel vm1, $0x0, v1;
	v3 =	vnsel vm0, $0x0, v3;
	v14 =	vmul.f32 v10, v8  }
0x16d: {  	v10 =	vmul.f32 v10, v2;
	v15 =	vor.u32 v11, v7;
	v16 =	vmul.f32 v6, v8  }
0x16e: {  	v6 =	vmul.f32 v6, v2;
	v4 =	vmul.f32 v4, v8;
	v17 =	vld [tilespmem:s19+$0x1000];
	[tilespmem:s17+$0x13000] =	vst v14;
	v14 =	vor.u32 v9, v12  }
0x16f: {  	v8 =	vmul.f32 v5, v8;
	v2 =	vmul.f32 v5, v2;
	[tilespmem:s17+$0x13800] =	vst v10;
	v10 =	vor.u32 v11, v12  }
0x170: {  	v7 =	vor.u32 v9, v7;
	v1 =	vmin.u32 v1, $0xFF;
	v3 =	vmin.u32 v3, $0xFF;
	v5 =	vld [tilespmem:s19+$0x0];
	[tilespmem:s17+$0x14000] =	vst v16  }
0x171: {  	v11 =	vor.u32 v1, v15;
	v12 =	vor.u32 v3, v15;
	v9 =	vmul.f32 $4.266666790e+01, v13;
	[tilespmem:s17+$0x14800] =	vst v6  }
0x172: {  	v6 =	vor.u32 v1, v14;
	v13 =	vor.u32 v1, v10;
	[tilespmem:s17+$0x15000] =	vst v4;
	v4 =	vor.u32 v3, v14  }
0x173: {  	v9 =	vadd.f32 $1.275000000e+02, v9;
	v14 =	vmul.f32 $4.266666790e+01, v17;
	[tilespmem:s17+$0x16000] =	vst v8;
	v8 =	vor.u32 v3, v10  }
0x174: {  	v1 =	vor.u32 v1, v7;
	v3 =	vor.u32 v3, v7;
	[tilespmem:s17+$0x16800] =	vst v2  }
0x175: {  	v2 =	vmul.f32 $4.266666790e+01, v5;
	v5 =	vtrunc.f32 v9;
	v7 =	vadd.f32 $1.275000000e+02, v14;
	[tilespmem:s17+$0x4000] =	vst v11  }
0x176: {  	v10 =	vcvt.f32.s32 v5;
	vm0 =	vlt.f32 v9, v5;
	[tilespmem:s17+$0x4800] =	vst v12  }
0x177: {  	v2 =	vadd.f32 $1.275000000e+02, v2;
	v5 =	vsel vm0, $0xFFFFFFFF, v0;
	v11 =	vtrunc.f32 v7;
	[tilespmem:s17+$0x5000] =	vst v6  }
0x178: {  	v5 =	vadd.s32 v10, v5;
	v6 =	vcvt.f32.s32 v11;
	vm0 =	vlt.f32 v7, v11;
	[tilespmem:s17+$0x5800] =	vst v4  }
0x179: {  	v4 =	vtrunc.f32 v2;
	v10 =	vcvt.s32.f32 v5;
	v11 =	vsel vm0, $0xFFFFFFFF, v0;
	[tilespmem:s17+$0x6000] =	vst v13  }
0x17a: {  	v12 =	vcvt.f32.s32 v4;
	vm0 =	vlt.f32 v2, v4;
	v6 =	vadd.s32 v6, v11;
	[tilespmem:s17+$0x6800] =	vst v8  }
0x17b: {  	v4 =	vsel vm0, $0xFFFFFFFF, v0;
	v8 =	vsub.f32 v9, v10;
	v9 =	vcvt.s32.f32 v6;
	[tilespmem:s17+$0x3000] =	vst v1  }
0x17c: {  	v10 =	vadd.s32 $0x1, v5;
	v11 =	vadd.s32 $0x1, v6;
	v1 =	vadd.s32 v12, v4;
	[tilespmem:s17+$0x3800] =	vst v3;
	s17 =	smov.u32 s19  }
0x17d: {  	v4 =	vcvt.s32.f32 v1;
	v12 =	vsub.f32 $1.000000000e+00, v8;
	v7 =	vsub.f32 v7, v9  }
0x17e: {  	vm0 =	vlt.u32 v5, $0x100;
	vm1 =	vlt.u32 v11, $0x100;
	v3 =	vadd.s32 $0x1, v1  }
0x17f: {  	v9 =	vsub.f32 v2, v4;
	v12 =	vnsel vm0, $0x0, v12;
	v13 =	vnsel vm1, $0x0, v7  }
0x180: {  	vm0 =	vlt.u32 v3, $0x100;
	v7 =	vsub.f32 $1.000000000e+00, v7;
	v4 =	vmul.f32 v12, v13  }
0x181: {  	vm1 =	vgt.s32 v10, $0x0;
	v2 =	vnsel vm0, $0x0, v9;
	vm0 =	vlt.u32 v10, $0x100  }
0x182: {  	vm2 =	vgt.s32 v5, $0x0;
	vm3 =	vgt.s32 v11, $0x0;
	v14 =	vmul.f32 v4, v2  }
0x183: {  	vm4 =	vlt.u32 v6, $0x100;
	vm5 =	vgt.s32 v6, $0x0;
	v9 =	vsub.f32 $1.000000000e+00, v9  }
0x184: {  	v10 =	vnsel vm1, $0x0, v10;
	v7 =	vnsel vm4, $0x0, v7;
	v8 =	vnsel vm0, $0x0, v8;
	[tilespmem:s17+$0x15800] =	vst v14  }
0x185: {  	v5 =	vnsel vm2, $0x0, v5;
	v11 =	vnsel vm3, $0x0, v11;
	v14 =	vnsel vm5, $0x0, v6  }
.Ltmp3:
0x186: {  	v15 =	vmin.u32 v10, $0xFF;
	v10 =	vmul.f32 v7, v12;
	v6 =	vmul.f32 v7, v8;
	(pc) =	sbr.rel @p0 .LBB2_9-.Ltmp3, $4  }
0x187: {  	v16 =	vmin.u32 v11, $0xFF;
	v12 =	vmin.u32 v5, $0xFF;
	v5 =	vmul.f32 v13, v8  }
0x188: {  	vm2 =	vlt.u32 v1, $0x100;
	vm0 =	vgt.s32 v3, $0x0;
	v7 =	vmin.u32 v14, $0xFF  }
0x189: {  	vm1 =	vgt.s32 v1, $0x0;
	v11 =	vshll.u32 v15, $0x8;
	v8 =	vnsel vm2, $0x0, v9  }
0x18a: {  	s19 =	sshra.s32 s12, $0x2;
	s12 =	sadd.s32 $0x40, s12;
	v9 =	vshll.u32 v12, $0x8;
	v12 =	vshll.u32 v16, $0x10;
	v7 =	vshll.u32 v7, $0x10  }
0x18b: {  	v13 =	vld [tilespmem:s19+$0x800];
	v14 =	vmul.f32 v10, v8  }
0x18c: {  	v40 =	vmul.f32 v10, v2;
	v15 =	vld [tilespmem:s19+$0x1000]  }
0x18d: {  	v1 =	vnsel vm1, $0x0, v1;
	v3 =	vnsel vm0, $0x0, v3;
	v16 =	vor.u32 v11, v7;
	[tilespmem:s17+$0x13000] =	vst v14  }
0x18e: {  	v41 =	vmul.f32 v6, v8;
	v6 =	vmul.f32 v6, v2;
	v17 =	vor.u32 v9, v12;
	[tilespmem:s17+$0x13800] =	vst v40  }
0x18f: {  	v4 =	vmul.f32 v4, v8;
	v42 =	vor.u32 v11, v12;
	v8 =	vmul.f32 v5, v8;
	v43 =	vld [tilespmem:s19+$0x0]  }
0x190: {  	v2 =	vmul.f32 v5, v2;
	v7 =	vor.u32 v9, v7;
	v1 =	vmin.u32 v1, $0xFF  }
0x191: {  	v3 =	vmin.u32 v3, $0xFF;
	v5 =	vmul.f32 $4.266666790e+01, v13;
	v46 =	vmul.f32 $4.266666790e+01, v15  }
0x192: {  	v44 =	vor.u32 v1, v16;
	v45 =	vor.u32 v3, v16;
	v47 =	vor.u32 v1, v17  }
0x193: {  	v48 =	vor.u32 v3, v17;
	v5 =	vadd.f32 $1.275000000e+02, v5;
	v13 =	vadd.f32 $1.275000000e+02, v46  }
0x194: {  	v49 =	vor.u32 v1, v42;
	v10 =	vor.u32 v3, v42;
	v11 =	vmul.f32 $4.266666790e+01, v43  }
0x195: {  	v1 =	vor.u32 v1, v7;
	v18 =	vtrunc.f32 v5;
	v20 =	vtrunc.f32 v13  }
0x196: {  	v19 =	vcvt.f32.s32 v18;
	vm4 =	vlt.f32 v5, v18;
	v11 =	vadd.f32 $1.275000000e+02, v11  }
0x197: {  	v50 =	vcvt.f32.s32 v20;
	vm5 =	vlt.f32 v13, v20;
	v18 =	vsel vm4, $0xFFFFFFFF, v0  }
0x198: {  	v3 =	vor.u32 v3, v7;
	v22 =	vsel vm5, $0xFFFFFFFF, v0;
	v18 =	vadd.s32 v19, v18  }
0x199: {  	v51 =	vtrunc.f32 v11;
	v7 =	vadd.s32 v50, v22;
	v21 =	vcvt.s32.f32 v18  }
0x19a: {  	[tilespmem:s17+$0x14800] =	vst v6;
	vm6 =	vlt.f32 v11, v51;
	v20 =	vcvt.f32.s32 v51;
	v6 =	vcvt.s32.f32 v7  }
0x19b: {  	[tilespmem:s17+$0x15000] =	vst v4;
	v4 =	vadd.s32 $0x1, v18;
	v19 =	vadd.s32 $0x1, v7;
	vm7 =	vlt.u32 v18, $0x100  }
0x19c: {  	[tilespmem:s17+$0x14000] =	vst v41;
	vm2 =	vgt.s32 v18, $0x0;
	vm4 =	vlt.u32 v7, $0x100;
	vm12 =	vgt.s32 v7, $0x0  }
0x19d: {  	[tilespmem:s17+$0x16000] =	vst v8;
	v52 =	vsel vm6, $0xFFFFFFFF, v0;
	vm8 =	vlt.u32 v19, $0x100;
	vm10 =	vlt.u32 v4, $0x100  }
0x19e: {  	[tilespmem:s17+$0x16800] =	vst v2;
	v5 =	vsub.f32 v5, v21;
	v14 =	vadd.s32 v20, v52;
	v6 =	vsub.f32 v13, v6  }
0x19f: {  	[tilespmem:s17+$0x4000] =	vst v44;
	vm11 =	vgt.s32 v4, $0x0;
	vm3 =	vgt.s32 v19, $0x0;
	v20 =	vcvt.s32.f32 v14  }
0x1a0: {  	[tilespmem:s17+$0x4800] =	vst v45;
	v8 =	vsub.f32 $1.000000000e+00, v5;
	v54 =	vnsel vm8, $0x0, v6;
	v6 =	vsub.f32 $1.000000000e+00, v6  }
0x1a1: {  	[tilespmem:s17+$0x3800] =	vst v3;
	v3 =	vnsel vm12, $0x0, v7;
	v53 =	vadd.s32 $0x1, v14;
	v2 =	vsub.f32 v11, v20  }
0x1a2: {  	[tilespmem:s17+$0x5000] =	vst v47;
	vm9 =	vlt.u32 v53, $0x100;
	v8 =	vnsel vm7, $0x0, v8;
	v6 =	vnsel vm4, $0x0, v6  }
0x1a3: {  	[tilespmem:s17+$0x5800] =	vst v48;
	v55 =	vmul.f32 v8, v54;
	v56 =	vnsel vm9, $0x0, v2;
	v2 =	vsub.f32 $1.000000000e+00, v2  }
0x1a4: {  	[tilespmem:s17+$0x6000] =	vst v49;
	v4 =	vnsel vm11, $0x0, v4;
	vm13 =	vlt.u32 v14, $0x100;
	v8 =	vmul.f32 v6, v8  }
0x1a5: {  	[tilespmem:s17+$0x3000] =	vst v1;
	v1 =	vnsel vm10, $0x0, v5;
	v57 =	vmul.f32 v55, v56;
	v2 =	vnsel vm13, $0x0, v2  }
0x1a6: {  	[tilespmem:s17+$0x6800] =	vst v10;
	v58 =	vnsel vm3, $0x0, v19;
	v6 =	vmul.f32 v6, v1;
	v7 =	vmul.f32 v8, v2  }
0x1a7: {  	v3 =	vmin.u32 v3, $0xFF;
	v4 =	vmin.u32 v4, $0xFF;
	v8 =	vmul.f32 v8, v56;
	[tilespmem:s19+$0x15800] =	vst v57  }
0x1a8: {  	v10 =	vmin.u32 v58, $0xFF;
	vm15 =	vgt.s32 v14, $0x0;
	v59 =	vmul.f32 v6, v2;
	[tilespmem:s19+$0x13000] =	vst v7  }
0x1a9: {  	v3 =	vshll.u32 v3, $0x10;
	v1 =	vmul.f32 v54, v1;
	v6 =	vmul.f32 v6, v56;
	[tilespmem:s19+$0x13800] =	vst v8  }
0x1aa: {  	v5 =	vnsel vm2, $0x0, v18;
	vm14 =	vgt.s32 v53, $0x0;
	v7 =	vmul.f32 v55, v2;
	[tilespmem:s19+$0x14000] =	vst v59  }
0x1ab: {  	v4 =	vshll.u32 v4, $0x8;
	v5 =	vmin.u32 v5, $0xFF;
	v2 =	vmul.f32 v1, v2;
	[tilespmem:s19+$0x14800] =	vst v6  }
0x1ac: {  	v5 =	vshll.u32 v5, $0x8;
	v6 =	vnsel vm15, $0x0, v14;
	v1 =	vmul.f32 v1, v56;
	[tilespmem:s19+$0x15000] =	vst v7  }
0x1ad: {  	v8 =	vor.u32 v4, v3;
	v6 =	vmin.u32 v6, $0xFF;
	v7 =	vnsel vm14, $0x0, v53;
	[tilespmem:s19+$0x16000] =	vst v2  }
0x1ae: {  	v2 =	vshll.u32 v10, $0x10;
	v60 =	vor.u32 v6, v8;
	[tilespmem:s19+$0x16800] =	vst v1;
	v7 =	vmin.u32 v7, $0xFF  }
0x1af: {  	v1 =	vor.u32 v5, v2;
	[tilespmem:s19+$0x4000] =	vst v60;
	v8 =	vor.u32 v7, v8  }
0x1b0: {  	v61 =	vor.u32 v6, v1;
	[tilespmem:s19+$0x4800] =	vst v8  }
0x1b1: {  	v2 =	vor.u32 v4, v2;
	v1 =	vor.u32 v7, v1;
	[tilespmem:s19+$0x5000] =	vst v61  }
0x1b2: {  	v4 =	vor.u32 v6, v2;
	[tilespmem:s19+$0x5800] =	vst v1  }
0x1b3: {  	v2 =	vor.u32 v7, v2;
	v1 =	vor.u32 v5, v3;
	[tilespmem:s19+$0x6000] =	vst v4  }
0x1b4: {  	[tilespmem:s19+$0x6800] =	vst v2;
	v3 =	vor.u32 v6, v1  }
0x1b5: {  	v1 =	vor.u32 v7, v1;
	[tilespmem:s19+$0x3000] =	vst v3  }
0x1b6: {  	[tilespmem:s19+$0x3800] =	vst v1  }
0x1b7: {  	_ =	swait.ge [sflag:s11], $0x4000  }
0x1b8: {  	[sflag:s11] =	ssyncset.done $0x0  }
0x1b9: {  	s12 =	simm.s32 $0x0;
	[sflag:s11] =	ssyncadd.s32 $0xFFFFC000  }
0x1ba: {  	[tilespmem:s29], [sflag:$0x1] =	stream.indirect.gather [hbm4b:s8+s26], $0x1, s28, s26, $0xb8;
	[tilespmem:$0x1B800] =	vst v63  }
0x1bb: {  	v1 =	vld [tilespmem:s12+$0x17000]  }
0x1bc: {  	v2 =	vld [tilespmem:s12+$0xF000]  }
0x1bd: {  	v3 =	vld [tilespmem:s12+$0x17800]  }
0x1be: {  	v4 =	vld [tilespmem:s12+$0xF800]  }
0x1bf: {  	v5 =	vld [tilespmem:s12+$0x18000]  }
0x1c0: {  	v6 =	vld [tilespmem:s12+$0x10000]  }
0x1c1: {  	v7 =	vld [tilespmem:s12+$0x18800]  }
0x1c2: {  	v8 =	vld [tilespmem:s12+$0x10800]  }
0x1c3: {  	v1 =	vmul.f32 v2, v1;
	v2 =	vmul.f32 v4, v3;
	v3 =	vld [tilespmem:s12+$0x19000]  }
0x1c4: {  	v4 =	vld [tilespmem:s12+$0x11000]  }
0x1c5: {  	v62 =	vld [tilespmem:s12+$0x11800];
	v1 =	vadd.f32 v2, v1;
	v2 =	vmul.f32 v6, v5  }
0x1c6: {  	v6 =	vld [tilespmem:s12+$0x19800]  }
0x1c7: {  	v1 =	vadd.f32 v2, v1;
	v2 =	vmul.f32 v8, v7;
	v7 =	vld [tilespmem:s12+$0x1A000]  }
0x1c8: {  	v8 =	vld [tilespmem:s12+$0x12000]  }
0x1c9: {  	v5 =	vld [tilespmem:s12+$0x12800];
	v3 =	vmul.f32 v4, v3;
	v63 =	vadd.f32 v2, v1  }
0x1ca: {  	s17 =	simm.s32 $0x10;
	v2 =	vld [tilespmem:s12+$0x1A800]  }
0x1cb: {  	v4 =	vld [tilespmem:s17+$0x17800];
	v6 =	vmul.f32 v62, v6;
	v10 =	vadd.f32 v3, v63  }
0x1cc: {  	v1 =	vld [tilespmem:s17+$0x17000]  }
0x1cd: {  	s19 =	simm.s32 $0x80;
	v3 =	vld [tilespmem:s17+$0xF000];
	v7 =	vmul.f32 v8, v7;
	v6 =	vadd.f32 v6, v10  }
.LBB2_11:
0x1ce: {  	p0 =	sne.s32 s19, $0x1FC0;
	v8 =	vld [tilespmem:s17+$0xF800]  }
0x1cf: {  	v9 =	vld [tilespmem:s17+$0x18000];
	v6 =	vadd.f32 v7, v6;
	v2 =	vmul.f32 v5, v2  }
0x1d0: {  	v5 =	vld [tilespmem:s17+$0x10000]  }
0x1d1: {  	v7 =	vld [tilespmem:s17+$0x18800];
	v2 =	vadd.f32 v2, v6  }
0x1d2: {  	v6 =	vld [tilespmem:s17+$0x10800]  }
0x1d3: {  	v1 =	vmul.f32 v3, v1;
	v3 =	vmul.f32 v8, v4;
	v4 =	vld [tilespmem:s17+$0x19000];
	[tilespmem:s12+$0x1B000] =	vst v2;
	s12 =	smov.u32 s17  }
0x1d4: {  	v2 =	vld [tilespmem:s12+$0x11000]  }
0x1d5: {  	v1 =	vadd.f32 v3, v1;
	v3 =	vmul.f32 v5, v9;
	v8 =	vld [tilespmem:s12+$0x19800]  }
0x1d6: {  	v9 =	vld [tilespmem:s12+$0x11800]  }
0x1d7: {  	v1 =	vadd.f32 v3, v1;
	v3 =	vmul.f32 v6, v7;
	v7 =	vld [tilespmem:s12+$0x1A000]  }
0x1d8: {  	v10 =	vld [tilespmem:s12+$0x12000]  }
.Ltmp4:
0x1d9: {  	v3 =	vadd.f32 v3, v1;
	v4 =	vmul.f32 v2, v4;
	v2 =	vld [tilespmem:s12+$0x1A800];
	(pc) =	sbr.rel @p0 .LBB2_11-.Ltmp4, $4  }
0x1da: {  	s17 =	sshra.s32 s19, $0x2;
	v5 =	vld [tilespmem:s12+$0x12800]  }
0x1db: {  	v1 =	vld [tilespmem:s17+$0x17000];
	v6 =	vadd.f32 v4, v3;
	v8 =	vmul.f32 v9, v8  }
0x1dc: {  	v3 =	vld [tilespmem:s17+$0xF000]  }
0x1dd: {  	s19 =	sadd.s32 $0x40, s19;
	v4 =	vld [tilespmem:s17+$0x17800];
	v6 =	vadd.f32 v8, v6;
	v7 =	vmul.f32 v10, v7  }
0x1de: {  	v8 =	vld [tilespmem:s17+$0xF800]  }
0x1df: {  	v9 =	vld [tilespmem:s17+$0x18000];
	v6 =	vadd.f32 v7, v6;
	v2 =	vmul.f32 v5, v2  }
0x1e0: {  	v56 =	vld [tilespmem:s17+$0x10000]  }
0x1e1: {  	v57 =	vld [tilespmem:s17+$0x18800];
	v2 =	vadd.f32 v2, v6  }
0x1e2: {  	v58 =	vld [tilespmem:s17+$0x10800]  }
0x1e3: {  	v10 =	vld [tilespmem:s17+$0x19000];
	v1 =	vmul.f32 v3, v1;
	v3 =	vmul.f32 v8, v4;
	[tilespmem:s12+$0x1B000] =	vst v2  }
0x1e4: {  	v2 =	vld [tilespmem:s17+$0x11000]  }
0x1e5: {  	v59 =	vld [tilespmem:s17+$0x19800];
	v1 =	vadd.f32 v3, v1;
	v3 =	vmul.f32 v56, v9  }
0x1e6: {  	v60 =	vld [tilespmem:s17+$0x11800]  }
0x1e7: {  	v61 =	vld [tilespmem:s17+$0x1A000];
	v1 =	vadd.f32 v3, v1;
	v3 =	vmul.f32 v58, v57  }
0x1e8: {  	v62 =	vld [tilespmem:s17+$0x12000]  }
0x1e9: {  	v63 =	vld [tilespmem:s17+$0x12800];
	v1 =	vadd.f32 v3, v1;
	v2 =	vmul.f32 v2, v10  }
0x1ea: {  	v3 =	vld [tilespmem:s17+$0x1A800]  }
0x1eb: {  	v1 =	vadd.f32 v2, v1;
	v2 =	vmul.f32 v60, v59;
	_ =	sdelay $0x1  }
0x1ec: {  	v1 =	vadd.f32 v2, v1;
	v2 =	vmul.f32 v62, v61;
	_ =	sdelay $0x1  }
0x1ed: {  	v1 =	vadd.f32 v2, v1;
	v2 =	vmul.f32 v63, v3;
	_ =	sdelay $0x1  }
0x1ee: {  	s14 =	sadd.s32 $0x1, s14;
	v1 =	vadd.f32 v2, v1  }
0x1ef: {  	s19 =	sadd.s32 s18, s1;
	p0 =	sne.s32 s14, $0x1F  }
.Ltmp5:
0x1f0: {  	s12 =	sadd.s32 $0x100, s19;
	[tilespmem:s17+$0x1B000] =	vst v1;
	(pc) =	sbr.rel @p0 .LBB2_4-.Ltmp5, $4  }
0x1f1: {  	[hbm4b:s12+s2] =	stream.linear.scatter [tilespmem:s9], [sflag:$0x5], $0x800, $0x38;
	[tilespmem:$0x1B800] =	vst v63  }
0x1f2: {  	_ =	swait.ge [sflag:s10], $0x800  }
0x1f3: {  	[sflag:s10] =	ssyncset.done $0x0  }
0x1f4: {  	[sflag:s10] =	ssyncadd.s32 $0xFFFFF800  }
0x1f5: {  	_ =	swait.ge [sflag:s30], $0x800  }
0x1f6: {  	[sflag:s30] =	ssyncset.done $0x0  }
0x1f7: {  	[sflag:s30] =	ssyncadd.s32 $0xFFFFF800  }
0x1f8: {  	_ =	swait.ge [sflag:s30], $0x800  }
0x1f9: {  	[sflag:s30] =	ssyncset.done $0x0  }
0x1fa: {  	[sflag:s30] =	ssyncadd.s32 $0xFFFFF800  }
0x1fb: {  	_ =	swait.ge [sflag:s30], $0x800  }
0x1fc: {  	[sflag:s30] =	ssyncset.done $0x0  }
0x1fd: {  	s13 =	simm.s32 $0x0;
	[sflag:s30] =	ssyncadd.s32 $0xFFFFF800  }
0x1fe: {  	v1 =	vld [tilespmem:s13+$0x2000];
	_ =	sdelay $0x1  }
0x1ff: {  	v2 =	vld [tilespmem:s13+$0x2800];
	_ =	sdelay $0x1  }
0x200: {  	v3 =	vld [tilespmem:s13+$0x1800]  }
0x201: {  	v1 =	vmul.f32 $4.266666790e+01, v1;
	_ =	sdelay $0x1  }
0x202: {  	v2 =	vmul.f32 $4.266666790e+01, v2;
	v1 =	vadd.f32 $1.275000000e+02, v1;
	_ =	sdelay $0x1  }
0x203: {  	v3 =	vmul.f32 $4.266666790e+01, v3;
	v2 =	vadd.f32 $1.275000000e+02, v2;
	v4 =	vtrunc.f32 v1  }
0x204: {  	v5 =	vcvt.f32.s32 v4;
	vm0 =	vlt.f32 v1, v4  }
0x205: {  	v6 =	vtrunc.f32 v2;
	v4 =	vadd.f32 $1.275000000e+02, v3;
	v3 =	vsel vm0, $0xFFFFFFFF, v0  }
0x206: {  	vm0 =	vlt.f32 v2, v6;
	v5 =	vadd.s32 v5, v3;
	v3 =	vcvt.f32.s32 v6  }
0x207: {  	v6 =	vtrunc.f32 v4;
	v8 =	vsel vm0, $0xFFFFFFFF, v0;
	v7 =	vcvt.s32.f32 v5  }
0x208: {  	v9 =	vcvt.f32.s32 v6;
	vm0 =	vlt.f32 v4, v6;
	vm2 =	vgt.s32 v5, $0x0  }
0x209: {  	v6 =	vadd.s32 v3, v8;
	v3 =	vsel vm0, $0xFFFFFFFF, v0;
	vm0 =	vlt.u32 v5, $0x100  }
0x20a: {  	v7 =	vsub.f32 v1, v7;
	v8 =	vcvt.s32.f32 v6;
	v1 =	vadd.s32 v9, v3  }
0x20b: {  	v9 =	vadd.s32 $0x1, v5;
	v10 =	vadd.s32 $0x1, v6;
	vm4 =	vlt.u32 v6, $0x100  }
0x20c: {  	vm5 =	vgt.s32 v6, $0x0;
	v5 =	vnsel vm2, $0x0, v5;
	v11 =	vcvt.s32.f32 v1  }
0x20d: {  	v3 =	vadd.s32 $0x1, v1;
	vm1 =	vlt.u32 v10, $0x100;
	vm3 =	vgt.s32 v10, $0x0  }
0x20e: {  	v15 =	vnsel vm5, $0x0, v6;
	v12 =	vsub.f32 $1.000000000e+00, v7;
	v2 =	vsub.f32 v2, v8  }
0x20f: {  	vm2 =	vlt.u32 v1, $0x100;
	v16 =	vnsel vm3, $0x0, v10;
	v8 =	vsub.f32 v4, v11  }
0x210: {  	v16 =	vmin.u32 v16, $0xFF;
	v11 =	vnsel vm0, $0x0, v12;
	v12 =	vnsel vm1, $0x0, v2  }
0x211: {  	vm0 =	vlt.u32 v3, $0x100;
	v13 =	vsub.f32 $1.000000000e+00, v2;
	vm1 =	vgt.s32 v9, $0x0  }
0x212: {  	v4 =	vmul.f32 v11, v12;
	v2 =	vnsel vm0, $0x0, v8;
	vm0 =	vlt.u32 v9, $0x100  }
0x213: {  	v8 =	vsub.f32 $1.000000000e+00, v8;
	v9 =	vnsel vm1, $0x0, v9;
	vm1 =	vgt.s32 v1, $0x0  }
0x214: {  	v7 =	vnsel vm0, $0x0, v7;
	v13 =	vnsel vm4, $0x0, v13;
	v9 =	vmin.u32 v9, $0xFF  }
0x215: {  	vm0 =	vgt.s32 v3, $0x0;
	v14 =	vmul.f32 v4, v2;
	v10 =	vmul.f32 v13, v11  }
0x216: {  	v6 =	vmul.f32 v13, v7;
	v13 =	vmin.u32 v5, $0xFF;
	v5 =	vmul.f32 v12, v7  }
0x217: {  	v7 =	vmin.u32 v15, $0xFF;
	v8 =	vnsel vm2, $0x0, v8;
	v11 =	vshll.u32 v9, $0x8  }
0x218: {  	s14 =	simm.s32 $0x10;
	s12 =	simm.s32 $0x80;
	v12 =	vshll.u32 v16, $0x10;
	v7 =	vshll.u32 v7, $0x10;
	v9 =	vshll.u32 v13, $0x8;
	[tilespmem:s13+$0x19800] =	vst v14  }
.LBB2_14:
0x219: {  	p0 =	sne.s32 s12, $0x1FC0;
	v13 =	vld [tilespmem:s14+$0x2000];
	v1 =	vnsel vm1, $0x0, v1;
	v3 =	vnsel vm0, $0x0, v3;
	v14 =	vmul.f32 v10, v8  }
0x21a: {  	v10 =	vmul.f32 v10, v2;
	v15 =	vor.u32 v11, v7;
	v16 =	vmul.f32 v6, v8  }
0x21b: {  	v6 =	vmul.f32 v6, v2;
	v4 =	vmul.f32 v4, v8;
	v17 =	vld [tilespmem:s14+$0x2800];
	[tilespmem:s13+$0x17000] =	vst v14;
	v14 =	vor.u32 v9, v12  }
0x21c: {  	v8 =	vmul.f32 v5, v8;
	v2 =	vmul.f32 v5, v2;
	[tilespmem:s13+$0x17800] =	vst v10;
	v10 =	vor.u32 v11, v12  }
0x21d: {  	v7 =	vor.u32 v9, v7;
	v1 =	vmin.u32 v1, $0xFF;
	v3 =	vmin.u32 v3, $0xFF;
	v5 =	vld [tilespmem:s14+$0x1800];
	[tilespmem:s13+$0x18000] =	vst v16  }
0x21e: {  	v11 =	vor.u32 v1, v15;
	v12 =	vor.u32 v3, v15;
	v9 =	vmul.f32 $4.266666790e+01, v13;
	[tilespmem:s13+$0x18800] =	vst v6  }
0x21f: {  	v6 =	vor.u32 v1, v14;
	v13 =	vor.u32 v1, v10;
	[tilespmem:s13+$0x19000] =	vst v4;
	v4 =	vor.u32 v3, v14  }
0x220: {  	v9 =	vadd.f32 $1.275000000e+02, v9;
	v14 =	vmul.f32 $4.266666790e+01, v17;
	[tilespmem:s13+$0x1A000] =	vst v8;
	v8 =	vor.u32 v3, v10  }
0x221: {  	v1 =	vor.u32 v1, v7;
	v3 =	vor.u32 v3, v7;
	[tilespmem:s13+$0x1A800] =	vst v2  }
0x222: {  	v2 =	vmul.f32 $4.266666790e+01, v5;
	v5 =	vtrunc.f32 v9;
	v7 =	vadd.f32 $1.275000000e+02, v14;
	[tilespmem:s13+$0x8000] =	vst v11  }
0x223: {  	v10 =	vcvt.f32.s32 v5;
	vm0 =	vlt.f32 v9, v5;
	[tilespmem:s13+$0x8800] =	vst v12  }
0x224: {  	v2 =	vadd.f32 $1.275000000e+02, v2;
	v5 =	vsel vm0, $0xFFFFFFFF, v0;
	v11 =	vtrunc.f32 v7;
	[tilespmem:s13+$0x9000] =	vst v6  }
0x225: {  	v5 =	vadd.s32 v10, v5;
	v6 =	vcvt.f32.s32 v11;
	vm0 =	vlt.f32 v7, v11;
	[tilespmem:s13+$0x9800] =	vst v4  }
0x226: {  	v4 =	vtrunc.f32 v2;
	v10 =	vcvt.s32.f32 v5;
	v11 =	vsel vm0, $0xFFFFFFFF, v0;
	[tilespmem:s13+$0xA000] =	vst v13  }
0x227: {  	v12 =	vcvt.f32.s32 v4;
	vm0 =	vlt.f32 v2, v4;
	v6 =	vadd.s32 v6, v11;
	[tilespmem:s13+$0xA800] =	vst v8  }
0x228: {  	v4 =	vsel vm0, $0xFFFFFFFF, v0;
	v8 =	vsub.f32 v9, v10;
	v9 =	vcvt.s32.f32 v6;
	[tilespmem:s13+$0x7000] =	vst v1  }
0x229: {  	v10 =	vadd.s32 $0x1, v5;
	v11 =	vadd.s32 $0x1, v6;
	v1 =	vadd.s32 v12, v4;
	[tilespmem:s13+$0x7800] =	vst v3;
	s13 =	smov.u32 s14  }
0x22a: {  	v4 =	vcvt.s32.f32 v1;
	v12 =	vsub.f32 $1.000000000e+00, v8;
	v7 =	vsub.f32 v7, v9  }
0x22b: {  	vm0 =	vlt.u32 v5, $0x100;
	vm1 =	vlt.u32 v11, $0x100;
	v3 =	vadd.s32 $0x1, v1  }
0x22c: {  	v9 =	vsub.f32 v2, v4;
	v12 =	vnsel vm0, $0x0, v12;
	v13 =	vnsel vm1, $0x0, v7  }
0x22d: {  	vm0 =	vlt.u32 v3, $0x100;
	v7 =	vsub.f32 $1.000000000e+00, v7;
	v4 =	vmul.f32 v12, v13  }
0x22e: {  	vm1 =	vgt.s32 v10, $0x0;
	v2 =	vnsel vm0, $0x0, v9;
	vm0 =	vlt.u32 v10, $0x100  }
0x22f: {  	vm2 =	vgt.s32 v5, $0x0;
	vm3 =	vgt.s32 v11, $0x0;
	v14 =	vmul.f32 v4, v2  }
0x230: {  	vm4 =	vlt.u32 v6, $0x100;
	vm5 =	vgt.s32 v6, $0x0;
	v9 =	vsub.f32 $1.000000000e+00, v9  }
0x231: {  	v10 =	vnsel vm1, $0x0, v10;
	v7 =	vnsel vm4, $0x0, v7;
	v8 =	vnsel vm0, $0x0, v8;
	[tilespmem:s13+$0x19800] =	vst v14  }
0x232: {  	v5 =	vnsel vm2, $0x0, v5;
	v11 =	vnsel vm3, $0x0, v11;
	v14 =	vnsel vm5, $0x0, v6  }
.Ltmp6:
0x233: {  	v15 =	vmin.u32 v10, $0xFF;
	v10 =	vmul.f32 v7, v12;
	v6 =	vmul.f32 v7, v8;
	(pc) =	sbr.rel @p0 .LBB2_14-.Ltmp6, $4  }
0x234: {  	v16 =	vmin.u32 v11, $0xFF;
	v12 =	vmin.u32 v5, $0xFF;
	v5 =	vmul.f32 v13, v8  }
0x235: {  	vm2 =	vlt.u32 v1, $0x100;
	vm0 =	vgt.s32 v3, $0x0;
	v7 =	vmin.u32 v14, $0xFF  }
0x236: {  	vm1 =	vgt.s32 v1, $0x0;
	v11 =	vshll.u32 v15, $0x8;
	v8 =	vnsel vm2, $0x0, v9  }
0x237: {  	s14 =	sshra.s32 s12, $0x2;
	s12 =	sadd.s32 $0x40, s12;
	v9 =	vshll.u32 v12, $0x8;
	v12 =	vshll.u32 v16, $0x10;
	v7 =	vshll.u32 v7, $0x10  }
0x238: {  	v13 =	vld [tilespmem:s14+$0x2000];
	v14 =	vmul.f32 v10, v8  }
0x239: {  	v40 =	vmul.f32 v10, v2;
	v15 =	vld [tilespmem:s14+$0x2800]  }
0x23a: {  	v1 =	vnsel vm1, $0x0, v1;
	v3 =	vnsel vm0, $0x0, v3;
	v16 =	vor.u32 v11, v7;
	[tilespmem:s13+$0x17000] =	vst v14  }
0x23b: {  	v41 =	vmul.f32 v6, v8;
	v6 =	vmul.f32 v6, v2;
	v17 =	vor.u32 v9, v12;
	[tilespmem:s13+$0x17800] =	vst v40  }
0x23c: {  	v4 =	vmul.f32 v4, v8;
	v42 =	vor.u32 v11, v12;
	v8 =	vmul.f32 v5, v8;
	v43 =	vld [tilespmem:s14+$0x1800]  }
0x23d: {  	v2 =	vmul.f32 v5, v2;
	v7 =	vor.u32 v9, v7;
	v1 =	vmin.u32 v1, $0xFF  }
0x23e: {  	v3 =	vmin.u32 v3, $0xFF;
	v5 =	vmul.f32 $4.266666790e+01, v13;
	v46 =	vmul.f32 $4.266666790e+01, v15  }
0x23f: {  	v44 =	vor.u32 v1, v16;
	v45 =	vor.u32 v3, v16;
	v47 =	vor.u32 v1, v17  }
0x240: {  	v48 =	vor.u32 v3, v17;
	v5 =	vadd.f32 $1.275000000e+02, v5;
	v13 =	vadd.f32 $1.275000000e+02, v46  }
0x241: {  	v49 =	vor.u32 v1, v42;
	v10 =	vor.u32 v3, v42;
	v11 =	vmul.f32 $4.266666790e+01, v43  }
0x242: {  	v1 =	vor.u32 v1, v7;
	v18 =	vtrunc.f32 v5;
	v20 =	vtrunc.f32 v13  }
0x243: {  	v19 =	vcvt.f32.s32 v18;
	vm4 =	vlt.f32 v5, v18;
	v11 =	vadd.f32 $1.275000000e+02, v11  }
0x244: {  	v50 =	vcvt.f32.s32 v20;
	vm5 =	vlt.f32 v13, v20;
	v18 =	vsel vm4, $0xFFFFFFFF, v0  }
0x245: {  	v3 =	vor.u32 v3, v7;
	v22 =	vsel vm5, $0xFFFFFFFF, v0;
	v18 =	vadd.s32 v19, v18  }
0x246: {  	v51 =	vtrunc.f32 v11;
	v7 =	vadd.s32 v50, v22;
	v21 =	vcvt.s32.f32 v18  }
0x247: {  	[tilespmem:s13+$0x18800] =	vst v6;
	vm6 =	vlt.f32 v11, v51;
	v20 =	vcvt.f32.s32 v51;
	v6 =	vcvt.s32.f32 v7  }
0x248: {  	[tilespmem:s13+$0x19000] =	vst v4;
	v4 =	vadd.s32 $0x1, v18;
	v19 =	vadd.s32 $0x1, v7;
	vm7 =	vlt.u32 v18, $0x100  }
0x249: {  	[tilespmem:s13+$0x18000] =	vst v41;
	vm2 =	vgt.s32 v18, $0x0;
	vm4 =	vlt.u32 v7, $0x100;
	vm12 =	vgt.s32 v7, $0x0  }
0x24a: {  	[tilespmem:s13+$0x1A000] =	vst v8;
	v52 =	vsel vm6, $0xFFFFFFFF, v0;
	vm8 =	vlt.u32 v19, $0x100;
	vm10 =	vlt.u32 v4, $0x100  }
0x24b: {  	[tilespmem:s13+$0x1A800] =	vst v2;
	v5 =	vsub.f32 v5, v21;
	v14 =	vadd.s32 v20, v52;
	v6 =	vsub.f32 v13, v6  }
0x24c: {  	[tilespmem:s13+$0x8000] =	vst v44;
	vm11 =	vgt.s32 v4, $0x0;
	vm3 =	vgt.s32 v19, $0x0;
	v20 =	vcvt.s32.f32 v14  }
0x24d: {  	[tilespmem:s13+$0x8800] =	vst v45;
	v8 =	vsub.f32 $1.000000000e+00, v5;
	v54 =	vnsel vm8, $0x0, v6;
	v6 =	vsub.f32 $1.000000000e+00, v6  }
0x24e: {  	[tilespmem:s13+$0x7800] =	vst v3;
	v3 =	vnsel vm12, $0x0, v7;
	v53 =	vadd.s32 $0x1, v14;
	v2 =	vsub.f32 v11, v20  }
0x24f: {  	[tilespmem:s13+$0x9000] =	vst v47;
	vm9 =	vlt.u32 v53, $0x100;
	v8 =	vnsel vm7, $0x0, v8;
	v6 =	vnsel vm4, $0x0, v6  }
0x250: {  	[tilespmem:s13+$0x9800] =	vst v48;
	v55 =	vmul.f32 v8, v54;
	v56 =	vnsel vm9, $0x0, v2;
	v2 =	vsub.f32 $1.000000000e+00, v2  }
0x251: {  	[tilespmem:s13+$0xA000] =	vst v49;
	v4 =	vnsel vm11, $0x0, v4;
	vm13 =	vlt.u32 v14, $0x100;
	v8 =	vmul.f32 v6, v8  }
0x252: {  	[tilespmem:s13+$0x7000] =	vst v1;
	v1 =	vnsel vm10, $0x0, v5;
	v57 =	vmul.f32 v55, v56;
	v2 =	vnsel vm13, $0x0, v2  }
0x253: {  	[tilespmem:s13+$0xA800] =	vst v10;
	v58 =	vnsel vm3, $0x0, v19;
	v6 =	vmul.f32 v6, v1;
	v7 =	vmul.f32 v8, v2  }
0x254: {  	v3 =	vmin.u32 v3, $0xFF;
	v4 =	vmin.u32 v4, $0xFF;
	v8 =	vmul.f32 v8, v56;
	[tilespmem:s14+$0x19800] =	vst v57  }
0x255: {  	v10 =	vmin.u32 v58, $0xFF;
	vm15 =	vgt.s32 v14, $0x0;
	v59 =	vmul.f32 v6, v2;
	[tilespmem:s14+$0x17000] =	vst v7  }
0x256: {  	v3 =	vshll.u32 v3, $0x10;
	v1 =	vmul.f32 v54, v1;
	v6 =	vmul.f32 v6, v56;
	[tilespmem:s14+$0x17800] =	vst v8  }
0x257: {  	v5 =	vnsel vm2, $0x0, v18;
	vm14 =	vgt.s32 v53, $0x0;
	v7 =	vmul.f32 v55, v2;
	[tilespmem:s14+$0x18000] =	vst v59  }
0x258: {  	v4 =	vshll.u32 v4, $0x8;
	v5 =	vmin.u32 v5, $0xFF;
	v2 =	vmul.f32 v1, v2;
	[tilespmem:s14+$0x18800] =	vst v6  }
0x259: {  	v5 =	vshll.u32 v5, $0x8;
	v6 =	vnsel vm15, $0x0, v14;
	v1 =	vmul.f32 v1, v56;
	[tilespmem:s14+$0x19000] =	vst v7  }
0x25a: {  	v8 =	vor.u32 v4, v3;
	v6 =	vmin.u32 v6, $0xFF;
	v7 =	vnsel vm14, $0x0, v53;
	[tilespmem:s14+$0x1A000] =	vst v2  }
0x25b: {  	v2 =	vshll.u32 v10, $0x10;
	v60 =	vor.u32 v6, v8;
	[tilespmem:s14+$0x1A800] =	vst v1;
	v7 =	vmin.u32 v7, $0xFF  }
0x25c: {  	v1 =	vor.u32 v5, v2;
	[tilespmem:s14+$0x8000] =	vst v60;
	v8 =	vor.u32 v7, v8  }
0x25d: {  	v61 =	vor.u32 v6, v1;
	[tilespmem:s14+$0x8800] =	vst v8  }
0x25e: {  	v2 =	vor.u32 v4, v2;
	v1 =	vor.u32 v7, v1;
	[tilespmem:s14+$0x9000] =	vst v61  }
0x25f: {  	v4 =	vor.u32 v6, v2;
	[tilespmem:s14+$0x9800] =	vst v1  }
0x260: {  	v2 =	vor.u32 v7, v2;
	v1 =	vor.u32 v5, v3;
	[tilespmem:s14+$0xA000] =	vst v4  }
0x261: {  	[tilespmem:s14+$0xA800] =	vst v2;
	v3 =	vor.u32 v6, v1  }
0x262: {  	v1 =	vor.u32 v7, v1;
	[tilespmem:s14+$0x7000] =	vst v3  }
0x263: {  	[tilespmem:s14+$0x7800] =	vst v1  }
0x264: {  	_ =	swait.ge [sflag:s31], $0x4000  }
0x265: {  	[sflag:s31] =	ssyncset.done $0x0  }
0x266: {  	s12 =	simm.s32 $0x0;
	[sflag:s31] =	ssyncadd.s32 $0xFFFFC000  }
0x267: {  	[tilespmem:s3], [sflag:$0x2] =	stream.indirect.gather [hbm4b:s8+s26], $0x1, s0, s26, $0xb8;
	[tilespmem:$0x1B800] =	vst v63  }
0x268: {  	v1 =	vld [tilespmem:s12+$0x13000]  }
0x269: {  	v2 =	vld [tilespmem:s12+$0xB000]  }
0x26a: {  	v3 =	vld [tilespmem:s12+$0x13800]  }
0x26b: {  	v4 =	vld [tilespmem:s12+$0xB800]  }
0x26c: {  	v5 =	vld [tilespmem:s12+$0x14000]  }
0x26d: {  	v6 =	vld [tilespmem:s12+$0xC000]  }
0x26e: {  	v7 =	vld [tilespmem:s12+$0x14800]  }
0x26f: {  	v8 =	vld [tilespmem:s12+$0xC800]  }
0x270: {  	v1 =	vmul.f32 v2, v1;
	v2 =	vmul.f32 v4, v3;
	v3 =	vld [tilespmem:s12+$0x15000]  }
0x271: {  	v4 =	vld [tilespmem:s12+$0xD000]  }
0x272: {  	v62 =	vld [tilespmem:s12+$0xD800];
	v1 =	vadd.f32 v2, v1;
	v2 =	vmul.f32 v6, v5  }
0x273: {  	v6 =	vld [tilespmem:s12+$0x15800]  }
0x274: {  	v1 =	vadd.f32 v2, v1;
	v2 =	vmul.f32 v8, v7;
	v7 =	vld [tilespmem:s12+$0x16000]  }
0x275: {  	v8 =	vld [tilespmem:s12+$0xE000]  }
0x276: {  	v5 =	vld [tilespmem:s12+$0xE800];
	v3 =	vmul.f32 v4, v3;
	v63 =	vadd.f32 v2, v1  }
0x277: {  	s13 =	simm.s32 $0x10;
	v2 =	vld [tilespmem:s12+$0x16800]  }
0x278: {  	v4 =	vld [tilespmem:s13+$0x13800];
	v6 =	vmul.f32 v62, v6;
	v10 =	vadd.f32 v3, v63  }
0x279: {  	v1 =	vld [tilespmem:s13+$0x13000]  }
0x27a: {  	s14 =	simm.s32 $0x80;
	v3 =	vld [tilespmem:s13+$0xB000];
	v7 =	vmul.f32 v8, v7;
	v6 =	vadd.f32 v6, v10  }
.LBB2_16:
0x27b: {  	p0 =	sne.s32 s14, $0x1FC0;
	v8 =	vld [tilespmem:s13+$0xB800]  }
0x27c: {  	v9 =	vld [tilespmem:s13+$0x14000];
	v6 =	vadd.f32 v7, v6;
	v2 =	vmul.f32 v5, v2  }
0x27d: {  	v5 =	vld [tilespmem:s13+$0xC000]  }
0x27e: {  	v7 =	vld [tilespmem:s13+$0x14800];
	v2 =	vadd.f32 v2, v6  }
0x27f: {  	v6 =	vld [tilespmem:s13+$0xC800]  }
0x280: {  	v1 =	vmul.f32 v3, v1;
	v3 =	vmul.f32 v8, v4;
	v4 =	vld [tilespmem:s13+$0x15000];
	[tilespmem:s12+$0x1B000] =	vst v2;
	s12 =	smov.u32 s13  }
0x281: {  	v2 =	vld [tilespmem:s12+$0xD000]  }
0x282: {  	v1 =	vadd.f32 v3, v1;
	v3 =	vmul.f32 v5, v9;
	v8 =	vld [tilespmem:s12+$0x15800]  }
0x283: {  	v9 =	vld [tilespmem:s12+$0xD800]  }
0x284: {  	v1 =	vadd.f32 v3, v1;
	v3 =	vmul.f32 v6, v7;
	v7 =	vld [tilespmem:s12+$0x16000]  }
0x285: {  	v10 =	vld [tilespmem:s12+$0xE000]  }
.Ltmp7:
0x286: {  	v3 =	vadd.f32 v3, v1;
	v4 =	vmul.f32 v2, v4;
	v2 =	vld [tilespmem:s12+$0x16800];
	(pc) =	sbr.rel @p0 .LBB2_16-.Ltmp7, $4  }
0x287: {  	s13 =	sshra.s32 s14, $0x2;
	v5 =	vld [tilespmem:s12+$0xE800]  }
0x288: {  	v1 =	vld [tilespmem:s13+$0x13000];
	v6 =	vadd.f32 v4, v3;
	v8 =	vmul.f32 v9, v8  }
0x289: {  	v3 =	vld [tilespmem:s13+$0xB000]  }
0x28a: {  	s14 =	sadd.s32 $0x40, s14;
	v4 =	vld [tilespmem:s13+$0x13800];
	v6 =	vadd.f32 v8, v6;
	v7 =	vmul.f32 v10, v7  }
0x28b: {  	v8 =	vld [tilespmem:s13+$0xB800]  }
0x28c: {  	v9 =	vld [tilespmem:s13+$0x14000];
	v6 =	vadd.f32 v7, v6;
	v2 =	vmul.f32 v5, v2  }
0x28d: {  	v5 =	vld [tilespmem:s13+$0xC000]  }
0x28e: {  	v7 =	vld [tilespmem:s13+$0x14800];
	v2 =	vadd.f32 v2, v6  }
0x28f: {  	v6 =	vld [tilespmem:s13+$0xC800]  }
0x290: {  	v10 =	vld [tilespmem:s13+$0x15000];
	v1 =	vmul.f32 v3, v1;
	v3 =	vmul.f32 v8, v4;
	[tilespmem:s12+$0x1B000] =	vst v2  }
0x291: {  	v2 =	vld [tilespmem:s13+$0xD000]  }
0x292: {  	v4 =	vld [tilespmem:s13+$0x15800];
	v1 =	vadd.f32 v3, v1;
	v3 =	vmul.f32 v5, v9  }
0x293: {  	v5 =	vld [tilespmem:s13+$0xD800]  }
0x294: {  	v1 =	vadd.f32 v3, v1;
	v3 =	vmul.f32 v6, v7;
	v6 =	vld [tilespmem:s13+$0x16000]  }
0x295: {  	v7 =	vld [tilespmem:s13+$0xE000]  }
0x296: {  	v8 =	vld [tilespmem:s13+$0xE800];
	v1 =	vadd.f32 v3, v1;
	v2 =	vmul.f32 v2, v10  }
0x297: {  	v3 =	vld [tilespmem:s13+$0x16800]  }
0x298: {  	v1 =	vadd.f32 v2, v1;
	v2 =	vmul.f32 v5, v4;
	_ =	sdelay $0x1  }
0x299: {  	v1 =	vadd.f32 v2, v1;
	v2 =	vmul.f32 v7, v6;
	_ =	sdelay $0x1  }
0x29a: {  	v1 =	vadd.f32 v2, v1;
	v2 =	vmul.f32 v8, v3;
	_ =	sdelay $0x1  }
0x29b: {  	v1 =	vadd.f32 v2, v1;
	_ =	sdelay $0x1  }
0x29c: {  	s18 =	simm.s32 $0x0;
	s19 =	rddreg [dreg:$0x9];
	[tilespmem:s13+$0x1B000] =	vst v1  }
0x29d: {  	[hbm4b:s19+s18] =	stream.linear.scatter [tilespmem:s9], [sflag:$0x5], $0x800, $0x38;
	[tilespmem:$0x1B800] =	vst v63  }
0x29e: {  	_ =	swait.ge [sflag:s10], $0x800  }
0x29f: {  	[sflag:s10] =	ssyncset.done $0x0  }
0x2a0: {  	[sflag:s10] =	ssyncadd.s32 $0xFFFFF800  }
0x2a1: {  	_ =	swait.ge [sflag:s11], $0x4000  }
0x2a2: {  	[sflag:s11] =	ssyncset.done $0x0  }
0x2a3: {  	s12 =	simm.s32 $0x0;
	[sflag:s11] =	ssyncadd.s32 $0xFFFFC000  }
0x2a4: {  	v1 =	vld [tilespmem:s12+$0x17000]  }
0x2a5: {  	v2 =	vld [tilespmem:s12+$0xF000]  }
0x2a6: {  	v3 =	vld [tilespmem:s12+$0x17800]  }
0x2a7: {  	v4 =	vld [tilespmem:s12+$0xF800]  }
0x2a8: {  	v5 =	vld [tilespmem:s12+$0x18000]  }
0x2a9: {  	v6 =	vld [tilespmem:s12+$0x10000]  }
0x2aa: {  	v7 =	vld [tilespmem:s12+$0x18800]  }
0x2ab: {  	v8 =	vld [tilespmem:s12+$0x10800]  }
0x2ac: {  	v1 =	vmul.f32 v2, v1;
	v2 =	vmul.f32 v4, v3;
	v3 =	vld [tilespmem:s12+$0x19000]  }
0x2ad: {  	v4 =	vld [tilespmem:s12+$0x11000]  }
0x2ae: {  	v62 =	vld [tilespmem:s12+$0x11800];
	v1 =	vadd.f32 v2, v1;
	v2 =	vmul.f32 v6, v5  }
0x2af: {  	v6 =	vld [tilespmem:s12+$0x19800]  }
0x2b0: {  	v1 =	vadd.f32 v2, v1;
	v2 =	vmul.f32 v8, v7;
	v7 =	vld [tilespmem:s12+$0x1A000]  }
0x2b1: {  	v8 =	vld [tilespmem:s12+$0x12000]  }
0x2b2: {  	v5 =	vld [tilespmem:s12+$0x12800];
	v3 =	vmul.f32 v4, v3;
	v63 =	vadd.f32 v2, v1  }
0x2b3: {  	s13 =	simm.s32 $0x10;
	v2 =	vld [tilespmem:s12+$0x1A800]  }
0x2b4: {  	v4 =	vld [tilespmem:s13+$0x17800];
	v6 =	vmul.f32 v62, v6;
	v10 =	vadd.f32 v3, v63  }
0x2b5: {  	v1 =	vld [tilespmem:s13+$0x17000]  }
0x2b6: {  	s14 =	simm.s32 $0x80;
	v3 =	vld [tilespmem:s13+$0xF000];
	v7 =	vmul.f32 v8, v7;
	v6 =	vadd.f32 v6, v10  }
.LBB2_18:
0x2b7: {  	p0 =	sne.s32 s14, $0x1FC0;
	v8 =	vld [tilespmem:s13+$0xF800]  }
0x2b8: {  	v9 =	vld [tilespmem:s13+$0x18000];
	v6 =	vadd.f32 v7, v6;
	v2 =	vmul.f32 v5, v2  }
0x2b9: {  	v5 =	vld [tilespmem:s13+$0x10000]  }
0x2ba: {  	v7 =	vld [tilespmem:s13+$0x18800];
	v2 =	vadd.f32 v2, v6  }
0x2bb: {  	v6 =	vld [tilespmem:s13+$0x10800]  }
0x2bc: {  	v1 =	vmul.f32 v3, v1;
	v3 =	vmul.f32 v8, v4;
	v4 =	vld [tilespmem:s13+$0x19000];
	[tilespmem:s12+$0x1B000] =	vst v2;
	s12 =	smov.u32 s13  }
0x2bd: {  	v2 =	vld [tilespmem:s12+$0x11000]  }
0x2be: {  	v1 =	vadd.f32 v3, v1;
	v3 =	vmul.f32 v5, v9;
	v8 =	vld [tilespmem:s12+$0x19800]  }
0x2bf: {  	v9 =	vld [tilespmem:s12+$0x11800]  }
0x2c0: {  	v1 =	vadd.f32 v3, v1;
	v3 =	vmul.f32 v6, v7;
	v7 =	vld [tilespmem:s12+$0x1A000]  }
0x2c1: {  	v10 =	vld [tilespmem:s12+$0x12000]  }
.Ltmp8:
0x2c2: {  	v3 =	vadd.f32 v3, v1;
	v4 =	vmul.f32 v2, v4;
	v2 =	vld [tilespmem:s12+$0x1A800];
	(pc) =	sbr.rel @p0 .LBB2_18-.Ltmp8, $4  }
0x2c3: {  	s13 =	sshra.s32 s14, $0x2;
	v5 =	vld [tilespmem:s12+$0x12800]  }
0x2c4: {  	v1 =	vld [tilespmem:s13+$0x17000];
	v6 =	vadd.f32 v4, v3;
	v8 =	vmul.f32 v9, v8  }
0x2c5: {  	v3 =	vld [tilespmem:s13+$0xF000]  }
0x2c6: {  	s14 =	sadd.s32 $0x40, s14;
	v4 =	vld [tilespmem:s13+$0x17800];
	v6 =	vadd.f32 v8, v6;
	v7 =	vmul.f32 v10, v7  }
0x2c7: {  	v8 =	vld [tilespmem:s13+$0xF800]  }
0x2c8: {  	v9 =	vld [tilespmem:s13+$0x18000];
	v6 =	vadd.f32 v7, v6;
	v2 =	vmul.f32 v5, v2  }
0x2c9: {  	v56 =	vld [tilespmem:s13+$0x10000]  }
0x2ca: {  	v57 =	vld [tilespmem:s13+$0x18800];
	v2 =	vadd.f32 v2, v6  }
0x2cb: {  	v58 =	vld [tilespmem:s13+$0x10800]  }
0x2cc: {  	v10 =	vld [tilespmem:s13+$0x19000];
	v1 =	vmul.f32 v3, v1;
	v3 =	vmul.f32 v8, v4;
	[tilespmem:s12+$0x1B000] =	vst v2  }
0x2cd: {  	v2 =	vld [tilespmem:s13+$0x11000]  }
0x2ce: {  	v59 =	vld [tilespmem:s13+$0x19800];
	v1 =	vadd.f32 v3, v1;
	v3 =	vmul.f32 v56, v9  }
0x2cf: {  	v60 =	vld [tilespmem:s13+$0x11800]  }
0x2d0: {  	v61 =	vld [tilespmem:s13+$0x1A000];
	v1 =	vadd.f32 v3, v1;
	v3 =	vmul.f32 v58, v57  }
0x2d1: {  	v62 =	vld [tilespmem:s13+$0x12000]  }
0x2d2: {  	v63 =	vld [tilespmem:s13+$0x12800];
	v1 =	vadd.f32 v3, v1;
	v2 =	vmul.f32 v2, v10  }
0x2d3: {  	v3 =	vld [tilespmem:s13+$0x1A800]  }
0x2d4: {  	v1 =	vadd.f32 v2, v1;
	v2 =	vmul.f32 v60, v59;
	_ =	sdelay $0x1  }
0x2d5: {  	v1 =	vadd.f32 v2, v1;
	v2 =	vmul.f32 v62, v61;
	_ =	sdelay $0x1  }
0x2d6: {  	v1 =	vadd.f32 v2, v1;
	v2 =	vmul.f32 v63, v3;
	_ =	sdelay $0x1  }
0x2d7: {  	v1 =	vadd.f32 v2, v1;
	_ =	sdelay $0x1  }
0x2d8: {  	s17 =	rddreg [dreg:$0xa];
	[tilespmem:s13+$0x1B000] =	vst v1  }
0x2d9: {  	[hbm4b:s17+s2] =	stream.linear.scatter [tilespmem:s9], [sflag:$0x5], $0x800, $0x38;
	[tilespmem:$0x1B800] =	vst v63  }
0x2da: {  	_ =	swait.ge [sflag:s10], $0x800  }
0x2db: {  	s18 =	rddreg [dreg:$0xc]  }
0x2dc: {  	s19 =	rddreg [dreg:$0xb];
	s13 =	sadd.s32 $0x1, s18  }
0x2dd: {  	p0 =	sne.s32 s13, s19  }
.Ltmp9:
0x2de: {  	_ = 	snop;
	(pc) =	sbr.rel @p0 .LBB2_1-.Ltmp9, $3  }
0x2df: {  	_ =	sdelay $0x1  }
0x2e0: {  	[sflag:s10] =	ssyncset.done $0x0  }
0x2e1: {  	[sflag:s10] =	ssyncadd.s32 $0xFFFFF800  }
0x2e2: {  	_ =	sfence.sel $0x180000  }
0x2e3: {  	[bflag:$0x0] =	sbarrier.arrive $0xFFFF  }
0x2e4: {  	_ =	strace $0x9000004A  }
0x2e5: {  	s0 =	stileid.u32;
	[bflag:$0x2] =	sbarrier.arrive $0xFFFF  }
0x2e6: {  	p0 =	sne.s32 s0, $0x0;
	s0 =	rddreg [dreg:$0x2]  }
0x2e7: {  	s0 =	sadd.s32 @!p0 $0x100000, s0  }
0x2e8: {  	[sflag:s0] =	ssyncadd.tile.s32 @!p0 $0x1;
	_ =	shalt  }
.Lfunc_end2:
_tile_overlayer_lowered:
.L_overlay_start_2:
0x2e9: {  	(tag) =	ssettag $0x2  }
0x2ea: {  	s0 =	rddreg [dreg:$0x0];
	s2 =	stileid.u32  }
0x2eb: {  	s1 =	rddreg [dreg:$0x1];
	p0 =	sne.s32 s2, $0x0  }
0x2ec: {  	s3 =	rddreg [dreg:$0x2];
	[bflag:$0x3] =	sbarrier.arrive $0xFFFF;
	s2 =	simm.s32 @!p0 $0x1C05  }
0x2ed: {  	[timem:s3], [sflag:s2] =	dma.local @!p0 [hbm:s0], s1  }
0x2ee: {  	s0 =	simm.s32 @!p0 $0x5  }
0x2ef: {  	_ =	swait.ge @!p0 [sflag:s0], s1  }
0x2f0: {  	s1 =	ssub.s32 @!p0 $0x0, s1;
	[sflag:s0] =	ssyncset.done @!p0 $0x0  }
0x2f1: {  	[sflag:s0] =	ssyncadd.s32 @!p0 s1  }
0x2f2: {  	[bflag:$0x3] =	sbarrier.arrive $0xFFFF  }
0x2f3: {  	_ =	shalt  }

// kernel: sparse-core-data-format-call.cloned.1.call-start
scs
called_computation_lowered:
.L_overlay_start_0:
0x0: {  	s2 =	sld [smem:$0x3FD9]  }
0x1: {  	s3 =	sld [smem:$0x3FFE];
	_ =	sdelay $0x1  }
0x2: {  	s1 =	srdreg.scid  }
0x3: {  	s0 =	sand.u32 $0x1, s1  }
0x4: {  	s18 =	sshll.u32 s0, $0xA;
	s2 =	sadd.s32 s3, s2  }
0x5: {  	s2 =	sadd.s32 s2, s18  }
0x6: {  	[smem:$0x3FC6] =	sst s2  }
0x7: {  	_ = 	snop  }
0x8: {  	s2 =	sld [smem:$0x3FC8];
	(tm) =	ssettm $0x1  }
0x9: {  	s19 =	sld [smem:$0x3FFB];
	_ =	sdelay $0x3  }
0xa: {  	_ =	strace s19  }
0xb: {  	s3 =	sld [smem:$0x3FFC];
	_ =	sdelay $0x3  }
0xc: {  	_ =	strace s3  }
0xd: {  	s3 =	sld [smem:$0x3FFD];
	_ =	sdelay $0x3  }
0xe: {  	_ =	strace s3  }
0xf: {  	_ =	strace $0x8FFFFFFF  }
0x10: {  	s20 =	sld [smem:$0x3FDB];
	_ =	sdelay $0x1  }
0x11: {  	s4 =	simm.s32 $_scs_section_size  }
0x12: {  	s5 =	simm.s32 $_size__tile_overlayer_lowered;
	s6 =	simm.s32 $_tile_overlayer_lowered  }
0x13: {  	s23 =	simm.s32 $0x1BFF;
	s22 =	sshll.u32 s6, $0x1;
	s3 =	sadd.s32 s4, s20  }
0x14: {  	s7 =	simm.s32 $0x0;
	s21 =	sshll.u32 s5, $0x1;
	s5 =	sadd.s32 s22, s3  }
0x15: {  	[timem:s7], [sflag:s23] =	dma.local [hbm:s5], s21  }
0x16: {  	_ =	swait.ge [sflag:s23], s21  }
0x17: {  	s4 =	ssub.s32 $0x0, s21;
	[sflag:s23] =	ssyncset.done $0x0  }
0x18: {  	[sflag:s23] =	ssyncadd.s32 s4;
	_ =	sdelay $0x1  }
0x19: {  	s24 =	simm.s32 $0x1B8B  }
0x1a: {  	_ =	swait.ge [sflag:s24], $0x1  }
0x1b: {  	[sflag:s24] =	ssyncset.done $0x0  }
0x1c: {  	s26 =	simm.s32 $0x1B8E;
	s25 =	sld [smem:$0x3FFE];
	[sflag:s24] =	ssyncadd.s32 $0xFFFFFFFF  }
0x1d: {  	s27 =	simm.s32 $execute0_lowered;
	[smem:$0x3FD2] =	sst s26  }
0x1e: {  	s5 =	sshll.u32 s27, $0x1;
	_ =	strace $0x80000046;
	[dreg:$0x1] =	wrdreg $0xFFFFFFFF  }
0x1f: {  	s28 =	simm.s32 $_size_execute0_lowered;
	s3 =	sadd.s32 s3, s5;
	[dreg:$0x0] =	wrdreg $0x0  }
0x20: {  	s5 =	sshll.u32 s28, $0x1;
	[dreg:$0x2] =	wrdreg s3  }
0x21: {  	[dreg:$0x3] =	wrdreg s5  }
0x22: {  	[dreg:$0x4] =	wrdreg $0xC0  }
0x23: {  	_ =	task [dreg:s7], $0x5FFFF  }
0x24: {  	[dreg:$0x1] =	wrdreg $0xFFFFFFFF  }
0x25: {  	[dreg:$0x0] =	wrdreg $0x60  }
0x26: {  	[dreg:$0x2] =	wrdreg s2  }
0x27: {  	[dreg:$0x3] =	wrdreg s25  }
0x28: {  	[dreg:$0x4] =	wrdreg $0x9  }
0x29: {  	_ =	task.clear_ibuf [dreg:s7], $0x5FFFF;
	_ =	strace $0x90000046  }
0x2a: {  	s29 =	simm.s32 $0x9;
	_ =	strace $0x80000048  }
0x2b: {  	_ =	swait.ge [sflag:s29], $0x1  }
0x2c: {  	[sflag:s29] =	ssyncadd.s32 $0xFFFFFFFF  }
0x2d: {  	_ =	strace $0x90000048  }
0x2e: {  	_ =	sfence  }
0x2f: {  	s30 =	sld [smem:$0x0];
	_ =	sdelay $0x2  }
0x30: {  	s31 =	sshll.u32 s1, $0xD;
	s1 =	sshrl.u32 s1, $0x2  }
0x31: {  	s3 =	sand.u32 $0x4000, s31;
	s1 =	sadd.s32 s1, s30  }
0x32: {  	s0 =	sor.u32 s3, s0;
	s1 =	sshll.u32 s1, $0x11  }
0x33: {  	s0 =	sor.u32 s1, s0  }
0x34: {  	s0 =	sadd.s32 $0x8F2B, s0  }
0x35: {  	[sflag:s0] =	ssyncadd.remote.s32 $0x1  }
0x36: {  	_ =	sfence.sel $0xFFFF  }
0x37: {  	[dreg:$0x0] =	wrdreg $0xFFFFFFFF;
	(pc) =	sbr.abs _section_cstart, $3  }
0x38: {  	[dreg:$0x1] =	wrdreg $0xFFFFFFFF  }
0x39: {  	_ =	task.clear_ibuf [dreg:s7], $0x2FFFF;
	_ =	strace $0x9FFFFFFF  }
0x3a: {  	(tm) =	ssettm $0x7FFFFFFF  }
0x3b: {  	_ =	shalt  }
tec
execute0_lowered:
.L_overlay_start_1:
0x0: {  	(tag) =	ssettag $0x1  }
0x1: {  	s0 =	srdreg.scid  }
0x2: {  	s1 =	sshll.u32 s0, $0x4  }
0x3: {  	s2 =	rddreg [dreg:$0x0];
	s0 =	stileid.u32;
	s1 =	sand.u32 $0x10, s1  }
0x4: {  	s4 =	rddreg [dreg:$0x1];
	s7 =	simm.s32 $0x1;
	s1 =	sor.u32 s0, s1  }
0x5: {  	s8 =	simm.s32 $0x2;
	s9 =	simm.s32 $0x0;
	s3 =	sshll.u32 s1, $0x3  }
0x6: {  	s12 =	simm.s32 $0x0;
	s11 =	simm.s32 $0x0;
	s6 =	ssub.s32 $0x2000, s3  }
.Ltmp0:
0x7: {  	s4 =	sadd.s32 $0xA00, s4;
	s5 =	sand.u32 $0xF8, s6;
	(pc) =	sbr.rel .LBB1_1-.Ltmp0, $4  }
0x8: {  	s1 =	rddreg [dreg:$0x2];
	_ =	strace $0x80000047;
	p0 =	sne.s32 s5, $0x0  }
0x9: {  	s6 =	sshrl.u32 s6, $0x8;
	s5 =	simm.s32 $0x1;
	s7 =	simm.s32 @!p0 $0x0  }
0xa: {  	s10 =	smov.u32 s3;
	[sflag:s5] =	ssyncpa.u1 $0x0;
	s6 =	sadd.s32 s7, s6  }
0xb: {  	[sflag:s8] =	ssyncpa.u1 $0x0;
	s8 =	simm.s32 $0x0;
	s7 =	sadd.s32 $0x1, s6  }
.LBB1_9:
0xc: {  	s14 =	sadd.s32 $0x100, s10  }
0xd: {  	p1 =	sgt.s32 s14, $0x1FFF  }
0xe: {  	s14 =	smov.u32 @p1 s3;
	p1 =	sne.s32 s11, s7  }
.Ltmp1:
0xf: {  	p0 =	slt.u32 s11, $0x2;
	(pc) =	sbr.rel @!p1 .LBB1_10-.Ltmp1, $4  }
0x10: {  	s13 =	simm.s32 @!p0 $0x2  }
0x11: {  	s15 =	sadd.s32 $0x1, s11;
	_ =	swait.ge @!p0 [sflag:s13], $0x4000  }
0x12: {  	s12 =	smov.u32 s10;
	s9 =	sadd.s32 $0x4000, s9;
	[sflag:s13] =	ssyncset.done @!p0 $0x0  }
0x13: {  	s11 =	smov.u32 s15;
	s10 =	smov.u32 s14;
	[sflag:s13] =	ssyncadd.s32 @!p0 $0xFFFFC000  }
.LBB1_1:
0x14: {  	p0 =	sge.u32 s11, s6  }
0x15: {  	s13 =	sxor.u32 @!p0 $0xFFFFFFFF, s11  }
0x16: {  	s31 =	sadd.s32 $0xFFFFFFFF, s11;
	s14 =	sshll.u32 @!p0 s10, $0x8;
	s13 =	sshll.u32 @!p0 s13, $0xE  }
0x17: {  	s15 =	simm.s32 @!p0 $0x0;
	s14 =	sadd.s32 @!p0 s2, s14;
	s13 =	sand.u32 @!p0 $0x4000, s13  }
0x18: {  	[tilespmem:s13], [sflag:$0x1] =	stream.linear.gather @!p0 [hbm4b:s14+s15], $0x4000, $0x38;
	[tilespmem:$0x10000] =	vst v63  }
0x19: {  	p0 =	sge.u32 s31, s6  }
.Ltmp2:
0x1a: {  	_ = 	snop;
	(pc) =	sbr.rel @p0 .LBB1_9-.Ltmp2, $1  }
0x1b: {  	_ =	sdelay $0x3  }
0x1c: {  	s13 =	sshll.u32 s9, $0x2;
	_ =	swait.ge [sflag:s5], $0x4000;
	s14 =	sshll.u32 s11, $0xE  }
0x1d: {  	s16 =	simm.s32 $0x0;
	s17 =	simm.s32 $0x0;
	s15 =	sand.u32 $0x10000, s13  }
0x1e: {  	[sflag:s5] =	ssyncset.done $0x0;
	s31 =	sand.u32 $0x4000, s14;
	s14 =	sshrl.u32 s15, $0x2  }
0x1f: {  	[sflag:s5] =	ssyncadd.s32 $0xFFFFC000;
	s13 =	sor.u32 $0x8000, s31;
	s15 =	sor.u32 $0x8000, s14  }
.LBB1_3:
0x20: {  	s18 =	sshra.s32 s16, $0x2  }
0x21: {  	v0 =	vmov s18;
	_ =	sdelay $0x3  }
0x22: {  	p1 =	por $0x1, $0x1;
	s18 =	simm.s32 $0x0  }
.LBB1_4:
0x23: {  	_ = 	snop  }
0x24: {  	s19 =	sshll.u32 s18, $0xA  }
0x25: {  	s19 =	sand.u32 $0x3FFFFC00, s19  }
0x26: {  	s19 =	sadd.s32 s19, s14  }
0x27: {  	v5 =	vld.idx.msk [tilespmem:v0+s19+$0x70 ss:$0x1], $0xffff  }
0x28: {  	v6 =	vld.idx.msk [tilespmem:v0+s19+$0x10 ss:$0x1], $0xffff  }
0x29: {  	v7 =	vld.idx.msk [tilespmem:v0+s19+$0x20 ss:$0x1], $0xffff  }
0x2a: {  	s31 =	sshll.u32 s18, $0x7;
	v1 =	vld.idx.msk [tilespmem:v0+s19+$0x30 ss:$0x1], $0xffff  }
0x2b: {  	s18 =	sand.u32 $0x3FFFFF80, s31;
	v2 =	vld.idx.msk [tilespmem:v0+s19+$0x40 ss:$0x1], $0xffff  }
0x2c: {  	s18 =	sadd.s32 s18, s15;
	v3 =	vld.idx.msk [tilespmem:v0+s19+$0x50 ss:$0x1], $0xffff  }
0x2d: {  	v4 =	vld.idx.msk [tilespmem:v0+s19+$0x60 ss:$0x1], $0xffff;
	[tilespmem:v0+s18+$0x70 ss:$0x1] =	vst.idx.msk $0xffff, v5  }
0x2e: {  	v5 =	vld.idx.msk [tilespmem:v0+s19+$0x0 ss:$0x1], $0xffff;
	[tilespmem:v0+s18+$0x10 ss:$0x1] =	vst.idx.msk $0xffff, v6;
	s19 =	sadd.s32 $0x80, s19  }
0x2f: {  	p0 =	por p1, p1;
	s20 =	simm.s32 $0x6;
	[tilespmem:v0+s18+$0x20 ss:$0x1] =	vst.idx.msk $0xffff, v7;
	v6 =	vld.idx.msk [tilespmem:v0+s19+$0x70 ss:$0x1], $0xffff  }
.LBB1_5:
0x30: {  	p1 =	sne.s32 s20, $0x1;
	v7 =	vld.idx.msk [tilespmem:v0+s19+$0x10 ss:$0x1], $0xffff;
	[tilespmem:v0+s18+$0x30 ss:$0x1] =	vst.idx.msk $0xffff, v1  }
0x31: {  	v8 =	vld.idx.msk [tilespmem:v0+s19+$0x20 ss:$0x1], $0xffff;
	[tilespmem:v0+s18+$0x40 ss:$0x1] =	vst.idx.msk $0xffff, v2  }
0x32: {  	v1 =	vld.idx.msk [tilespmem:v0+s19+$0x30 ss:$0x1], $0xffff;
	[tilespmem:v0+s18+$0x50 ss:$0x1] =	vst.idx.msk $0xffff, v3  }
.Ltmp3:
0x33: {  	v2 =	vld.idx.msk [tilespmem:v0+s19+$0x40 ss:$0x1], $0xffff;
	[tilespmem:v0+s18+$0x60 ss:$0x1] =	vst.idx.msk $0xffff, v4;
	(pc) =	sbr.rel @p1 .LBB1_5-.Ltmp3, $4  }
0x34: {  	v3 =	vld.idx.msk [tilespmem:v0+s19+$0x50 ss:$0x1], $0xffff;
	[tilespmem:v0+s18+$0x0 ss:$0x1] =	vst.idx.msk $0xffff, v5;
	s18 =	sadd.s32 $0x100, s18  }
0x35: {  	v4 =	vld.idx.msk [tilespmem:v0+s19+$0x60 ss:$0x1], $0xffff;
	[tilespmem:v0+s18+$0x70 ss:$0x1] =	vst.idx.msk $0xffff, v6  }
0x36: {  	v5 =	vld.idx.msk [tilespmem:v0+s19+$0x0 ss:$0x1], $0xffff;
	[tilespmem:v0+s18+$0x10 ss:$0x1] =	vst.idx.msk $0xffff, v7;
	s19 =	sadd.s32 $0x80, s19  }
0x37: {  	s20 =	sadd.s32 $0xFFFFFFFF, s20;
	v6 =	vld.idx.msk [tilespmem:v0+s19+$0x70 ss:$0x1], $0xffff;
	[tilespmem:v0+s18+$0x20 ss:$0x1] =	vst.idx.msk $0xffff, v8  }
0x38: {  	_ =	sdelay $0x3  }
0x39: {  	[tilespmem:v0+s18+$0x30 ss:$0x1] =	vst.idx.msk $0xffff, v1  }
0x3a: {  	v1 =	vld.idx.msk [tilespmem:v0+s19+$0x10 ss:$0x1], $0xffff;
	[tilespmem:v0+s18+$0x40 ss:$0x1] =	vst.idx.msk $0xffff, v2  }
0x3b: {  	v2 =	vld.idx.msk [tilespmem:v0+s19+$0x20 ss:$0x1], $0xffff;
	[tilespmem:v0+s18+$0x50 ss:$0x1] =	vst.idx.msk $0xffff, v3  }
0x3c: {  	v61 =	vld.idx.msk [tilespmem:v0+s19+$0x40 ss:$0x1], $0xffff;
	[tilespmem:v0+s18+$0x60 ss:$0x1] =	vst.idx.msk $0xffff, v4  }
0x3d: {  	s31 =	sadd.s32 $0x100, s18;
	v62 =	vld.idx.msk [tilespmem:v0+s19+$0x50 ss:$0x1], $0xffff;
	[tilespmem:v0+s18+$0x0 ss:$0x1] =	vst.idx.msk $0xffff, v5  }
0x3e: {  	v63 =	vld.idx.msk [tilespmem:v0+s19+$0x60 ss:$0x1], $0xffff;
	[tilespmem:v0+s31+$0x70 ss:$0x1] =	vst.idx.msk $0xffff, v6  }
0x3f: {  	v3 =	vld.idx.msk [tilespmem:v0+s19+$0x30 ss:$0x1], $0xffff;
	[tilespmem:v0+s31+$0x10 ss:$0x1] =	vst.idx.msk $0xffff, v1  }
0x40: {  	v1 =	vld.idx.msk [tilespmem:v0+s19+$0x0 ss:$0x1], $0xffff;
	[tilespmem:v0+s31+$0x20 ss:$0x1] =	vst.idx.msk $0xffff, v2  }
.Ltmp4:
0x41: {  	[tilespmem:v0+s31+$0x40 ss:$0x1] =	vst.idx.msk $0xffff, v61;
	(pc) =	sbr.rel @p0 .LBB1_4-.Ltmp4, $4  }
0x42: {  	[tilespmem:v0+s31+$0x50 ss:$0x1] =	vst.idx.msk $0xffff, v62  }
0x43: {  	[tilespmem:v0+s31+$0x60 ss:$0x1] =	vst.idx.msk $0xffff, v63  }
0x44: {  	[tilespmem:v0+s31+$0x30 ss:$0x1] =	vst.idx.msk $0xffff, v3  }
0x45: {  	p1 =	por $0x0, $0x0;
	s18 =	simm.s32 $0x1;
	[tilespmem:v0+s31+$0x0 ss:$0x1] =	vst.idx.msk $0xffff, v1  }
0x46: {  	s17 =	sadd.s32 $0x1, s17  }
0x47: {  	p0 =	sne.s32 s17, $0x8  }
.Ltmp5:
0x48: {  	_ = 	snop;
	(pc) =	sbr.rel @p0 .LBB1_3-.Ltmp5, $2  }
0x49: {  	_ =	sdelay $0x2  }
0x4a: {  	s16 =	sadd.s32 $0x2000, s16  }
.Ltmp6:
0x4b: {  	(pc) =	sbr.rel .LBB1_9-.Ltmp6, $4  }
0x4c: {  	_ = 	snop  }
0x4d: {  	s12 =	sshll.u32 s12, $0x8  }
0x4e: {  	s12 =	sadd.s32 s4, s12  }
0x4f: {  	[hbm4b:s12+s8] =	stream.linear.scatter [tilespmem:s13], [sflag:$0x2], $0x4000, $0x38;
	[tilespmem:$0x10000] =	vst v63  }
.LBB1_10:
0x50: {  	_ =	sfence.sel $0x180000  }
0x51: {  	s2 =	simm.s32 $0x1;
	[bflag:$0x0] =	sbarrier.arrive $0xFFFF  }
0x52: {  	s31 =	simm.s32 $0x2;
	[sflag:s2] =	ssyncpa.u1 $0x1  }
0x53: {  	[sflag:s31] =	ssyncpa.u1 $0x1  }
0x54: {  	p0 =	sne.s32 s0, $0x0;
	_ =	strace $0x90000047  }
0x55: {  	s0 =	sadd.s32 @!p0 $0x100000, s1;
	[bflag:$0x2] =	sbarrier.arrive $0xFFFF  }
0x56: {  	[sflag:s0] =	ssyncadd.tile.s32 @!p0 $0x1;
	_ =	shalt  }
.Lfunc_end1:
_tile_overlayer_lowered:
.L_overlay_start_2:
0x57: {  	(tag) =	ssettag $0x2  }
0x58: {  	s0 =	rddreg [dreg:$0x0];
	s2 =	stileid.u32  }
0x59: {  	s1 =	rddreg [dreg:$0x1];
	p0 =	sne.s32 s2, $0x0  }
0x5a: {  	s3 =	rddreg [dreg:$0x2];
	[bflag:$0x3] =	sbarrier.arrive $0xFFFF;
	s2 =	simm.s32 @!p0 $0x1C01  }
0x5b: {  	[timem:s3], [sflag:s2] =	dma.local @!p0 [hbm:s0], s1  }
0x5c: {  	s0 =	simm.s32 @!p0 $0x1  }
0x5d: {  	_ =	swait.ge @!p0 [sflag:s0], s1  }
0x5e: {  	s1 =	ssub.s32 @!p0 $0x0, s1;
	[sflag:s0] =	ssyncset.done @!p0 $0x0  }
0x5f: {  	[sflag:s0] =	ssyncadd.s32 @!p0 s1  }
0x60: {  	[bflag:$0x3] =	sbarrier.arrive $0xFFFF  }
0x61: {  	_ =	shalt  }

</sc_bundles>
